<compile_context>
chip_gen: v7x
topology: tpu7x:2x2x1
jax: 0.10.2.dev20260603
libtpu: 0.0.44.dev20260713+nightly
codegen_flags: <defaults>
</compile_context>

<pallas_src>
import functools

import jax
import jax.numpy as jnp
from jax import lax
from jax.experimental import pallas as pl
from jax.experimental.pallas import tpu as pltpu
from jax.experimental.pallas import tpu_sc as plsc

N = 10000
D = 128
H = 128
NP = 10240
TRASH = 10000
NC = 2
NS = 16
L = 16
NW = NC * NS
CH = 128
CPT = 80
EP = NW * CPT * CH
NCH = EP // CH
BLKN = 1024
TGN = NP // BLKN
NPS = NP // NS

_mesh = plsc.VectorSubcoreMesh(
    core_axis_name="c", subcore_axis_name="s", num_cores=NC, num_subcores=NS
)


@functools.partial(
    pl.kernel,
    out_type=jax.ShapeDtypeStruct((NC, NP), jnp.float32),
    mesh=_mesh,
    scratch_types=[
        pltpu.VMEM((CPT, CH), jnp.int32),
        pltpu.VMEM((CH,), jnp.float32),
        pltpu.VMEM_SHARED((NP,), jnp.float32),
    ],
)
def _deg_kernel(dst2d, zeros_np, deg_out, didx, ones, deg_sp):
    cid = lax.axis_index("c")
    sid = lax.axis_index("s")
    wid = cid * NS + sid
    for j in range(CH // L):
        ones[pl.ds(j * L, L)] = jnp.ones((L,), jnp.float32)
    pltpu.sync_copy(dst2d.at[pl.ds(wid * CPT, CPT)], didx)

    @pl.when(sid == 0)
    def _():
        pltpu.sync_copy(zeros_np, deg_sp)

    plsc.subcore_barrier()

    def body(k, carry):
        pltpu.sync_copy(ones, deg_sp.at[didx.at[k]], add=True)
        return carry

    lax.fori_loop(0, CPT, body, 0)
    plsc.subcore_barrier()
    pltpu.sync_copy(
        deg_sp.at[pl.ds(sid * NPS, NPS)],
        deg_out.at[cid, pl.ds(sid * NPS, NPS)],
    )


GRP = 16
NGA = NCH // NW // GRP


@functools.partial(
    pl.kernel,
    out_type=jax.ShapeDtypeStruct((NC, NP, H), jnp.float32),
    mesh=_mesh,
    scratch_types=[
        pltpu.VMEM((2, GRP, CH), jnp.int32),
        pltpu.VMEM((2, GRP, CH), jnp.int32),
        pltpu.VMEM((2, CH, H), jnp.float32),
        pltpu.VMEM_SHARED((NP, H), jnp.float32),
        pltpu.SemaphoreType.DMA,
        pltpu.SemaphoreType.DMA,
        pltpu.SemaphoreType.DMA,
    ],
)
def _agg_kernel(src2d, dst2d, u_hbm, acc_out,
                sidx, didx, rows, acc_sp, sem0, sem1, isem):
    cid = lax.axis_index("c")
    sid = lax.axis_index("s")
    wid = cid * NS + sid
    start = wid * (NGA * GRP)

    pltpu.sync_copy(src2d.at[pl.ds(start, GRP)], sidx.at[0])
    pltpu.sync_copy(dst2d.at[pl.ds(start, GRP)], didx.at[0])

    @pl.when(sid == 0)
    def _():
        pltpu.sync_copy(u_hbm, acc_sp)

    plsc.subcore_barrier()

    def gbody(g, carry):
        p = lax.rem(g, 2)
        pnx = lax.rem(g + 1, 2)
        nbase = start + (g + 1) * GRP

        @pl.when(g + 1 < NGA)
        def _():
            pltpu.async_copy(src2d.at[pl.ds(nbase, GRP)], sidx.at[pnx], isem)
            pltpu.async_copy(dst2d.at[pl.ds(nbase, GRP)], didx.at[pnx], isem)

        sx = sidx.at[p]
        dx = didx.at[p]
        pltpu.async_copy(u_hbm.at[sx.at[0]], rows.at[0], sem0)

        def body(i, c2):
            k0 = i * 2
            pltpu.async_copy(u_hbm.at[sx.at[k0 + 1]], rows.at[1], sem1)
            pltpu.make_async_copy(
                u_hbm.at[sx.at[k0]], rows.at[0], sem0).wait()
            pltpu.sync_copy(rows.at[0], acc_sp.at[dx.at[k0]], add=True)

            @pl.when(k0 + 2 < GRP)
            def _():
                pltpu.async_copy(u_hbm.at[sx.at[k0 + 2]], rows.at[0], sem0)

            pltpu.make_async_copy(
                u_hbm.at[sx.at[k0 + 1]], rows.at[1], sem1).wait()
            pltpu.sync_copy(rows.at[1], acc_sp.at[dx.at[k0 + 1]], add=True)
            return c2

        lax.fori_loop(0, GRP // 2, body, 0)

        @pl.when(g + 1 < NGA)
        def _():
            pltpu.make_async_copy(
                src2d.at[pl.ds(nbase, GRP)], sidx.at[pnx], isem).wait()
            pltpu.make_async_copy(
                dst2d.at[pl.ds(nbase, GRP)], didx.at[pnx], isem).wait()

        return carry

    lax.fori_loop(0, NGA, gbody, 0)
    plsc.subcore_barrier()
    pltpu.sync_copy(
        acc_sp.at[pl.ds(sid * NPS, NPS)],
        acc_out.at[cid, pl.ds(sid * NPS, NPS)],
    )


@functools.partial(
    pl.kernel,
    out_type=jax.ShapeDtypeStruct((NC, NP), jnp.float32),
    mesh=_mesh,
    scratch_types=[
        pltpu.VMEM((CPT, CH), jnp.int32),
        pltpu.VMEM((CPT, CH), jnp.int32),
        pltpu.VMEM((8, CH), jnp.float32),
        pltpu.VMEM_SHARED((NP,), jnp.float32),
        pltpu.SemaphoreType.DMA((8,)),
        pltpu.SemaphoreType.DMA((8,)),
    ],
)
def _agg2_kernel(src2d, dst2d, v_hbm, zeros_np, agg_out,
                 sidx, didx, vals, agg_sp, gsem, ssem):
    cid = lax.axis_index("c")
    sid = lax.axis_index("s")
    wid = cid * NS + sid
    pltpu.sync_copy(src2d.at[pl.ds(wid * CPT, CPT)], sidx)
    pltpu.sync_copy(dst2d.at[pl.ds(wid * CPT, CPT)], didx)

    @pl.when(sid == 0)
    def _():
        pltpu.sync_copy(zeros_np, agg_sp)

    plsc.subcore_barrier()

    def wave(w, carry):
        k0 = w * 8
        for b in range(8):
            pltpu.async_copy(
                v_hbm.at[sidx.at[k0 + b]], vals.at[b], gsem.at[b])
        for b in range(8):
            pltpu.make_async_copy(
                v_hbm.at[sidx.at[k0 + b]], vals.at[b], gsem.at[b]).wait()
            pltpu.async_copy(
                vals.at[b], agg_sp.at[didx.at[k0 + b]], ssem.at[b],
                add=True)
        for b in range(8):
            pltpu.make_async_copy(
                vals.at[b], agg_sp.at[didx.at[k0 + b]], ssem.at[b]).wait()
        return carry

    lax.fori_loop(0, CPT // 8, wave, 0)
    plsc.subcore_barrier()
    pltpu.sync_copy(
        agg_sp.at[pl.ds(sid * NPS, NPS)],
        agg_out.at[cid, pl.ds(sid * NPS, NPS)],
    )


def _mm1_body(x_ref, w_ref, dg_ref, u_ref, dinv_ref):
    h = jnp.dot(x_ref[...], w_ref[...], preferred_element_type=jnp.float32)
    degrow = dg_ref[0:1, :] + dg_ref[1:2, :] + 1.0
    dinvrow = lax.rsqrt(degrow)
    dinvcol = jnp.transpose(dinvrow, (1, 0))
    u_ref[...] = h * dinvcol
    dinv_ref[...] = jnp.reshape(dinvrow, (BLKN,))


_mm1 = pl.pallas_call(
    _mm1_body,
    grid=(TGN,),
    in_specs=[
        pl.BlockSpec((BLKN, D), lambda i: (i, 0)),
        pl.BlockSpec((D, H), lambda i: (0, 0)),
        pl.BlockSpec((2, BLKN), lambda i: (0, i)),
    ],
    out_specs=[
        pl.BlockSpec((BLKN, H), lambda i: (i, 0)),
        pl.BlockSpec((BLKN,), lambda i: (i,)),
    ],
    out_shape=[
        jax.ShapeDtypeStruct((NP, H), jnp.float32),
        jax.ShapeDtypeStruct((NP,), jnp.float32),
    ],
)


def _mm2_body(a0_ref, a1_ref, u_ref, dinv_ref, w2_ref, b1_ref, v_ref):
    dinvrow = jnp.reshape(dinv_ref[...], (1, BLKN))
    dinvcol = jnp.transpose(dinvrow, (1, 0))
    acc = a0_ref[0] + a1_ref[0] - u_ref[...]
    a = jnp.maximum(dinvcol * acc + b1_ref[...], 0.0)
    zrow = lax.dot_general(
        w2_ref[...], a, (((0,), (1,)), ((), ())),
        preferred_element_type=jnp.float32)
    v_ref[...] = jnp.reshape(zrow * dinvrow, (BLKN,))


_mm2 = pl.pallas_call(
    _mm2_body,
    grid=(TGN,),
    in_specs=[
        pl.BlockSpec((1, BLKN, H), lambda i: (0, i, 0)),
        pl.BlockSpec((1, BLKN, H), lambda i: (1, i, 0)),
        pl.BlockSpec((BLKN, H), lambda i: (i, 0)),
        pl.BlockSpec((BLKN,), lambda i: (i,)),
        pl.BlockSpec((H, 1), lambda i: (0, 0)),
        pl.BlockSpec((1, H), lambda i: (0, 0)),
    ],
    out_specs=pl.BlockSpec((BLKN,), lambda i: (i,)),
    out_shape=jax.ShapeDtypeStruct((NP,), jnp.float32),
)


def _fin_body(ag_ref, v_ref, dinv_ref, b2_ref, o_ref):
    dinvrow = jnp.reshape(dinv_ref[...], (1, NP))[:, :N]
    vrow = jnp.reshape(v_ref[...], (1, NP))[:, :N]
    aggrow = ag_ref[0:1, :N] + ag_ref[1:2, :N]
    orow = dinvrow * (aggrow + vrow) + b2_ref[...]
    o_ref[...] = jnp.transpose(orow, (1, 0))


_fin = pl.pallas_call(
    _fin_body,
    grid=(1,),
    in_specs=[
        pl.BlockSpec((2, NP), lambda i: (0, 0)),
        pl.BlockSpec((NP,), lambda i: (0,)),
        pl.BlockSpec((NP,), lambda i: (0,)),
        pl.BlockSpec((1, 1), lambda i: (0, 0)),
    ],
    out_specs=pl.BlockSpec((N, 1), lambda i: (0, 0)),
    out_shape=jax.ShapeDtypeStruct((N, 1), jnp.float32),
)


def kernel(x, edge_index, W1, b1, W2, b2):
    e = edge_index.shape[1]
    pad_i = jnp.arange(EP - e, dtype=jnp.int32)
    dst = edge_index[1].astype(jnp.int32)
    pad_dst = TRASH + lax.rem(pad_i, jnp.int32(NP - N))
    dst2d = jnp.concatenate([dst, pad_dst]).reshape(NCH, CH)
    zeros_np = jnp.zeros((NP,), jnp.float32)
    degp = _deg_kernel(dst2d, zeros_np)

    ei2, _ = lax.optimization_barrier((edge_index, dst2d))
    src = ei2[0].astype(jnp.int32)
    pad_src = lax.rem(pad_i, jnp.int32(N))
    src2d = jnp.concatenate([src, pad_src]).reshape(NCH, CH)

    x_p = jnp.concatenate(
        [x.astype(jnp.float32), jnp.zeros((NP - N, D), jnp.float32)]
    )
    u, dinv = _mm1(x_p, W1, degp)
    accp = _agg_kernel(src2d, dst2d, u)
    v = _mm2(accp, accp, u, dinv, W2, b1.reshape(1, H))
    aggp = _agg2_kernel(src2d, dst2d, v, zeros_np)
    return _fin(aggp, v, dinv, b2.reshape(1, 1))

# --- scband reference (transcript-rebuilt; emitter-appended) ---
"""Pipeline reference for scband-gcnregressor-64347200028746 (READ-ONLY COPY).

The authoritative reference and input builder live on the scoring server;
editing this copy changes nothing except your own understanding.
"""

import jax, jax.numpy as jnp
import numpy as np

N = 10000
E = 320000
D = 128
H = 128


def setup_inputs(seed: int = 0) -> dict:
    key = jax.random.key(seed)
    k1, k2, k3, k4 = jax.random.split(key, 4)
    x = jax.random.normal(k1, (N, D), dtype=jnp.float32)
    edge_index = jax.random.randint(k2, (2, E), 0, N)
    W1 = jax.random.normal(k3, (D, H), dtype=jnp.float32) * (1.0 / np.sqrt(D))
    b1 = jnp.zeros((H,), dtype=jnp.float32)
    W2 = jax.random.normal(k4, (H, 1), dtype=jnp.float32) * (1.0 / np.sqrt(H))
    b2 = jnp.zeros((1,), dtype=jnp.float32)
    return {"x": x, "edge_index": edge_index, "W1": W1, "b1": b1, "W2": W2, "b2": b2}


def gcn_conv(x, src, dst, W, b):
    n = x.shape[0]
    # add self loops (PyG GCNConv default add_self_loops=True)
    loop = jnp.arange(n, dtype=src.dtype)
    s = jnp.concatenate([src, loop])
    d = jnp.concatenate([dst, loop])
    # symmetric normalization: deg computed by scatter-add at dst
    deg = jnp.zeros((n,), dtype=x.dtype).at[d].add(1.0)
    dinv = jnp.where(deg > 0, 1.0 / jnp.sqrt(deg), 0.0)
    norm = dinv[s] * dinv[d]
    h = x @ W
    msg = h[s] * norm[:, None]
    out = jax.ops.segment_sum(msg, d, num_segments=n)
    return out + b


def reference(x, edge_index, W1, b1, W2, b2):
    src = edge_index[0]
    dst = edge_index[1]
    h = gcn_conv(x, src, dst, W1, b1)
    h = jax.nn.relu(h)
    # F.dropout in eval mode is identity (deterministic reference)
    out = gcn_conv(h, src, dst, W2, b2)
    return out

if __name__ == "__main__":
    import jax
    _d = setup_inputs()
    print(jax.jit(kernel)(*tuple(_d.values())))

</pallas_src>

<mosaic_0001>
#map = affine_map<(d0, d1) -> (0, 0)>
#map1 = affine_map<(d0, d1) -> (0)>
module attributes {stable_mosaic.version = 14 : i64} {
  func.func @_deg_kernel(%arg0: i32, %arg1: i32, %arg2: memref<2560x128xi32, #tpu.memory_space<hbm>>, %arg3: memref<10240xf32, #tpu.memory_space<hbm>>, %arg4: memref<2x10240xf32, #tpu.memory_space<hbm>>, %arg5: memref<80x128xi32, #tpu.memory_space<vmem>>, %arg6: memref<128xf32, #tpu.memory_space<vmem>>, %arg7: memref<10240xf32, #tpu.memory_space<vmem_shared>>) attributes {dimension_semantics = [#tpu.dimension_semantics<core_parallel>, #tpu.dimension_semantics<subcore_parallel>], iteration_bounds = array<i64: 2, 16>, scalar_prefetch = 0 : i64, scratch_operands = 3 : i64, tpu.core_type = #tpu.core_type<sc_vector_subcore>, window_params = [{transform_indices = #map}, {transform_indices = #map1}, {transform_indices = #map}]} {
    %mul3A = arith.constant 16 : i32
    %mul3A_0 = arith.muli %arg0, %mul3A : i32
    %add3A = arith.addi %mul3A_0, %arg1 : i32
    %broadcast_in_dim3A = arith.constant 1.000000e+00 : f32
    %broadcast_in_dim3A_1 = vector.broadcast %broadcast_in_dim3A : f32 to vector<16xf32>
    %swap3A = arith.constant 0 : index
    %swap3A_2 = tpu.vector_load %arg6[%swap3A] {strides = array<i32>} : memref<128xf32, #tpu.memory_space<vmem>>, vector<16xf32>,
    %swap3A_3 = vector.shape_cast %swap3A_2 : vector<16xf32> to vector<16xf32>
    %swap3A_4 = vector.shape_cast %broadcast_in_dim3A_1 : vector<16xf32> to vector<16xf32>
    tpu.vector_store %arg6[%swap3A], %swap3A_4 {strides = array<i32>} : memref<128xf32, #tpu.memory_space<vmem>>, vector<16xf32>,
    %broadcast_in_dim3A_5 = arith.constant 1.000000e+00 : f32
    %broadcast_in_dim3A_6 = vector.broadcast %broadcast_in_dim3A_5 : f32 to vector<16xf32>
    %swap3A_7 = arith.constant 16 : index
    %swap3A_8 = tpu.vector_load %arg6[%swap3A_7] {strides = array<i32>} : memref<128xf32, #tpu.memory_space<vmem>>, vector<16xf32>,
    %swap3A_9 = vector.shape_cast %swap3A_8 : vector<16xf32> to vector<16xf32>
    %swap3A_10 = vector.shape_cast %broadcast_in_dim3A_6 : vector<16xf32> to vector<16xf32>
    tpu.vector_store %arg6[%swap3A_7], %swap3A_10 {strides = array<i32>} : memref<128xf32, #tpu.memory_space<vmem>>, vector<16xf32>,
    %broadcast_in_dim3A_11 = arith.constant 1.000000e+00 : f32
    %broadcast_in_dim3A_12 = vector.broadcast %broadcast_in_dim3A_11 : f32 to vector<16xf32>
    %swap3A_13 = arith.constant 32 : index
    %swap3A_14 = tpu.vector_load %arg6[%swap3A_13] {strides = array<i32>} : memref<128xf32, #tpu.memory_space<vmem>>, vector<16xf32>,
    %swap3A_15 = vector.shape_cast %swap3A_14 : vector<16xf32> to vector<16xf32>
    %swap3A_16 = vector.shape_cast %broadcast_in_dim3A_12 : vector<16xf32> to vector<16xf32>
    tpu.vector_store %arg6[%swap3A_13], %swap3A_16 {strides = array<i32>} : memref<128xf32, #tpu.memory_space<vmem>>, vector<16xf32>,
    %broadcast_in_dim3A_17 = arith.constant 1.000000e+00 : f32
    %broadcast_in_dim3A_18 = vector.broadcast %broadcast_in_dim3A_17 : f32 to vector<16xf32>
    %swap3A_19 = arith.constant 48 : index
    %swap3A_20 = tpu.vector_load %arg6[%swap3A_19] {strides = array<i32>} : memref<128xf32, #tpu.memory_space<vmem>>, vector<16xf32>,
    %swap3A_21 = vector.shape_cast %swap3A_20 : vector<16xf32> to vector<16xf32>
    %swap3A_22 = vector.shape_cast %broadcast_in_dim3A_18 : vector<16xf32> to vector<16xf32>
    tpu.vector_store %arg6[%swap3A_19], %swap3A_22 {strides = array<i32>} : memref<128xf32, #tpu.memory_space<vmem>>, vector<16xf32>,
    %broadcast_in_dim3A_23 = arith.constant 1.000000e+00 : f32
    %broadcast_in_dim3A_24 = vector.broadcast %broadcast_in_dim3A_23 : f32 to vector<16xf32>
    %swap3A_25 = arith.constant 64 : index
    %swap3A_26 = tpu.vector_load %arg6[%swap3A_25] {strides = array<i32>} : memref<128xf32, #tpu.memory_space<vmem>>, vector<16xf32>,
    %swap3A_27 = vector.shape_cast %swap3A_26 : vector<16xf32> to vector<16xf32>
    %swap3A_28 = vector.shape_cast %broadcast_in_dim3A_24 : vector<16xf32> to vector<16xf32>
    tpu.vector_store %arg6[%swap3A_25], %swap3A_28 {strides = array<i32>} : memref<128xf32, #tpu.memory_space<vmem>>, vector<16xf32>,
    %broadcast_in_dim3A_29 = arith.constant 1.000000e+00 : f32
    %broadcast_in_dim3A_30 = vector.broadcast %broadcast_in_dim3A_29 : f32 to vector<16xf32>
    %swap3A_31 = arith.constant 80 : index
    %swap3A_32 = tpu.vector_load %arg6[%swap3A_31] {strides = array<i32>} : memref<128xf32, #tpu.memory_space<vmem>>, vector<16xf32>,
    %swap3A_33 = vector.shape_cast %swap3A_32 : vector<16xf32> to vector<16xf32>
    %swap3A_34 = vector.shape_cast %broadcast_in_dim3A_30 : vector<16xf32> to vector<16xf32>
    tpu.vector_store %arg6[%swap3A_31], %swap3A_34 {strides = array<i32>} : memref<128xf32, #tpu.memory_space<vmem>>, vector<16xf32>,
    %broadcast_in_dim3A_35 = arith.constant 1.000000e+00 : f32
    %broadcast_in_dim3A_36 = vector.broadcast %broadcast_in_dim3A_35 : f32 to vector<16xf32>
    %swap3A_37 = arith.constant 96 : index
    %swap3A_38 = tpu.vector_load %arg6[%swap3A_37] {strides = array<i32>} : memref<128xf32, #tpu.memory_space<vmem>>, vector<16xf32>,
    %swap3A_39 = vector.shape_cast %swap3A_38 : vector<16xf32> to vector<16xf32>
    %swap3A_40 = vector.shape_cast %broadcast_in_dim3A_36 : vector<16xf32> to vector<16xf32>
    tpu.vector_store %arg6[%swap3A_37], %swap3A_40 {strides = array<i32>} : memref<128xf32, #tpu.memory_space<vmem>>, vector<16xf32>,
    %broadcast_in_dim3A_41 = arith.constant 1.000000e+00 : f32
    %broadcast_in_dim3A_42 = vector.broadcast %broadcast_in_dim3A_41 : f32 to vector<16xf32>
    %swap3A_43 = arith.constant 112 : index
    %swap3A_44 = tpu.vector_load %arg6[%swap3A_43] {strides = array<i32>} : memref<128xf32, #tpu.memory_space<vmem>>, vector<16xf32>,
    %swap3A_45 = vector.shape_cast %swap3A_44 : vector<16xf32> to vector<16xf32>
    %swap3A_46 = vector.shape_cast %broadcast_in_dim3A_42 : vector<16xf32> to vector<16xf32>
    tpu.vector_store %arg6[%swap3A_43], %swap3A_46 {strides = array<i32>} : memref<128xf32, #tpu.memory_space<vmem>>, vector<16xf32>,
    %mul3A_47 = arith.constant 80 : i32
    %mul3A_48 = arith.muli %add3A, %mul3A_47 : i32
    "tpu.region"() ({
      %run_scoped3A = tpu.sem_alloc : memref<!tpu.dma_semaphore, #tpu.memory_space<semaphore_mem>>
      %dma_start3A = arith.constant 0 : i32
      %dma_start3A_61 = tpu.memref_slice %arg2[%mul3A_48, %dma_start3A] : memref<2560x128xi32, #tpu.memory_space<hbm>> -> memref<80x128xi32, #tpu.memory_space<hbm>>
      %dma_start3A_62 = arith.constant 0 : i32
      %dma_start3A_63 = tpu.memref_slice %arg2[%mul3A_48, %dma_start3A_62] : memref<2560x128xi32, #tpu.memory_space<hbm>> -> memref<80x128xi32, #tpu.memory_space<hbm>>
      tpu.enqueue_dma source(%dma_start3A_63 : memref<80x128xi32, #tpu.memory_space<hbm>>) target(%arg5 : memref<80x128xi32, #tpu.memory_space<vmem>>) target_semaphore(%run_scoped3A : memref<!tpu.dma_semaphore, #tpu.memory_space<semaphore_mem>>)
      %dma_wait3A = arith.constant 0 : i32
      %dma_wait3A_64 = tpu.memref_slice %arg2[%mul3A_48, %dma_wait3A] : memref<2560x128xi32, #tpu.memory_space<hbm>> -> memref<80x128xi32, #tpu.memory_space<hbm>>
      %dma_wait3A_65 = arith.constant 0 : i32
      %dma_wait3A_66 = tpu.memref_slice %arg2[%mul3A_48, %dma_wait3A_65] : memref<2560x128xi32, #tpu.memory_space<hbm>> -> memref<80x128xi32, #tpu.memory_space<hbm>>
      tpu.wait_dma2 semaphore(%run_scoped3A : memref<!tpu.dma_semaphore, #tpu.memory_space<semaphore_mem>>) src(%dma_wait3A_66 : memref<80x128xi32, #tpu.memory_space<hbm>>) dst(%arg5 : memref<80x128xi32, #tpu.memory_space<vmem>>)
      tpu.yield
    }) : () -> ()
    %eq3A = arith.constant 0 : i32
    %eq3A_49 = arith.cmpi eq, %arg1, %eq3A : i32
    %convert_element_type3A = arith.extui %eq3A_49 : i1 to i32
    %cond3A = arith.constant 0 : i32
    %cond3A_50 = arith.cmpi ne, %convert_element_type3A, %cond3A : i32
    scf.if %cond3A_50 {
      "tpu.region"() ({
        %run_scoped3A = tpu.sem_alloc : memref<!tpu.dma_semaphore, #tpu.memory_space<semaphore_mem>>
        tpu.enqueue_dma source(%arg3 : memref<10240xf32, #tpu.memory_space<hbm>>) target(%arg7 : memref<10240xf32, #tpu.memory_space<vmem_shared>>) target_semaphore(%run_scoped3A : memref<!tpu.dma_semaphore, #tpu.memory_space<semaphore_mem>>)
        tpu.wait_dma2 semaphore(%run_scoped3A : memref<!tpu.dma_semaphore, #tpu.memory_space<semaphore_mem>>) src(%arg3 : memref<10240xf32, #tpu.memory_space<hbm>>) dst(%arg7 : memref<10240xf32, #tpu.memory_space<vmem_shared>>)
        tpu.yield
      }) : () -> ()
    } else {
    }
    %barrier3A = arith.constant 0 : index
    tpu.barrier barrier_id(%barrier3A)
    %scan3A = arith.constant 0 : i32
    %scan3A_51 = arith.constant 0 : i32
    %scan3A_52 = arith.constant 80 : i32
    %scan3A_53 = arith.addi %scan3A_51, %scan3A_52 : i32
    %scan3A_54 = arith.constant 1 : i32
    scf.for %scan3A_61 = %scan3A_51 to %scan3A_53 step %scan3A_54  : i32 {
      "tpu.region"() ({
        %run_scoped3A = tpu.sem_alloc : memref<!tpu.dma_semaphore, #tpu.memory_space<semaphore_mem>>
        %dma_start3A = arith.constant 0 : i32
        %dma_start3A_62 = tpu.memref_slice %arg5[%scan3A_61, %dma_start3A] : memref<80x128xi32, #tpu.memory_space<vmem>> -> memref<1x128xi32, #tpu.memory_space<vmem>>
        %dma_start3A_63 = tpu.memref_squeeze %dma_start3A_62 : memref<1x128xi32, #tpu.memory_space<vmem>> -> memref<128xi32, #tpu.memory_space<vmem>>
        %dma_start3A_64 = arith.constant 0 : i32
        %dma_start3A_65 = tpu.memref_slice %arg7[%dma_start3A_64] : memref<10240xf32, #tpu.memory_space<vmem_shared>> -> memref<10240xf32, #tpu.memory_space<vmem_shared>>
        tpu.enqueue_indirect_dma source(%arg6 : memref<128xf32, #tpu.memory_space<vmem>>) target(%dma_start3A_65 : memref<10240xf32, #tpu.memory_space<vmem_shared>>) offsets(%dma_start3A_63 : memref<128xi32, #tpu.memory_space<vmem>>) semaphore(%run_scoped3A : memref<!tpu.dma_semaphore, #tpu.memory_space<semaphore_mem>>) {add = true}
        %dma_wait3A = arith.constant 0 : i32
        %dma_wait3A_66 = tpu.memref_slice %arg5[%scan3A_61, %dma_wait3A] : memref<80x128xi32, #tpu.memory_space<vmem>> -> memref<1x128xi32, #tpu.memory_space<vmem>>
        %dma_wait3A_67 = tpu.memref_squeeze %dma_wait3A_66 : memref<1x128xi32, #tpu.memory_space<vmem>> -> memref<128xi32, #tpu.memory_space<vmem>>
        %dma_wait3A_68 = arith.constant 0 : i32
        %dma_wait3A_69 = tpu.memref_slice %arg7[%dma_wait3A_68] : memref<10240xf32, #tpu.memory_space<vmem_shared>> -> memref<10240xf32, #tpu.memory_space<vmem_shared>>
        tpu.wait_indirect_dma semaphore(%run_scoped3A : memref<!tpu.dma_semaphore, #tpu.memory_space<semaphore_mem>>) src(%arg6 : memref<128xf32, #tpu.memory_space<vmem>>) dst(%dma_wait3A_69 : memref<10240xf32, #tpu.memory_space<vmem_shared>>)
        tpu.yield
      }) : () -> ()
    }
    %scan3A_55 = arith.constant 80 : i32
    %barrier3A_56 = arith.constant 0 : index
    tpu.barrier barrier_id(%barrier3A_56)
    %mul3A_57 = arith.constant 640 : i32
    %mul3A_58 = arith.muli %arg1, %mul3A_57 : i32
    %mul3A_59 = arith.constant 640 : i32
    %mul3A_60 = arith.muli %arg1, %mul3A_59 : i32
    "tpu.region"() ({
      %run_scoped3A = tpu.sem_alloc : memref<!tpu.dma_semaphore, #tpu.memory_space<semaphore_mem>>
      %dma_start3A = tpu.memref_slice %arg4[%arg0, %mul3A_60] : memref<2x10240xf32, #tpu.memory_space<hbm>> -> memref<1x640xf32, #tpu.memory_space<hbm>>
      %dma_start3A_61 = tpu.memref_squeeze %dma_start3A : memref<1x640xf32, #tpu.memory_space<hbm>> -> memref<640xf32, #tpu.memory_space<hbm>>
      %dma_start3A_62 = tpu.memref_slice %arg7[%mul3A_58] : memref<10240xf32, #tpu.memory_space<vmem_shared>> -> memref<640xf32, #tpu.memory_space<vmem_shared>>
      tpu.enqueue_dma source(%dma_start3A_62 : memref<640xf32, #tpu.memory_space<vmem_shared>>) target(%dma_start3A_61 : memref<640xf32, #tpu.memory_space<hbm>>) target_semaphore(%run_scoped3A : memref<!tpu.dma_semaphore, #tpu.memory_space<semaphore_mem>>)
      %dma_wait3A = tpu.memref_slice %arg4[%arg0, %mul3A_60] : memref<2x10240xf32, #tpu.memory_space<hbm>> -> memref<1x640xf32, #tpu.memory_space<hbm>>
      %dma_wait3A_63 = tpu.memref_squeeze %dma_wait3A : memref<1x640xf32, #tpu.memory_space<hbm>> -> memref<640xf32, #tpu.memory_space<hbm>>
      %dma_wait3A_64 = tpu.memref_slice %arg7[%mul3A_58] : memref<10240xf32, #tpu.memory_space<vmem_shared>> -> memref<640xf32, #tpu.memory_space<vmem_shared>>
      tpu.wait_dma2 semaphore(%run_scoped3A : memref<!tpu.dma_semaphore, #tpu.memory_space<semaphore_mem>>) src(%dma_wait3A_64 : memref<640xf32, #tpu.memory_space<vmem_shared>>) dst(%dma_wait3A_63 : memref<640xf32, #tpu.memory_space<hbm>>)
      tpu.yield
    }) : () -> ()
    return
  }
}

#map = affine_map<(d0, d1) -> (0, 0)>
#map1 = affine_map<(d0, d1) -> (0)>
module attributes {stable_mosaic.version = 14 : i64} {
  func.func @_agg2_kernel(%arg0: i32, %arg1: i32, %arg2: memref<2560x128xi32, #tpu.memory_space<hbm>>, %arg3: memref<2560x128xi32, #tpu.memory_space<hbm>>, %arg4: memref<10240xf32, #tpu.memory_space<hbm>>, %arg5: memref<10240xf32, #tpu.memory_space<hbm>>, %arg6: memref<2x10240xf32, #tpu.memory_space<hbm>>, %arg7: memref<80x128xi32, #tpu.memory_space<vmem>>, %arg8: memref<80x128xi32, #tpu.memory_space<vmem>>, %arg9: memref<8x128xf32, #tpu.memory_space<vmem>>, %arg10: memref<10240xf32, #tpu.memory_space<vmem_shared>>, %arg11: memref<8x!tpu.dma_semaphore, #tpu.memory_space<semaphore_mem>>, %arg12: memref<8x!tpu.dma_semaphore, #tpu.memory_space<semaphore_mem>>) attributes {dimension_semantics = [#tpu.dimension_semantics<core_parallel>, #tpu.dimension_semantics<subcore_parallel>], iteration_bounds = array<i64: 2, 16>, scalar_prefetch = 0 : i64, scratch_operands = 6 : i64, tpu.core_type = #tpu.core_type<sc_vector_subcore>, window_params = [{transform_indices = #map}, {transform_indices = #map}, {transform_indices = #map1}, {transform_indices = #map1}, {transform_indices = #map}]} {
    %mul3A = arith.constant 16 : i32
    %mul3A_0 = arith.muli %arg0, %mul3A : i32
    %add3A = arith.addi %mul3A_0, %arg1 : i32
    %mul3A_1 = arith.constant 80 : i32
    %mul3A_2 = arith.muli %add3A, %mul3A_1 : i32
    "tpu.region"() ({
      %run_scoped3A = tpu.sem_alloc : memref<!tpu.dma_semaphore, #tpu.memory_space<semaphore_mem>>
      %dma_start3A = arith.constant 0 : i32
      %dma_start3A_17 = tpu.memref_slice %arg2[%mul3A_2, %dma_start3A] : memref<2560x128xi32, #tpu.memory_space<hbm>> -> memref<80x128xi32, #tpu.memory_space<hbm>>
      %dma_start3A_18 = arith.constant 0 : i32
      %dma_start3A_19 = tpu.memref_slice %arg2[%mul3A_2, %dma_start3A_18] : memref<2560x128xi32, #tpu.memory_space<hbm>> -> memref<80x128xi32, #tpu.memory_space<hbm>>
      tpu.enqueue_dma source(%dma_start3A_19 : memref<80x128xi32, #tpu.memory_space<hbm>>) target(%arg7 : memref<80x128xi32, #tpu.memory_space<vmem>>) target_semaphore(%run_scoped3A : memref<!tpu.dma_semaphore, #tpu.memory_space<semaphore_mem>>)
      %dma_wait3A = arith.constant 0 : i32
      %dma_wait3A_20 = tpu.memref_slice %arg2[%mul3A_2, %dma_wait3A] : memref<2560x128xi32, #tpu.memory_space<hbm>> -> memref<80x128xi32, #tpu.memory_space<hbm>>
      %dma_wait3A_21 = arith.constant 0 : i32
      %dma_wait3A_22 = tpu.memref_slice %arg2[%mul3A_2, %dma_wait3A_21] : memref<2560x128xi32, #tpu.memory_space<hbm>> -> memref<80x128xi32, #tpu.memory_space<hbm>>
      tpu.wait_dma2 semaphore(%run_scoped3A : memref<!tpu.dma_semaphore, #tpu.memory_space<semaphore_mem>>) src(%dma_wait3A_22 : memref<80x128xi32, #tpu.memory_space<hbm>>) dst(%arg7 : memref<80x128xi32, #tpu.memory_space<vmem>>)
      tpu.yield
    }) : () -> ()
    %mul3A_3 = arith.constant 80 : i32
    %mul3A_4 = arith.muli %add3A, %mul3A_3 : i32
    "tpu.region"() ({
      %run_scoped3A = tpu.sem_alloc : memref<!tpu.dma_semaphore, #tpu.memory_space<semaphore_mem>>
      %dma_start3A = arith.constant 0 : i32
      %dma_start3A_17 = tpu.memref_slice %arg3[%mul3A_4, %dma_start3A] : memref<2560x128xi32, #tpu.memory_space<hbm>> -> memref<80x128xi32, #tpu.memory_space<hbm>>
      %dma_start3A_18 = arith.constant 0 : i32
      %dma_start3A_19 = tpu.memref_slice %arg3[%mul3A_4, %dma_start3A_18] : memref<2560x128xi32, #tpu.memory_space<hbm>> -> memref<80x128xi32, #tpu.memory_space<hbm>>
      tpu.enqueue_dma source(%dma_start3A_19 : memref<80x128xi32, #tpu.memory_space<hbm>>) target(%arg8 : memref<80x128xi32, #tpu.memory_space<vmem>>) target_semaphore(%run_scoped3A : memref<!tpu.dma_semaphore, #tpu.memory_space<semaphore_mem>>)
      %dma_wait3A = arith.constant 0 : i32
      %dma_wait3A_20 = tpu.memref_slice %arg3[%mul3A_4, %dma_wait3A] : memref<2560x128xi32, #tpu.memory_space<hbm>> -> memref<80x128xi32, #tpu.memory_space<hbm>>
      %dma_wait3A_21 = arith.constant 0 : i32
      %dma_wait3A_22 = tpu.memref_slice %arg3[%mul3A_4, %dma_wait3A_21] : memref<2560x128xi32, #tpu.memory_space<hbm>> -> memref<80x128xi32, #tpu.memory_space<hbm>>
      tpu.wait_dma2 semaphore(%run_scoped3A : memref<!tpu.dma_semaphore, #tpu.memory_space<semaphore_mem>>) src(%dma_wait3A_22 : memref<80x128xi32, #tpu.memory_space<hbm>>) dst(%arg8 : memref<80x128xi32, #tpu.memory_space<vmem>>)
      tpu.yield
    }) : () -> ()
    %eq3A = arith.constant 0 : i32
    %eq3A_5 = arith.cmpi eq, %arg1, %eq3A : i32
    %convert_element_type3A = arith.extui %eq3A_5 : i1 to i32
    %cond3A = arith.constant 0 : i32
    %cond3A_6 = arith.cmpi ne, %convert_element_type3A, %cond3A : i32
    scf.if %cond3A_6 {
      "tpu.region"() ({
        %run_scoped3A = tpu.sem_alloc : memref<!tpu.dma_semaphore, #tpu.memory_space<semaphore_mem>>
        tpu.enqueue_dma source(%arg5 : memref<10240xf32, #tpu.memory_space<hbm>>) target(%arg10 : memref<10240xf32, #tpu.memory_space<vmem_shared>>) target_semaphore(%run_scoped3A : memref<!tpu.dma_semaphore, #tpu.memory_space<semaphore_mem>>)
        tpu.wait_dma2 semaphore(%run_scoped3A : memref<!tpu.dma_semaphore, #tpu.memory_space<semaphore_mem>>) src(%arg5 : memref<10240xf32, #tpu.memory_space<hbm>>) dst(%arg10 : memref<10240xf32, #tpu.memory_space<vmem_shared>>)
        tpu.yield
      }) : () -> ()
    } else {
    }
    %barrier3A = arith.constant 0 : index
    tpu.barrier barrier_id(%barrier3A)
    %scan3A = arith.constant 0 : i32
    %scan3A_7 = arith.constant 0 : i32
    %scan3A_8 = arith.constant 10 : i32
    %scan3A_9 = arith.addi %scan3A_7, %scan3A_8 : i32
    %scan3A_10 = arith.constant 1 : i32
    scf.for %scan3A_17 = %scan3A_7 to %scan3A_9 step %scan3A_10  : i32 {
      %mul3A_18 = arith.constant 8 : i32
      %mul3A_19 = arith.muli %scan3A_17, %mul3A_18 : i32
      %add3A_20 = arith.constant 0 : i32
      %add3A_21 = arith.addi %mul3A_19, %add3A_20 : i32
      %dma_start3A = arith.constant 0 : i32
      %dma_start3A_22 = arith.constant 0 : i32
      %dma_start3A_23 = arith.constant 0 : i32
      %dma_start3A_24 = tpu.memref_slice %arg9[%dma_start3A, %dma_start3A_23] : memref<8x128xf32, #tpu.memory_space<vmem>> -> memref<1x128xf32, #tpu.memory_space<vmem>>
      %dma_start3A_25 = tpu.memref_squeeze %dma_start3A_24 : memref<1x128xf32, #tpu.memory_space<vmem>> -> memref<128xf32, #tpu.memory_space<vmem>>
      %dma_start3A_26 = arith.constant 0 : i32
      %dma_start3A_27 = tpu.memref_slice %arg7[%add3A_21, %dma_start3A_26] : memref<80x128xi32, #tpu.memory_space<vmem>> -> memref<1x128xi32, #tpu.memory_space<vmem>>
      %dma_start3A_28 = tpu.memref_squeeze %dma_start3A_27 : memref<1x128xi32, #tpu.memory_space<vmem>> -> memref<128xi32, #tpu.memory_space<vmem>>
      %dma_start3A_29 = arith.constant 0 : i32
      %dma_start3A_30 = tpu.memref_slice %arg4[%dma_start3A_29] : memref<10240xf32, #tpu.memory_space<hbm>> -> memref<10240xf32, #tpu.memory_space<hbm>>
      %dma_start3A_31 = tpu.memref_slice %arg11[%dma_start3A_22] : memref<8x!tpu.dma_semaphore, #tpu.memory_space<semaphore_mem>> -> memref<1x!tpu.dma_semaphore, #tpu.memory_space<semaphore_mem>>
      %dma_start3A_32 = tpu.memref_squeeze %dma_start3A_31 : memref<1x!tpu.dma_semaphore, #tpu.memory_space<semaphore_mem>> -> memref<!tpu.dma_semaphore, #tpu.memory_space<semaphore_mem>>
      tpu.enqueue_indirect_dma source(%dma_start3A_30 : memref<10240xf32, #tpu.memory_space<hbm>>) target(%dma_start3A_25 : memref<128xf32, #tpu.memory_space<vmem>>) offsets(%dma_start3A_28 : memref<128xi32, #tpu.memory_space<vmem>>) semaphore(%dma_start3A_32 : memref<!tpu.dma_semaphore, #tpu.memory_space<semaphore_mem>>)
      %add3A_33 = arith.constant 1 : i32
      %add3A_34 = arith.addi %mul3A_19, %add3A_33 : i32
      %dma_start3A_35 = arith.constant 1 : i32
      %dma_start3A_36 = arith.constant 1 : i32
      %dma_start3A_37 = arith.constant 0 : i32
      %dma_start3A_38 = tpu.memref_slice %arg9[%dma_start3A_35, %dma_start3A_37] : memref<8x128xf32, #tpu.memory_space<vmem>> -> memref<1x128xf32, #tpu.memory_space<vmem>>
      %dma_start3A_39 = tpu.memref_squeeze %dma_start3A_38 : memref<1x128xf32, #tpu.memory_space<vmem>> -> memref<128xf32, #tpu.memory_space<vmem>>
      %dma_start3A_40 = arith.constant 0 : i32
      %dma_start3A_41 = tpu.memref_slice %arg7[%add3A_34, %dma_start3A_40] : memref<80x128xi32, #tpu.memory_space<vmem>> -> memref<1x128xi32, #tpu.memory_space<vmem>>
      %dma_start3A_42 = tpu.memref_squeeze %dma_start3A_41 : memref<1x128xi32, #tpu.memory_space<vmem>> -> memref<128xi32, #tpu.memory_space<vmem>>
      %dma_start3A_43 = arith.constant 0 : i32
      %dma_start3A_44 = tpu.memref_slice %arg4[%dma_start3A_43] : memref<10240xf32, #tpu.memory_space<hbm>> -> memref<10240xf32, #tpu.memory_space<hbm>>
      %dma_start3A_45 = tpu.memref_slice %arg11[%dma_start3A_36] : memref<8x!tpu.dma_semaphore, #tpu.memory_space<semaphore_mem>> -> memref<1x!tpu.dma_semaphore, #tpu.memory_space<semaphore_mem>>
      %dma_start3A_46 = tpu.memref_squeeze %dma_start3A_45 : memref<1x!tpu.dma_semaphore, #tpu.memory_space<semaphore_mem>> -> memref<!tpu.dma_semaphore, #tpu.memory_space<semaphore_mem>>
      tpu.enqueue_indirect_dma source(%dma_start3A_44 : memref<10240xf32, #tpu.memory_space<hbm>>) target(%dma_start3A_39 : memref<128xf32, #tpu.memory_space<vmem>>) offsets(%dma_start3A_42 : memref<128xi32, #tpu.memory_space<vmem>>) semaphore(%dma_start3A_46 : memref<!tpu.dma_semaphore, #tpu.memory_space<semaphore_mem>>)
      %add3A_47 = arith.constant 2 : i32
      %add3A_48 = arith.addi %mul3A_19, %add3A_47 : i32
      %dma_start3A_49 = arith.constant 2 : i32
      %dma_start3A_50 = arith.constant 2 : i32
      %dma_start3A_51 = arith.constant 0 : i32
      %dma_start3A_52 = tpu.memref_slice %arg9[%dma_start3A_49, %dma_start3A_51] : memref<8x128xf32, #tpu.memory_space<vmem>> -> memref<1x128xf32, #tpu.memory_space<vmem>>
      %dma_start3A_53 = tpu.memref_squeeze %dma_start3A_52 : memref<1x128xf32, #tpu.memory_space<vmem>> -> memref<128xf32, #tpu.memory_space<vmem>>
      %dma_start3A_54 = arith.constant 0 : i32
      %dma_start3A_55 = tpu.memref_slice %arg7[%add3A_48, %dma_start3A_54] : memref<80x128xi32, #tpu.memory_space<vmem>> -> memref<1x128xi32, #tpu.memory_space<vmem>>
      %dma_start3A_56 = tpu.memref_squeeze %dma_start3A_55 : memref<1x128xi32, #tpu.memory_space<vmem>> -> memref<128xi32, #tpu.memory_space<vmem>>
      %dma_start3A_57 = arith.constant 0 : i32
      %dma_start3A_58 = tpu.memref_slice %arg4[%dma_start3A_57] : memref<10240xf32, #tpu.memory_space<hbm>> -> memref<10240xf32, #tpu.memory_space<hbm>>
      %dma_start3A_59 = tpu.memref_slice %arg11[%dma_start3A_50] : memref<8x!tpu.dma_semaphore, #tpu.memory_space<semaphore_mem>> -> memref<1x!tpu.dma_semaphore, #tpu.memory_space<semaphore_mem>>
      %dma_start3A_60 = tpu.memref_squeeze %dma_start3A_59 : memref<1x!tpu.dma_semaphore, #tpu.memory_space<semaphore_mem>> -> memref<!tpu.dma_semaphore, #tpu.memory_space<semaphore_mem>>
      tpu.enqueue_indirect_dma source(%dma_start3A_58 : memref<10240xf32, #tpu.memory_space<hbm>>) target(%dma_start3A_53 : memref<128xf32, #tpu.memory_space<vmem>>) offsets(%dma_start3A_56 : memref<128xi32, #tpu.memory_space<vmem>>) semaphore(%dma_start3A_60 : memref<!tpu.dma_semaphore, #tpu.memory_space<semaphore_mem>>)
      %add3A_61 = arith.constant 3 : i32
      %add3A_62 = arith.addi %mul3A_19, %add3A_61 : i32
      %dma_start3A_63 = arith.constant 3 : i32
      %dma_start3A_64 = arith.constant 3 : i32
      %dma_start3A_65 = arith.constant 0 : i32
      %dma_start3A_66 = tpu.memref_slice %arg9[%dma_start3A_63, %dma_start3A_65] : memref<8x128xf32, #tpu.memory_space<vmem>> -> memref<1x128xf32, #tpu.memory_space<vmem>>
      %dma_start3A_67 = tpu.memref_squeeze %dma_start3A_66 : memref<1x128xf32, #tpu.memory_space<vmem>> -> memref<128xf32, #tpu.memory_space<vmem>>
      %dma_start3A_68 = arith.constant 0 : i32
      %dma_start3A_69 = tpu.memref_slice %arg7[%add3A_62, %dma_start3A_68] : memref<80x128xi32, #tpu.memory_space<vmem>> -> memref<1x128xi32, #tpu.memory_space<vmem>>
      %dma_start3A_70 = tpu.memref_squeeze %dma_start3A_69 : memref<1x128xi32, #tpu.memory_space<vmem>> -> memref<128xi32, #tpu.memory_space<vmem>>
      %dma_start3A_71 = arith.constant 0 : i32
      %dma_start3A_72 = tpu.memref_slice %arg4[%dma_start3A_71] : memref<10240xf32, #tpu.memory_space<hbm>> -> memref<10240xf32, #tpu.memory_space<hbm>>
      %dma_start3A_73 = tpu.memref_slice %arg11[%dma_start3A_64] : memref<8x!tpu.dma_semaphore, #tpu.memory_space<semaphore_mem>> -> memref<1x!tpu.dma_semaphore, #tpu.memory_space<semaphore_mem>>
      %dma_start3A_74 = tpu.memref_squeeze %dma_start3A_73 : memref<1x!tpu.dma_semaphore, #tpu.memory_space<semaphore_mem>> -> memref<!tpu.dma_semaphore, #tpu.memory_space<semaphore_mem>>
      tpu.enqueue_indirect_dma source(%dma_start3A_72 : memref<10240xf32, #tpu.memory_space<hbm>>) target(%dma_start3A_67 : memref<128xf32, #tpu.memory_space<vmem>>) offsets(%dma_start3A_70 : memref<128xi32, #tpu.memory_space<vmem>>) semaphore(%dma_start3A_74 : memref<!tpu.dma_semaphore, #tpu.memory_space<semaphore_mem>>)
      %add3A_75 = arith.constant 4 : i32
      %add3A_76 = arith.addi %mul3A_19, %add3A_75 : i32
      %dma_start3A_77 = arith.constant 4 : i32
      %dma_start3A_78 = arith.constant 4 : i32
      %dma_start3A_79 = arith.constant 0 : i32
      %dma_start3A_80 = tpu.memref_slice %arg9[%dma_start3A_77, %dma_start3A_79] : memref<8x128xf32, #tpu.memory_space<vmem>> -> memref<1x128xf32, #tpu.memory_space<vmem>>
      %dma_start3A_81 = tpu.memref_squeeze %dma_start3A_80 : memref<1x128xf32, #tpu.memory_space<vmem>> -> memref<128xf32, #tpu.memory_space<vmem>>
      %dma_start3A_82 = arith.constant 0 : i32
      %dma_start3A_83 = tpu.memref_slice %arg7[%add3A_76, %dma_start3A_82] : memref<80x128xi32, #tpu.memory_space<vmem>> -> memref<1x128xi32, #tpu.memory_space<vmem>>
      %dma_start3A_84 = tpu.memref_squeeze %dma_start3A_83 : memref<1x128xi32, #tpu.memory_space<vmem>> -> memref<128xi32, #tpu.memory_space<vmem>>
      %dma_start3A_85 = arith.constant 0 : i32
      %dma_start3A_86 = tpu.memref_slice %arg4[%dma_start3A_85] : memref<10240xf32, #tpu.memory_space<hbm>> -> memref<10240xf32, #tpu.memory_space<hbm>>
      %dma_start3A_87 = tpu.memref_slice %arg11[%dma_start3A_78] : memref<8x!tpu.dma_semaphore, #tpu.memory_space<semaphore_mem>> -> memref<1x!tpu.dma_semaphore, #tpu.memory_space<semaphore_mem>>
      %dma_start3A_88 = tpu.memref_squeeze %dma_start3A_87 : memref<1x!tpu.dma_semaphore, #tpu.memory_space<semaphore_mem>> -> memref<!tpu.dma_semaphore, #tpu.memory_space<semaphore_mem>>
      tpu.enqueue_indirect_dma source(%dma_start3A_86 : memref<10240xf32, #tpu.memory_space<hbm>>) target(%dma_start3A_81 : memref<128xf32, #tpu.memory_space<vmem>>) offsets(%dma_start3A_84 : memref<128xi32, #tpu.memory_space<vmem>>) semaphore(%dma_start3A_88 : memref<!tpu.dma_semaphore, #tpu.memory_space<semaphore_mem>>)
      %add3A_89 = arith.constant 5 : i32
      %add3A_90 = arith.addi %mul3A_19, %add3A_89 : i32
      %dma_start3A_91 = arith.constant 5 : i32
      %dma_start3A_92 = arith.constant 5 : i32
      %dma_start3A_93 = arith.constant 0 : i32
      %dma_start3A_94 = tpu.memref_slice %arg9[%dma_start3A_91, %dma_start3A_93] : memref<8x128xf32, #tpu.memory_space<vmem>> -> memref<1x128xf32, #tpu.memory_space<vmem>>
      %dma_start3A_95 = tpu.memref_squeeze %dma_start3A_94 : memref<1x128xf32, #tpu.memory_space<vmem>> -> memref<128xf32, #tpu.memory_space<vmem>>
      %dma_start3A_96 = arith.constant 0 : i32
      %dma_start3A_97 = tpu.memref_slice %arg7[%add3A_90, %dma_start3A_96] : memref<80x128xi32, #tpu.memory_space<vmem>> -> memref<1x128xi32, #tpu.memory_space<vmem>>
      %dma_start3A_98 = tpu.memref_squeeze %dma_start3A_97 : memref<1x128xi32, #tpu.memory_space<vmem>> -> memref<128xi32, #tpu.memory_space<vmem>>
      %dma_start3A_99 = arith.constant 0 : i32
      %dma_start3A_100 = tpu.memref_slice %arg4[%dma_start3A_99] : memref<10240xf32, #tpu.memory_space<hbm>> -> memref<10240xf32, #tpu.memory_space<hbm>>
      %dma_start3A_101 = tpu.memref_slice %arg11[%dma_start3A_92] : memref<8x!tpu.dma_semaphore, #tpu.memory_space<semaphore_mem>> -> memref<1x!tpu.dma_semaphore, #tpu.memory_space<semaphore_mem>>
      %dma_start3A_102 = tpu.memref_squeeze %dma_start3A_101 : memref<1x!tpu.dma_semaphore, #tpu.memory_space<semaphore_mem>> -> memref<!tpu.dma_semaphore, #tpu.memory_space<semaphore_mem>>
      tpu.enqueue_indirect_dma source(%dma_start3A_100 : memref<10240xf32, #tpu.memory_space<hbm>>) target(%dma_start3A_95 : memref<128xf32, #tpu.memory_space<vmem>>) offsets(%dma_start3A_98 : memref<128xi32, #tpu.memory_space<vmem>>) semaphore(%dma_start3A_102 : memref<!tpu.dma_semaphore, #tpu.memory_space<semaphore_mem>>)
      %add3A_103 = arith.constant 6 : i32
      %add3A_104 = arith.addi %mul3A_19, %add3A_103 : i32
      %dma_start3A_105 = arith.constant 6 : i32
      %dma_start3A_106 = arith.constant 6 : i32
      %dma_start3A_107 = arith.constant 0 : i32
      %dma_start3A_108 = tpu.memref_slice %arg9[%dma_start3A_105, %dma_start3A_107] : memref<8x128xf32, #tpu.memory_space<vmem>> -> memref<1x128xf32, #tpu.memory_space<vmem>>
      %dma_start3A_109 = tpu.memref_squeeze %dma_start3A_108 : memref<1x128xf32, #tpu.memory_space<vmem>> -> memref<128xf32, #tpu.memory_space<vmem>>
      %dma_start3A_110 = arith.constant 0 : i32
      %dma_start3A_111 = tpu.memref_slice %arg7[%add3A_104, %dma_start3A_110] : memref<80x128xi32, #tpu.memory_space<vmem>> -> memref<1x128xi32, #tpu.memory_space<vmem>>
      %dma_start3A_112 = tpu.memref_squeeze %dma_start3A_111 : memref<1x128xi32, #tpu.memory_space<vmem>> -> memref<128xi32, #tpu.memory_space<vmem>>
      %dma_start3A_113 = arith.constant 0 : i32
      %dma_start3A_114 = tpu.memref_slice %arg4[%dma_start3A_113] : memref<10240xf32, #tpu.memory_space<hbm>> -> memref<10240xf32, #tpu.memory_space<hbm>>
      %dma_start3A_115 = tpu.memref_slice %arg11[%dma_start3A_106] : memref<8x!tpu.dma_semaphore, #tpu.memory_space<semaphore_mem>> -> memref<1x!tpu.dma_semaphore, #tpu.memory_space<semaphore_mem>>
      %dma_start3A_116 = tpu.memref_squeeze %dma_start3A_115 : memref<1x!tpu.dma_semaphore, #tpu.memory_space<semaphore_mem>> -> memref<!tpu.dma_semaphore, #tpu.memory_space<semaphore_mem>>
      tpu.enqueue_indirect_dma source(%dma_start3A_114 : memref<10240xf32, #tpu.memory_space<hbm>>) target(%dma_start3A_109 : memref<128xf32, #tpu.memory_space<vmem>>) offsets(%dma_start3A_112 : memref<128xi32, #tpu.memory_space<vmem>>) semaphore(%dma_start3A_116 : memref<!tpu.dma_semaphore, #tpu.memory_space<semaphore_mem>>)
      %add3A_117 = arith.constant 7 : i32
      %add3A_118 = arith.addi %mul3A_19, %add3A_117 : i32
      %dma_start3A_119 = arith.constant 7 : i32
      %dma_start3A_120 = arith.constant 7 : i32
      %dma_start3A_121 = arith.constant 0 : i32
      %dma_start3A_122 = tpu.memref_slice %arg9[%dma_start3A_119, %dma_start3A_121] : memref<8x128xf32, #tpu.memory_space<vmem>> -> memref<1x128xf32, #tpu.memory_space<vmem>>
      %dma_start3A_123 = tpu.memref_squeeze %dma_start3A_122 : memref<1x128xf32, #tpu.memory_space<vmem>> -> memref<128xf32, #tpu.memory_space<vmem>>
      %dma_start3A_124 = arith.constant 0 : i32
      %dma_start3A_125 = tpu.memref_slice %arg7[%add3A_118, %dma_start3A_124] : memref<80x128xi32, #tpu.memory_space<vmem>> -> memref<1x128xi32, #tpu.memory_space<vmem>>
      %dma_start3A_126 = tpu.memref_squeeze %dma_start3A_125 : memref<1x128xi32, #tpu.memory_space<vmem>> -> memref<128xi32, #tpu.memory_space<vmem>>
      %dma_start3A_127 = arith.constant 0 : i32
      %dma_start3A_128 = tpu.memref_slice %arg4[%dma_start3A_127] : memref<10240xf32, #tpu.memory_space<hbm>> -> memref<10240xf32, #tpu.memory_space<hbm>>
      %dma_start3A_129 = tpu.memref_slice %arg11[%dma_start3A_120] : memref<8x!tpu.dma_semaphore, #tpu.memory_space<semaphore_mem>> -> memref<1x!tpu.dma_semaphore, #tpu.memory_space<semaphore_mem>>
      %dma_start3A_130 = tpu.memref_squeeze %dma_start3A_129 : memref<1x!tpu.dma_semaphore, #tpu.memory_space<semaphore_mem>> -> memref<!tpu.dma_semaphore, #tpu.memory_space<semaphore_mem>>
      tpu.enqueue_indirect_dma source(%dma_start3A_128 : memref<10240xf32, #tpu.memory_space<hbm>>) target(%dma_start3A_123 : memref<128xf32, #tpu.memory_space<vmem>>) offsets(%dma_start3A_126 : memref<128xi32, #tpu.memory_space<vmem>>) semaphore(%dma_start3A_130 : memref<!tpu.dma_semaphore, #tpu.memory_space<semaphore_mem>>)
      %add3A_131 = arith.constant 0 : i32
      %add3A_132 = arith.addi %mul3A_19, %add3A_131 : i32
      %dma_wait3A = arith.constant 0 : i32
      %dma_wait3A_133 = arith.constant 0 : i32
      %dma_wait3A_134 = arith.constant 0 : i32
      %dma_wait3A_135 = tpu.memref_slice %arg9[%dma_wait3A, %dma_wait3A_134] : memref<8x128xf32, #tpu.memory_space<vmem>> -> memref<1x128xf32, #tpu.memory_space<vmem>>
      %dma_wait3A_136 = tpu.memref_squeeze %dma_wait3A_135 : memref<1x128xf32, #tpu.memory_space<vmem>> -> memref<128xf32, #tpu.memory_space<vmem>>
      %dma_wait3A_137 = arith.constant 0 : i32
      %dma_wait3A_138 = tpu.memref_slice %arg7[%add3A_132, %dma_wait3A_137] : memref<80x128xi32, #tpu.memory_space<vmem>> -> memref<1x128xi32, #tpu.memory_space<vmem>>
      %dma_wait3A_139 = tpu.memref_squeeze %dma_wait3A_138 : memref<1x128xi32, #tpu.memory_space<vmem>> -> memref<128xi32, #tpu.memory_space<vmem>>
      %dma_wait3A_140 = arith.constant 0 : i32
      %dma_wait3A_141 = tpu.memref_slice %arg4[%dma_wait3A_140] : memref<10240xf32, #tpu.memory_space<hbm>> -> memref<10240xf32, #tpu.memory_space<hbm>>
      %dma_wait3A_142 = tpu.memref_slice %arg11[%dma_wait3A_133] : memref<8x!tpu.dma_semaphore, #tpu.memory_space<semaphore_mem>> -> memref<1x!tpu.dma_semaphore, #tpu.memory_space<semaphore_mem>>
      %dma_wait3A_143 = tpu.memref_squeeze %dma_wait3A_142 : memref<1x!tpu.dma_semaphore, #tpu.memory_space<semaphore_mem>> -> memref<!tpu.dma_semaphore, #tpu.memory_space<semaphore_mem>>
      tpu.wait_indirect_dma semaphore(%dma_wait3A_143 : memref<!tpu.dma_semaphore, #tpu.memory_space<semaphore_mem>>) src(%dma_wait3A_141 : memref<10240xf32, #tpu.memory_space<hbm>>) dst(%dma_wait3A_136 : memref<128xf32, #tpu.memory_space<vmem>>)
      %add3A_144 = arith.constant 0 : i32
      %add3A_145 = arith.addi %mul3A_19, %add3A_144 : i32
      %dma_start3A_146 = arith.constant 0 : i32
      %dma_start3A_147 = arith.constant 0 : i32
      %dma_start3A_148 = arith.constant 0 : i32
      %dma_start3A_149 = tpu.memref_slice %arg9[%dma_start3A_146, %dma_start3A_148] : memref<8x128xf32, #tpu.memory_space<vmem>> -> memref<1x128xf32, #tpu.memory_space<vmem>>
      %dma_start3A_150 = tpu.memref_squeeze %dma_start3A_149 : memref<1x128xf32, #tpu.memory_space<vmem>> -> memref<128xf32, #tpu.memory_space<vmem>>
      %dma_start3A_151 = arith.constant 0 : i32
      %dma_start3A_152 = tpu.memref_slice %arg8[%add3A_145, %dma_start3A_151] : memref<80x128xi32, #tpu.memory_space<vmem>> -> memref<1x128xi32, #tpu.memory_space<vmem>>
      %dma_start3A_153 = tpu.memref_squeeze %dma_start3A_152 : memref<1x128xi32, #tpu.memory_space<vmem>> -> memref<128xi32, #tpu.memory_space<vmem>>
      %dma_start3A_154 = arith.constant 0 : i32
      %dma_start3A_155 = tpu.memref_slice %arg10[%dma_start3A_154] : memref<10240xf32, #tpu.memory_space<vmem_shared>> -> memref<10240xf32, #tpu.memory_space<vmem_shared>>
      %dma_start3A_156 = tpu.memref_slice %arg12[%dma_start3A_147] : memref<8x!tpu.dma_semaphore, #tpu.memory_space<semaphore_mem>> -> memref<1x!tpu.dma_semaphore, #tpu.memory_space<semaphore_mem>>
      %dma_start3A_157 = tpu.memref_squeeze %dma_start3A_156 : memref<1x!tpu.dma_semaphore, #tpu.memory_space<semaphore_mem>> -> memref<!tpu.dma_semaphore, #tpu.memory_space<semaphore_mem>>
      tpu.enqueue_indirect_dma source(%dma_start3A_150 : memref<128xf32, #tpu.memory_space<vmem>>) target(%dma_start3A_155 : memref<10240xf32, #tpu.memory_space<vmem_shared>>) offsets(%dma_start3A_153 : memref<128xi32, #tpu.memory_space<vmem>>) semaphore(%dma_start3A_157 : memref<!tpu.dma_semaphore, #tpu.memory_space<semaphore_mem>>) {add = true}
      %add3A_158 = arith.constant 1 : i32
      %add3A_159 = arith.addi %mul3A_19, %add3A_158 : i32
      %dma_wait3A_160 = arith.constant 1 : i32
      %dma_wait3A_161 = arith.constant 1 : i32
      %dma_wait3A_162 = arith.constant 0 : i32
      %dma_wait3A_163 = tpu.memref_slice %arg9[%dma_wait3A_160, %dma_wait3A_162] : memref<8x128xf32, #tpu.memory_space<vmem>> -> memref<1x128xf32, #tpu.memory_space<vmem>>
      %dma_wait3A_164 = tpu.memref_squeeze %dma_wait3A_163 : memref<1x128xf32, #tpu.memory_space<vmem>> -> memref<128xf32, #tpu.memory_space<vmem>>
      %dma_wait3A_165 = arith.constant 0 : i32
      %dma_wait3A_166 = tpu.memref_slice %arg7[%add3A_159, %dma_wait3A_165] : memref<80x128xi32, #tpu.memory_space<vmem>> -> memref<1x128xi32, #tpu.memory_space<vmem>>
      %dma_wait3A_167 = tpu.memref_squeeze %dma_wait3A_166 : memref<1x128xi32, #tpu.memory_space<vmem>> -> memref<128xi32, #tpu.memory_space<vmem>>
      %dma_wait3A_168 = arith.constant 0 : i32
      %dma_wait3A_169 = tpu.memref_slice %arg4[%dma_wait3A_168] : memref<10240xf32, #tpu.memory_space<hbm>> -> memref<10240xf32, #tpu.memory_space<hbm>>
      %dma_wait3A_170 = tpu.memref_slice %arg11[%dma_wait3A_161] : memref<8x!tpu.dma_semaphore, #tpu.memory_space<semaphore_mem>> -> memref<1x!tpu.dma_semaphore, #tpu.memory_space<semaphore_mem>>
      %dma_wait3A_171 = tpu.memref_squeeze %dma_wait3A_170 : memref<1x!tpu.dma_semaphore, #tpu.memory_space<semaphore_mem>> -> memref<!tpu.dma_semaphore, #tpu.memory_space<semaphore_mem>>
      tpu.wait_indirect_dma semaphore(%dma_wait3A_171 : memref<!tpu.dma_semaphore, #tpu.memory_space<semaphore_mem>>) src(%dma_wait3A_169 : memref<10240xf32, #tpu.memory_space<hbm>>) dst(%dma_wait3A_164 : memref<128xf32, #tpu.memory_space<vmem>>)
      %add3A_172 = arith.constant 1 : i32
      %add3A_173 = arith.addi %mul3A_19, %add3A_172 : i32
      %dma_start3A_174 = arith.constant 1 : i32
      %dma_start3A_175 = arith.constant 1 : i32
      %dma_start3A_176 = arith.constant 0 : i32
      %dma_start3A_177 = tpu.memref_slice %arg9[%dma_start3A_174, %dma_start3A_176] : memref<8x128xf32, #tpu.memory_space<vmem>> -> memref<1x128xf32, #tpu.memory_space<vmem>>
      %dma_start3A_178 = tpu.memref_squeeze %dma_start3A_177 : memref<1x128xf32, #tpu.memory_space<vmem>> -> memref<128xf32, #tpu.memory_space<vmem>>
      %dma_start3A_179 = arith.constant 0 : i32
      %dma_start3A_180 = tpu.memref_slice %arg8[%add3A_173, %dma_start3A_179] : memref<80x128xi32, #tpu.memory_space<vmem>> -> memref<1x128xi32, #tpu.memory_space<vmem>>
      %dma_start3A_181 = tpu.memref_squeeze %dma_start3A_180 : memref<1x128xi32, #tpu.memory_space<vmem>> -> memref<128xi32, #tpu.memory_space<vmem>>
      %dma_start3A_182 = arith.constant 0 : i32
      %dma_start3A_183 = tpu.memref_slice %arg10[%dma_start3A_182] : memref<10240xf32, #tpu.memory_space<vmem_shared>> -> memref<10240xf32, #tpu.memory_space<vmem_shared>>
      %dma_start3A_184 = tpu.memref_slice %arg12[%dma_start3A_175] : memref<8x!tpu.dma_semaphore, #tpu.memory_space<semaphore_mem>> -> memref<1x!tpu.dma_semaphore, #tpu.memory_space<semaphore_mem>>
      %dma_start3A_185 = tpu.memref_squeeze %dma_start3A_184 : memref<1x!tpu.dma_semaphore, #tpu.memory_space<semaphore_mem>> -> memref<!tpu.dma_semaphore, #tpu.memory_space<semaphore_mem>>
      tpu.enqueue_indirect_dma source(%dma_start3A_178 : memref<128xf32, #tpu.memory_space<vmem>>) target(%dma_start3A_183 : memref<10240xf32, #tpu.memory_space<vmem_shared>>) offsets(%dma_start3A_181 : memref<128xi32, #tpu.memory_space<vmem>>) semaphore(%dma_start3A_185 : memref<!tpu.dma_semaphore, #tpu.memory_space<semaphore_mem>>) {add = true}
      %add3A_186 = arith.constant 2 : i32
      %add3A_187 = arith.addi %mul3A_19, %add3A_186 : i32
      %dma_wait3A_188 = arith.constant 2 : i32
      %dma_wait3A_189 = arith.constant 2 : i32
      %dma_wait3A_190 = arith.constant 0 : i32
      %dma_wait3A_191 = tpu.memref_slice %arg9[%dma_wait3A_188, %dma_wait3A_190] : memref<8x128xf32, #tpu.memory_space<vmem>> -> memref<1x128xf32, #tpu.memory_space<vmem>>
      %dma_wait3A_192 = tpu.memref_squeeze %dma_wait3A_191 : memref<1x128xf32, #tpu.memory_space<vmem>> -> memref<128xf32, #tpu.memory_space<vmem>>
      %dma_wait3A_193 = arith.constant 0 : i32
      %dma_wait3A_194 = tpu.memref_slice %arg7[%add3A_187, %dma_wait3A_193] : memref<80x128xi32, #tpu.memory_space<vmem>> -> memref<1x128xi32, #tpu.memory_space<vmem>>
      %dma_wait3A_195 = tpu.memref_squeeze %dma_wait3A_194 : memref<1x128xi32, #tpu.memory_space<vmem>> -> memref<128xi32, #tpu.memory_space<vmem>>
      %dma_wait3A_196 = arith.constant 0 : i32
      %dma_wait3A_197 = tpu.memref_slice %arg4[%dma_wait3A_196] : memref<10240xf32, #tpu.memory_space<hbm>> -> memref<10240xf32, #tpu.memory_space<hbm>>
      %dma_wait3A_198 = tpu.memref_slice %arg11[%dma_wait3A_189] : memref<8x!tpu.dma_semaphore, #tpu.memory_space<semaphore_mem>> -> memref<1x!tpu.dma_semaphore, #tpu.memory_space<semaphore_mem>>
      %dma_wait3A_199 = tpu.memref_squeeze %dma_wait3A_198 : memref<1x!tpu.dma_semaphore, #tpu.memory_space<semaphore_mem>> -> memref<!tpu.dma_semaphore, #tpu.memory_space<semaphore_mem>>
      tpu.wait_indirect_dma semaphore(%dma_wait3A_199 : memref<!tpu.dma_semaphore, #tpu.memory_space<semaphore_mem>>) src(%dma_wait3A_197 : memref<10240xf32, #tpu.memory_space<hbm>>) dst(%dma_wait3A_192 : memref<128xf32, #tpu.memory_space<vmem>>)
      %add3A_200 = arith.constant 2 : i32
      %add3A_201 = arith.addi %mul3A_19, %add3A_200 : i32
      %dma_start3A_202 = arith.constant 2 : i32
      %dma_start3A_203 = arith.constant 2 : i32
      %dma_start3A_204 = arith.constant 0 : i32
      %dma_start3A_205 = tpu.memref_slice %arg9[%dma_start3A_202, %dma_start3A_204] : memref<8x128xf32, #tpu.memory_space<vmem>> -> memref<1x128xf32, #tpu.memory_space<vmem>>
      %dma_start3A_206 = tpu.memref_squeeze %dma_start3A_205 : memref<1x128xf32, #tpu.memory_space<vmem>> -> memref<128xf32, #tpu.memory_space<vmem>>
      %dma_start3A_207 = arith.constant 0 : i32
      %dma_start3A_208 = tpu.memref_slice %arg8[%add3A_201, %dma_start3A_207] : memref<80x128xi32, #tpu.memory_space<vmem>> -> memref<1x128xi32, #tpu.memory_space<vmem>>
      %dma_start3A_209 = tpu.memref_squeeze %dma_start3A_208 : memref<1x128xi32, #tpu.memory_space<vmem>> -> memref<128xi32, #tpu.memory_space<vmem>>
      %dma_start3A_210 = arith.constant 0 : i32
      %dma_start3A_211 = tpu.memref_slice %arg10[%dma_start3A_210] : memref<10240xf32, #tpu.memory_space<vmem_shared>> -> memref<10240xf32, #tpu.memory_space<vmem_shared>>
      %dma_start3A_212 = tpu.memref_slice %arg12[%dma_start3A_203] : memref<8x!tpu.dma_semaphore, #tpu.memory_space<semaphore_mem>> -> memref<1x!tpu.dma_semaphore, #tpu.memory_space<semaphore_mem>>
      %dma_start3A_213 = tpu.memref_squeeze %dma_start3A_212 : memref<1x!tpu.dma_semaphore, #tpu.memory_space<semaphore_mem>> -> memref<!tpu.dma_semaphore, #tpu.memory_space<semaphore_mem>>
      tpu.enqueue_indirect_dma source(%dma_start3A_206 : memref<128xf32, #tpu.memory_space<vmem>>) target(%dma_start3A_211 : memref<10240xf32, #tpu.memory_space<vmem_shared>>) offsets(%dma_start3A_209 : memref<128xi32, #tpu.memory_space<vmem>>) semaphore(%dma_start3A_213 : memref<!tpu.dma_semaphore, #tpu.memory_space<semaphore_mem>>) {add = true}
      %add3A_214 = arith.constant 3 : i32
      %add3A_215 = arith.addi %mul3A_19, %add3A_214 : i32
      %dma_wait3A_216 = arith.constant 3 : i32
      %dma_wait3A_217 = arith.constant 3 : i32
      %dma_wait3A_218 = arith.constant 0 : i32
      %dma_wait3A_219 = tpu.memref_slice %arg9[%dma_wait3A_216, %dma_wait3A_218] : memref<8x128xf32, #tpu.memory_space<vmem>> -> memref<1x128xf32, #tpu.memory_space<vmem>>
      %dma_wait3A_220 = tpu.memref_squeeze %dma_wait3A_219 : memref<1x128xf32, #tpu.memory_space<vmem>> -> memref<128xf32, #tpu.memory_space<vmem>>
      %dma_wait3A_221 = arith.constant 0 : i32
      %dma_wait3A_222 = tpu.memref_slice %arg7[%add3A_215, %dma_wait3A_221] : memref<80x128xi32, #tpu.memory_space<vmem>> -> memref<1x128xi32, #tpu.memory_space<vmem>>
      %dma_wait3A_223 = tpu.memref_squeeze %dma_wait3A_222 : memref<1x128xi32, #tpu.memory_space<vmem>> -> memref<128xi32, #tpu.memory_space<vmem>>
      %dma_wait3A_224 = arith.constant 0 : i32
      %dma_wait3A_225 = tpu.memref_slice %arg4[%dma_wait3A_224] : memref<10240xf32, #tpu.memory_space<hbm>> -> memref<10240xf32, #tpu.memory_space<hbm>>
      %dma_wait3A_226 = tpu.memref_slice %arg11[%dma_wait3A_217] : memref<8x!tpu.dma_semaphore, #tpu.memory_space<semaphore_mem>> -> memref<1x!tpu.dma_semaphore, #tpu.memory_space<semaphore_mem>>
      %dma_wait3A_227 = tpu.memref_squeeze %dma_wait3A_226 : memref<1x!tpu.dma_semaphore, #tpu.memory_space<semaphore_mem>> -> memref<!tpu.dma_semaphore, #tpu.memory_space<semaphore_mem>>
      tpu.wait_indirect_dma semaphore(%dma_wait3A_227 : memref<!tpu.dma_semaphore, #tpu.memory_space<semaphore_mem>>) src(%dma_wait3A_225 : memref<10240xf32, #tpu.memory_space<hbm>>) dst(%dma_wait3A_220 : memref<128xf32, #tpu.memory_space<vmem>>)
      %add3A_228 = arith.constant 3 : i32
      %add3A_229 = arith.addi %mul3A_19, %add3A_228 : i32
      %dma_start3A_230 = arith.constant 3 : i32
      %dma_start3A_231 = arith.constant 3 : i32
      %dma_start3A_232 = arith.constant 0 : i32
      %dma_start3A_233 = tpu.memref_slice %arg9[%dma_start3A_230, %dma_start3A_232] : memref<8x128xf32, #tpu.memory_space<vmem>> -> memref<1x128xf32, #tpu.memory_space<vmem>>
      %dma_start3A_234 = tpu.memref_squeeze %dma_start3A_233 : memref<1x128xf32, #tpu.memory_space<vmem>> -> memref<128xf32, #tpu.memory_space<vmem>>
      %dma_start3A_235 = arith.constant 0 : i32
      %dma_start3A_236 = tpu.memref_slice %arg8[%add3A_229, %dma_start3A_235] : memref<80x128xi32, #tpu.memory_space<vmem>> -> memref<1x128xi32, #tpu.memory_space<vmem>>
      %dma_start3A_237 = tpu.memref_squeeze %dma_start3A_236 : memref<1x128xi32, #tpu.memory_space<vmem>> -> memref<128xi32, #tpu.memory_space<vmem>>
      %dma_start3A_238 = arith.constant 0 : i32
      %dma_start3A_239 = tpu.memref_slice %arg10[%dma_start3A_238] : memref<10240xf32, #tpu.memory_space<vmem_shared>> -> memref<10240xf32, #tpu.memory_space<vmem_shared>>
      %dma_start3A_240 = tpu.memref_slice %arg12[%dma_start3A_231] : memref<8x!tpu.dma_semaphore, #tpu.memory_space<semaphore_mem>> -> memref<1x!tpu.dma_semaphore, #tpu.memory_space<semaphore_mem>>
      %dma_start3A_241 = tpu.memref_squeeze %dma_start3A_240 : memref<1x!tpu.dma_semaphore, #tpu.memory_space<semaphore_mem>> -> memref<!tpu.dma_semaphore, #tpu.memory_space<semaphore_mem>>
      tpu.enqueue_indirect_dma source(%dma_start3A_234 : memref<128xf32, #tpu.memory_space<vmem>>) target(%dma_start3A_239 : memref<10240xf32, #tpu.memory_space<vmem_shared>>) offsets(%dma_start3A_237 : memref<128xi32, #tpu.memory_space<vmem>>) semaphore(%dma_start3A_241 : memref<!tpu.dma_semaphore, #tpu.memory_space<semaphore_mem>>) {add = true}
      %add3A_242 = arith.constant 4 : i32
      %add3A_243 = arith.addi %mul3A_19, %add3A_242 : i32
      %dma_wait3A_244 = arith.constant 4 : i32
      %dma_wait3A_245 = arith.constant 4 : i32
      %dma_wait3A_246 = arith.constant 0 : i32
      %dma_wait3A_247 = tpu.memref_slice %arg9[%dma_wait3A_244, %dma_wait3A_246] : memref<8x128xf32, #tpu.memory_space<vmem>> -> memref<1x128xf32, #tpu.memory_space<vmem>>
      %dma_wait3A_248 = tpu.memref_squeeze %dma_wait3A_247 : memref<1x128xf32, #tpu.memory_space<vmem>> -> memref<128xf32, #tpu.memory_space<vmem>>
      %dma_wait3A_249 = arith.constant 0 : i32
      %dma_wait3A_250 = tpu.memref_slice %arg7[%add3A_243, %dma_wait3A_249] : memref<80x128xi32, #tpu.memory_space<vmem>> -> memref<1x128xi32, #tpu.memory_space<vmem>>
      %dma_wait3A_251 = tpu.memref_squeeze %dma_wait3A_250 : memref<1x128xi32, #tpu.memory_space<vmem>> -> memref<128xi32, #tpu.memory_space<vmem>>
      %dma_wait3A_252 = arith.constant 0 : i32
      %dma_wait3A_253 = tpu.memref_slice %arg4[%dma_wait3A_252] : memref<10240xf32, #tpu.memory_space<hbm>> -> memref<10240xf32, #tpu.memory_space<hbm>>
      %dma_wait3A_254 = tpu.memref_slice %arg11[%dma_wait3A_245] : memref<8x!tpu.dma_semaphore, #tpu.memory_space<semaphore_mem>> -> memref<1x!tpu.dma_semaphore, #tpu.memory_space<semaphore_mem>>
      %dma_wait3A_255 = tpu.memref_squeeze %dma_wait3A_254 : memref<1x!tpu.dma_semaphore, #tpu.memory_space<semaphore_mem>> -> memref<!tpu.dma_semaphore, #tpu.memory_space<semaphore_mem>>
      tpu.wait_indirect_dma semaphore(%dma_wait3A_255 : memref<!tpu.dma_semaphore, #tpu.memory_space<semaphore_mem>>) src(%dma_wait3A_253 : memref<10240xf32, #tpu.memory_space<hbm>>) dst(%dma_wait3A_248 : memref<128xf32, #tpu.memory_space<vmem>>)
      %add3A_256 = arith.constant 4 : i32
      %add3A_257 = arith.addi %mul3A_19, %add3A_256 : i32
      %dma_start3A_258 = arith.constant 4 : i32
      %dma_start3A_259 = arith.constant 4 : i32
      %dma_start3A_260 = arith.constant 0 : i32
      %dma_start3A_261 = tpu.memref_slice %arg9[%dma_start3A_258, %dma_start3A_260] : memref<8x128xf32, #tpu.memory_space<vmem>> -> memref<1x128xf32, #tpu.memory_space<vmem>>
      %dma_start3A_262 = tpu.memref_squeeze %dma_start3A_261 : memref<1x128xf32, #tpu.memory_space<vmem>> -> memref<128xf32, #tpu.memory_space<vmem>>
      %dma_start3A_263 = arith.constant 0 : i32
      %dma_start3A_264 = tpu.memref_slice %arg8[%add3A_257, %dma_start3A_263] : memref<80x128xi32, #tpu.memory_space<vmem>> -> memref<1x128xi32, #tpu.memory_space<vmem>>
      %dma_start3A_265 = tpu.memref_squeeze %dma_start3A_264 : memref<1x128xi32, #tpu.memory_space<vmem>> -> memref<128xi32, #tpu.memory_space<vmem>>
      %dma_start3A_266 = arith.constant 0 : i32
      %dma_start3A_267 = tpu.memref_slice %arg10[%dma_start3A_266] : memref<10240xf32, #tpu.memory_space<vmem_shared>> -> memref<10240xf32, #tpu.memory_space<vmem_shared>>
      %dma_start3A_268 = tpu.memref_slice %arg12[%dma_start3A_259] : memref<8x!tpu.dma_semaphore, #tpu.memory_space<semaphore_mem>> -> memref<1x!tpu.dma_semaphore, #tpu.memory_space<semaphore_mem>>
      %dma_start3A_269 = tpu.memref_squeeze %dma_start3A_268 : memref<1x!tpu.dma_semaphore, #tpu.memory_space<semaphore_mem>> -> memref<!tpu.dma_semaphore, #tpu.memory_space<semaphore_mem>>
      tpu.enqueue_indirect_dma source(%dma_start3A_262 : memref<128xf32, #tpu.memory_space<vmem>>) target(%dma_start3A_267 : memref<10240xf32, #tpu.memory_space<vmem_shared>>) offsets(%dma_start3A_265 : memref<128xi32, #tpu.memory_space<vmem>>) semaphore(%dma_start3A_269 : memref<!tpu.dma_semaphore, #tpu.memory_space<semaphore_mem>>) {add = true}
      %add3A_270 = arith.constant 5 : i32
      %add3A_271 = arith.addi %mul3A_19, %add3A_270 : i32
      %dma_wait3A_272 = arith.constant 5 : i32
      %dma_wait3A_273 = arith.constant 5 : i32
      %dma_wait3A_274 = arith.constant 0 : i32
      %dma_wait3A_275 = tpu.memref_slice %arg9[%dma_wait3A_272, %dma_wait3A_274] : memref<8x128xf32, #tpu.memory_space<vmem>> -> memref<1x128xf32, #tpu.memory_space<vmem>>
      %dma_wait3A_276 = tpu.memref_squeeze %dma_wait3A_275 : memref<1x128xf32, #tpu.memory_space<vmem>> -> memref<128xf32, #tpu.memory_space<vmem>>
      %dma_wait3A_277 = arith.constant 0 : i32
      %dma_wait3A_278 = tpu.memref_slice %arg7[%add3A_271, %dma_wait3A_277] : memref<80x128xi32, #tpu.memory_space<vmem>> -> memref<1x128xi32, #tpu.memory_space<vmem>>
      %dma_wait3A_279 = tpu.memref_squeeze %dma_wait3A_278 : memref<1x128xi32, #tpu.memory_space<vmem>> -> memref<128xi32, #tpu.memory_space<vmem>>
      %dma_wait3A_280 = arith.constant 0 : i32
      %dma_wait3A_281 = tpu.memref_slice %arg4[%dma_wait3A_280] : memref<10240xf32, #tpu.memory_space<hbm>> -> memref<10240xf32, #tpu.memory_space<hbm>>
      %dma_wait3A_282 = tpu.memref_slice %arg11[%dma_wait3A_273] : memref<8x!tpu.dma_semaphore, #tpu.memory_space<semaphore_mem>> -> memref<1x!tpu.dma_semaphore, #tpu.memory_space<semaphore_mem>>
      %dma_wait3A_283 = tpu.memref_squeeze %dma_wait3A_282 : memref<1x!tpu.dma_semaphore, #tpu.memory_space<semaphore_mem>> -> memref<!tpu.dma_semaphore, #tpu.memory_space<semaphore_mem>>
      tpu.wait_indirect_dma semaphore(%dma_wait3A_283 : memref<!tpu.dma_semaphore, #tpu.memory_space<semaphore_mem>>) src(%dma_wait3A_281 : memref<10240xf32, #tpu.memory_space<hbm>>) dst(%dma_wait3A_276 : memref<128xf32, #tpu.memory_space<vmem>>)
      %add3A_284 = arith.constant 5 : i32
      %add3A_285 = arith.addi %mul3A_19, %add3A_284 : i32
      %dma_start3A_286 = arith.constant 5 : i32
      %dma_start3A_287 = arith.constant 5 : i32
      %dma_start3A_288 = arith.constant 0 : i32
      %dma_start3A_289 = tpu.memref_slice %arg9[%dma_start3A_286, %dma_start3A_288] : memref<8x128xf32, #tpu.memory_space<vmem>> -> memref<1x128xf32, #tpu.memory_space<vmem>>
      %dma_start3A_290 = tpu.memref_squeeze %dma_start3A_289 : memref<1x128xf32, #tpu.memory_space<vmem>> -> memref<128xf32, #tpu.memory_space<vmem>>
      %dma_start3A_291 = arith.constant 0 : i32
      %dma_start3A_292 = tpu.memref_slice %arg8[%add3A_285, %dma_start3A_291] : memref<80x128xi32, #tpu.memory_space<vmem>> -> memref<1x128xi32, #tpu.memory_space<vmem>>
      %dma_start3A_293 = tpu.memref_squeeze %dma_start3A_292 : memref<1x128xi32, #tpu.memory_space<vmem>> -> memref<128xi32, #tpu.memory_space<vmem>>
      %dma_start3A_294 = arith.constant 0 : i32
      %dma_start3A_295 = tpu.memref_slice %arg10[%dma_start3A_294] : memref<10240xf32, #tpu.memory_space<vmem_shared>> -> memref<10240xf32, #tpu.memory_space<vmem_shared>>
      %dma_start3A_296 = tpu.memref_slice %arg12[%dma_start3A_287] : memref<8x!tpu.dma_semaphore, #tpu.memory_space<semaphore_mem>> -> memref<1x!tpu.dma_semaphore, #tpu.memory_space<semaphore_mem>>
      %dma_start3A_297 = tpu.memref_squeeze %dma_start3A_296 : memref<1x!tpu.dma_semaphore, #tpu.memory_space<semaphore_mem>> -> memref<!tpu.dma_semaphore, #tpu.memory_space<semaphore_mem>>
      tpu.enqueue_indirect_dma source(%dma_start3A_290 : memref<128xf32, #tpu.memory_space<vmem>>) target(%dma_start3A_295 : memref<10240xf32, #tpu.memory_space<vmem_shared>>) offsets(%dma_start3A_293 : memref<128xi32, #tpu.memory_space<vmem>>) semaphore(%dma_start3A_297 : memref<!tpu.dma_semaphore, #tpu.memory_space<semaphore_mem>>) {add = true}
      %add3A_298 = arith.constant 6 : i32
      %add3A_299 = arith.addi %mul3A_19, %add3A_298 : i32
      %dma_wait3A_300 = arith.constant 6 : i32
      %dma_wait3A_301 = arith.constant 6 : i32
      %dma_wait3A_302 = arith.constant 0 : i32
      %dma_wait3A_303 = tpu.memref_slice %arg9[%dma_wait3A_300, %dma_wait3A_302] : memref<8x128xf32, #tpu.memory_space<vmem>> -> memref<1x128xf32, #tpu.memory_space<vmem>>
      %dma_wait3A_304 = tpu.memref_squeeze %dma_wait3A_303 : memref<1x128xf32, #tpu.memory_space<vmem>> -> memref<128xf32, #tpu.memory_space<vmem>>
      %dma_wait3A_305 = arith.constant 0 : i32
      %dma_wait3A_306 = tpu.memref_slice %arg7[%add3A_299, %dma_wait3A_305] : memref<80x128xi32, #tpu.memory_space<vmem>> -> memref<1x128xi32, #tpu.memory_space<vmem>>
      %dma_wait3A_307 = tpu.memref_squeeze %dma_wait3A_306 : memref<1x128xi32, #tpu.memory_space<vmem>> -> memref<128xi32, #tpu.memory_space<vmem>>
      %dma_wait3A_308 = arith.constant 0 : i32
      %dma_wait3A_309 = tpu.memref_slice %arg4[%dma_wait3A_308] : memref<10240xf32, #tpu.memory_space<hbm>> -> memref<10240xf32, #tpu.memory_space<hbm>>
      %dma_wait3A_310 = tpu.memref_slice %arg11[%dma_wait3A_301] : memref<8x!tpu.dma_semaphore, #tpu.memory_space<semaphore_mem>> -> memref<1x!tpu.dma_semaphore, #tpu.memory_space<semaphore_mem>>
      %dma_wait3A_311 = tpu.memref_squeeze %dma_wait3A_310 : memref<1x!tpu.dma_semaphore, #tpu.memory_space<semaphore_mem>> -> memref<!tpu.dma_semaphore, #tpu.memory_space<semaphore_mem>>
      tpu.wait_indirect_dma semaphore(%dma_wait3A_311 : memref<!tpu.dma_semaphore, #tpu.memory_space<semaphore_mem>>) src(%dma_wait3A_309 : memref<10240xf32, #tpu.memory_space<hbm>>) dst(%dma_wait3A_304 : memref<128xf32, #tpu.memory_space<vmem>>)
      %add3A_312 = arith.constant 6 : i32
      %add3A_313 = arith.addi %mul3A_19, %add3A_312 : i32
      %dma_start3A_314 = arith.constant 6 : i32
      %dma_start3A_315 = arith.constant 6 : i32
      %dma_start3A_316 = arith.constant 0 : i32
      %dma_start3A_317 = tpu.memref_slice %arg9[%dma_start3A_314, %dma_start3A_316] : memref<8x128xf32, #tpu.memory_space<vmem>> -> memref<1x128xf32, #tpu.memory_space<vmem>>
      %dma_start3A_318 = tpu.memref_squeeze %dma_start3A_317 : memref<1x128xf32, #tpu.memory_space<vmem>> -> memref<128xf32, #tpu.memory_space<vmem>>
      %dma_start3A_319 = arith.constant 0 : i32
      %dma_start3A_320 = tpu.memref_slice %arg8[%add3A_313, %dma_start3A_319] : memref<80x128xi32, #tpu.memory_space<vmem>> -> memref<1x128xi32, #tpu.memory_space<vmem>>
      %dma_start3A_321 = tpu.memref_squeeze %dma_start3A_320 : memref<1x128xi32, #tpu.memory_space<vmem>> -> memref<128xi32, #tpu.memory_space<vmem>>
      %dma_start3A_322 = arith.constant 0 : i32
      %dma_start3A_323 = tpu.memref_slice %arg10[%dma_start3A_322] : memref<10240xf32, #tpu.memory_space<vmem_shared>> -> memref<10240xf32, #tpu.memory_space<vmem_shared>>
      %dma_start3A_324 = tpu.memref_slice %arg12[%dma_start3A_315] : memref<8x!tpu.dma_semaphore, #tpu.memory_space<semaphore_mem>> -> memref<1x!tpu.dma_semaphore, #tpu.memory_space<semaphore_mem>>
      %dma_start3A_325 = tpu.memref_squeeze %dma_start3A_324 : memref<1x!tpu.dma_semaphore, #tpu.memory_space<semaphore_mem>> -> memref<!tpu.dma_semaphore, #tpu.memory_space<semaphore_mem>>
      tpu.enqueue_indirect_dma source(%dma_start3A_318 : memref<128xf32, #tpu.memory_space<vmem>>) target(%dma_start3A_323 : memref<10240xf32, #tpu.memory_space<vmem_shared>>) offsets(%dma_start3A_321 : memref<128xi32, #tpu.memory_space<vmem>>) semaphore(%dma_start3A_325 : memref<!tpu.dma_semaphore, #tpu.memory_space<semaphore_mem>>) {add = true}
      %add3A_326 = arith.constant 7 : i32
      %add3A_327 = arith.addi %mul3A_19, %add3A_326 : i32
      %dma_wait3A_328 = arith.constant 7 : i32
      %dma_wait3A_329 = arith.constant 7 : i32
      %dma_wait3A_330 = arith.constant 0 : i32
      %dma_wait3A_331 = tpu.memref_slice %arg9[%dma_wait3A_328, %dma_wait3A_330] : memref<8x128xf32, #tpu.memory_space<vmem>> -> memref<1x128xf32, #tpu.memory_space<vmem>>
      %dma_wait3A_332 = tpu.memref_squeeze %dma_wait3A_331 : memref<1x128xf32, #tpu.memory_space<vmem>> -> memref<128xf32, #tpu.memory_space<vmem>>
      %dma_wait3A_333 = arith.constant 0 : i32
      %dma_wait3A_334 = tpu.memref_slice %arg7[%add3A_327, %dma_wait3A_333] : memref<80x128xi32, #tpu.memory_space<vmem>> -> memref<1x128xi32, #tpu.memory_space<vmem>>
      %dma_wait3A_335 = tpu.memref_squeeze %dma_wait3A_334 : memref<1x128xi32, #tpu.memory_space<vmem>> -> memref<128xi32, #tpu.memory_space<vmem>>
      %dma_wait3A_336 = arith.constant 0 : i32
      %dma_wait3A_337 = tpu.memref_slice %arg4[%dma_wait3A_336] : memref<10240xf32, #tpu.memory_space<hbm>> -> memref<10240xf32, #tpu.memory_space<hbm>>
      %dma_wait3A_338 = tpu.memref_slice %arg11[%dma_wait3A_329] : memref<8x!tpu.dma_semaphore, #tpu.memory_space<semaphore_mem>> -> memref<1x!tpu.dma_semaphore, #tpu.memory_space<semaphore_mem>>
      %dma_wait3A_339 = tpu.memref_squeeze %dma_wait3A_338 : memref<1x!tpu.dma_semaphore, #tpu.memory_space<semaphore_mem>> -> memref<!tpu.dma_semaphore, #tpu.memory_space<semaphore_mem>>
      tpu.wait_indirect_dma semaphore(%dma_wait3A_339 : memref<!tpu.dma_semaphore, #tpu.memory_space<semaphore_mem>>) src(%dma_wait3A_337 : memref<10240xf32, #tpu.memory_space<hbm>>) dst(%dma_wait3A_332 : memref<128xf32, #tpu.memory_space<vmem>>)
      %add3A_340 = arith.constant 7 : i32
      %add3A_341 = arith.addi %mul3A_19, %add3A_340 : i32
      %dma_start3A_342 = arith.constant 7 : i32
      %dma_start3A_343 = arith.constant 7 : i32
      %dma_start3A_344 = arith.constant 0 : i32
      %dma_start3A_345 = tpu.memref_slice %arg9[%dma_start3A_342, %dma_start3A_344] : memref<8x128xf32, #tpu.memory_space<vmem>> -> memref<1x128xf32, #tpu.memory_space<vmem>>
      %dma_start3A_346 = tpu.memref_squeeze %dma_start3A_345 : memref<1x128xf32, #tpu.memory_space<vmem>> -> memref<128xf32, #tpu.memory_space<vmem>>
      %dma_start3A_347 = arith.constant 0 : i32
      %dma_start3A_348 = tpu.memref_slice %arg8[%add3A_341, %dma_start3A_347] : memref<80x128xi32, #tpu.memory_space<vmem>> -> memref<1x128xi32, #tpu.memory_space<vmem>>
      %dma_start3A_349 = tpu.memref_squeeze %dma_start3A_348 : memref<1x128xi32, #tpu.memory_space<vmem>> -> memref<128xi32, #tpu.memory_space<vmem>>
      %dma_start3A_350 = arith.constant 0 : i32
      %dma_start3A_351 = tpu.memref_slice %arg10[%dma_start3A_350] : memref<10240xf32, #tpu.memory_space<vmem_shared>> -> memref<10240xf32, #tpu.memory_space<vmem_shared>>
      %dma_start3A_352 = tpu.memref_slice %arg12[%dma_start3A_343] : memref<8x!tpu.dma_semaphore, #tpu.memory_space<semaphore_mem>> -> memref<1x!tpu.dma_semaphore, #tpu.memory_space<semaphore_mem>>
      %dma_start3A_353 = tpu.memref_squeeze %dma_start3A_352 : memref<1x!tpu.dma_semaphore, #tpu.memory_space<semaphore_mem>> -> memref<!tpu.dma_semaphore, #tpu.memory_space<semaphore_mem>>
      tpu.enqueue_indirect_dma source(%dma_start3A_346 : memref<128xf32, #tpu.memory_space<vmem>>) target(%dma_start3A_351 : memref<10240xf32, #tpu.memory_space<vmem_shared>>) offsets(%dma_start3A_349 : memref<128xi32, #tpu.memory_space<vmem>>) semaphore(%dma_start3A_353 : memref<!tpu.dma_semaphore, #tpu.memory_space<semaphore_mem>>) {add = true}
      %add3A_354 = arith.constant 0 : i32
      %add3A_355 = arith.addi %mul3A_19, %add3A_354 : i32
      %dma_wait3A_356 = arith.constant 0 : i32
      %dma_wait3A_357 = arith.constant 0 : i32
      %dma_wait3A_358 = arith.constant 0 : i32
      %dma_wait3A_359 = tpu.memref_slice %arg9[%dma_wait3A_356, %dma_wait3A_358] : memref<8x128xf32, #tpu.memory_space<vmem>> -> memref<1x128xf32, #tpu.memory_space<vmem>>
      %dma_wait3A_360 = tpu.memref_squeeze %dma_wait3A_359 : memref<1x128xf32, #tpu.memory_space<vmem>> -> memref<128xf32, #tpu.memory_space<vmem>>
      %dma_wait3A_361 = arith.constant 0 : i32
      %dma_wait3A_362 = tpu.memref_slice %arg8[%add3A_355, %dma_wait3A_361] : memref<80x128xi32, #tpu.memory_space<vmem>> -> memref<1x128xi32, #tpu.memory_space<vmem>>
      %dma_wait3A_363 = tpu.memref_squeeze %dma_wait3A_362 : memref<1x128xi32, #tpu.memory_space<vmem>> -> memref<128xi32, #tpu.memory_space<vmem>>
      %dma_wait3A_364 = arith.constant 0 : i32
      %dma_wait3A_365 = tpu.memref_slice %arg10[%dma_wait3A_364] : memref<10240xf32, #tpu.memory_space<vmem_shared>> -> memref<10240xf32, #tpu.memory_space<vmem_shared>>
      %dma_wait3A_366 = tpu.memref_slice %arg12[%dma_wait3A_357] : memref<8x!tpu.dma_semaphore, #tpu.memory_space<semaphore_mem>> -> memref<1x!tpu.dma_semaphore, #tpu.memory_space<semaphore_mem>>
      %dma_wait3A_367 = tpu.memref_squeeze %dma_wait3A_366 : memref<1x!tpu.dma_semaphore, #tpu.memory_space<semaphore_mem>> -> memref<!tpu.dma_semaphore, #tpu.memory_space<semaphore_mem>>
      tpu.wait_indirect_dma semaphore(%dma_wait3A_367 : memref<!tpu.dma_semaphore, #tpu.memory_space<semaphore_mem>>) src(%dma_wait3A_360 : memref<128xf32, #tpu.memory_space<vmem>>) dst(%dma_wait3A_365 : memref<10240xf32, #tpu.memory_space<vmem_shared>>)
      %add3A_368 = arith.constant 1 : i32
      %add3A_369 = arith.addi %mul3A_19, %add3A_368 : i32
      %dma_wait3A_370 = arith.constant 1 : i32
      %dma_wait3A_371 = arith.constant 1 : i32
      %dma_wait3A_372 = arith.constant 0 : i32
      %dma_wait3A_373 = tpu.memref_slice %arg9[%dma_wait3A_370, %dma_wait3A_372] : memref<8x128xf32, #tpu.memory_space<vmem>> -> memref<1x128xf32, #tpu.memory_space<vmem>>
      %dma_wait3A_374 = tpu.memref_squeeze %dma_wait3A_373 : memref<1x128xf32, #tpu.memory_space<vmem>> -> memref<128xf32, #tpu.memory_space<vmem>>
      %dma_wait3A_375 = arith.constant 0 : i32
      %dma_wait3A_376 = tpu.memref_slice %arg8[%add3A_369, %dma_wait3A_375] : memref<80x128xi32, #tpu.memory_space<vmem>> -> memref<1x128xi32, #tpu.memory_space<vmem>>
      %dma_wait3A_377 = tpu.memref_squeeze %dma_wait3A_376 : memref<1x128xi32, #tpu.memory_space<vmem>> -> memref<128xi32, #tpu.memory_space<vmem>>
      %dma_wait3A_378 = arith.constant 0 : i32
      %dma_wait3A_379 = tpu.memref_slice %arg10[%dma_wait3A_378] : memref<10240xf32, #tpu.memory_space<vmem_shared>> -> memref<10240xf32, #tpu.memory_space<vmem_shared>>
      %dma_wait3A_380 = tpu.memref_slice %arg12[%dma_wait3A_371] : memref<8x!tpu.dma_semaphore, #tpu.memory_space<semaphore_mem>> -> memref<1x!tpu.dma_semaphore, #tpu.memory_space<semaphore_mem>>
      %dma_wait3A_381 = tpu.memref_squeeze %dma_wait3A_380 : memref<1x!tpu.dma_semaphore, #tpu.memory_space<semaphore_mem>> -> memref<!tpu.dma_semaphore, #tpu.memory_space<semaphore_mem>>
      tpu.wait_indirect_dma semaphore(%dma_wait3A_381 : memref<!tpu.dma_semaphore, #tpu.memory_space<semaphore_mem>>) src(%dma_wait3A_374 : memref<128xf32, #tpu.memory_space<vmem>>) dst(%dma_wait3A_379 : memref<10240xf32, #tpu.memory_space<vmem_shared>>)
      %add3A_382 = arith.constant 2 : i32
      %add3A_383 = arith.addi %mul3A_19, %add3A_382 : i32
      %dma_wait3A_384 = arith.constant 2 : i32
      %dma_wait3A_385 = arith.constant 2 : i32
      %dma_wait3A_386 = arith.constant 0 : i32
      %dma_wait3A_387 = tpu.memref_slice %arg9[%dma_wait3A_384, %dma_wait3A_386] : memref<8x128xf32, #tpu.memory_space<vmem>> -> memref<1x128xf32, #tpu.memory_space<vmem>>
      %dma_wait3A_388 = tpu.memref_squeeze %dma_wait3A_387 : memref<1x128xf32, #tpu.memory_space<vmem>> -> memref<128xf32, #tpu.memory_space<vmem>>
      %dma_wait3A_389 = arith.constant 0 : i32
      %dma_wait3A_390 = tpu.memref_slice %arg8[%add3A_383, %dma_wait3A_389] : memref<80x128xi32, #tpu.memory_space<vmem>> -> memref<1x128xi32, #tpu.memory_space<vmem>>
      %dma_wait3A_391 = tpu.memref_squeeze %dma_wait3A_390 : memref<1x128xi32, #tpu.memory_space<vmem>> -> memref<128xi32, #tpu.memory_space<vmem>>
      %dma_wait3A_392 = arith.constant 0 : i32
      %dma_wait3A_393 = tpu.memref_slice %arg10[%dma_wait3A_392] : memref<10240xf32, #tpu.memory_space<vmem_shared>> -> memref<10240xf32, #tpu.memory_space<vmem_shared>>
      %dma_wait3A_394 = tpu.memref_slice %arg12[%dma_wait3A_385] : memref<8x!tpu.dma_semaphore, #tpu.memory_space<semaphore_mem>> -> memref<1x!tpu.dma_semaphore, #tpu.memory_space<semaphore_mem>>
      %dma_wait3A_395 = tpu.memref_squeeze %dma_wait3A_394 : memref<1x!tpu.dma_semaphore, #tpu.memory_space<semaphore_mem>> -> memref<!tpu.dma_semaphore, #tpu.memory_space<semaphore_mem>>
      tpu.wait_indirect_dma semaphore(%dma_wait3A_395 : memref<!tpu.dma_semaphore, #tpu.memory_space<semaphore_mem>>) src(%dma_wait3A_388 : memref<128xf32, #tpu.memory_space<vmem>>) dst(%dma_wait3A_393 : memref<10240xf32, #tpu.memory_space<vmem_shared>>)
      %add3A_396 = arith.constant 3 : i32
      %add3A_397 = arith.addi %mul3A_19, %add3A_396 : i32
      %dma_wait3A_398 = arith.constant 3 : i32
      %dma_wait3A_399 = arith.constant 3 : i32
      %dma_wait3A_400 = arith.constant 0 : i32
      %dma_wait3A_401 = tpu.memref_slice %arg9[%dma_wait3A_398, %dma_wait3A_400] : memref<8x128xf32, #tpu.memory_space<vmem>> -> memref<1x128xf32, #tpu.memory_space<vmem>>
      %dma_wait3A_402 = tpu.memref_squeeze %dma_wait3A_401 : memref<1x128xf32, #tpu.memory_space<vmem>> -> memref<128xf32, #tpu.memory_space<vmem>>
      %dma_wait3A_403 = arith.constant 0 : i32
      %dma_wait3A_404 = tpu.memref_slice %arg8[%add3A_397, %dma_wait3A_403] : memref<80x128xi32, #tpu.memory_space<vmem>> -> memref<1x128xi32, #tpu.memory_space<vmem>>
      %dma_wait3A_405 = tpu.memref_squeeze %dma_wait3A_404 : memref<1x128xi32, #tpu.memory_space<vmem>> -> memref<128xi32, #tpu.memory_space<vmem>>
      %dma_wait3A_406 = arith.constant 0 : i32
      %dma_wait3A_407 = tpu.memref_slice %arg10[%dma_wait3A_406] : memref<10240xf32, #tpu.memory_space<vmem_shared>> -> memref<10240xf32, #tpu.memory_space<vmem_shared>>
      %dma_wait3A_408 = tpu.memref_slice %arg12[%dma_wait3A_399] : memref<8x!tpu.dma_semaphore, #tpu.memory_space<semaphore_mem>> -> memref<1x!tpu.dma_semaphore, #tpu.memory_space<semaphore_mem>>
      %dma_wait3A_409 = tpu.memref_squeeze %dma_wait3A_408 : memref<1x!tpu.dma_semaphore, #tpu.memory_space<semaphore_mem>> -> memref<!tpu.dma_semaphore, #tpu.memory_space<semaphore_mem>>
      tpu.wait_indirect_dma semaphore(%dma_wait3A_409 : memref<!tpu.dma_semaphore, #tpu.memory_space<semaphore_mem>>) src(%dma_wait3A_402 : memref<128xf32, #tpu.memory_space<vmem>>) dst(%dma_wait3A_407 : memref<10240xf32, #tpu.memory_space<vmem_shared>>)
      %add3A_410 = arith.constant 4 : i32
      %add3A_411 = arith.addi %mul3A_19, %add3A_410 : i32
      %dma_wait3A_412 = arith.constant 4 : i32
      %dma_wait3A_413 = arith.constant 4 : i32
      %dma_wait3A_414 = arith.constant 0 : i32
      %dma_wait3A_415 = tpu.memref_slice %arg9[%dma_wait3A_412, %dma_wait3A_414] : memref<8x128xf32, #tpu.memory_space<vmem>> -> memref<1x128xf32, #tpu.memory_space<vmem>>
      %dma_wait3A_416 = tpu.memref_squeeze %dma_wait3A_415 : memref<1x128xf32, #tpu.memory_space<vmem>> -> memref<128xf32, #tpu.memory_space<vmem>>
      %dma_wait3A_417 = arith.constant 0 : i32
      %dma_wait3A_418 = tpu.memref_slice %arg8[%add3A_411, %dma_wait3A_417] : memref<80x128xi32, #tpu.memory_space<vmem>> -> memref<1x128xi32, #tpu.memory_space<vmem>>
      %dma_wait3A_419 = tpu.memref_squeeze %dma_wait3A_418 : memref<1x128xi32, #tpu.memory_space<vmem>> -> memref<128xi32, #tpu.memory_space<vmem>>
      %dma_wait3A_420 = arith.constant 0 : i32
      %dma_wait3A_421 = tpu.memref_slice %arg10[%dma_wait3A_420] : memref<10240xf32, #tpu.memory_space<vmem_shared>> -> memref<10240xf32, #tpu.memory_space<vmem_shared>>
      %dma_wait3A_422 = tpu.memref_slice %arg12[%dma_wait3A_413] : memref<8x!tpu.dma_semaphore, #tpu.memory_space<semaphore_mem>> -> memref<1x!tpu.dma_semaphore, #tpu.memory_space<semaphore_mem>>
      %dma_wait3A_423 = tpu.memref_squeeze %dma_wait3A_422 : memref<1x!tpu.dma_semaphore, #tpu.memory_space<semaphore_mem>> -> memref<!tpu.dma_semaphore, #tpu.memory_space<semaphore_mem>>
      tpu.wait_indirect_dma semaphore(%dma_wait3A_423 : memref<!tpu.dma_semaphore, #tpu.memory_space<semaphore_mem>>) src(%dma_wait3A_416 : memref<128xf32, #tpu.memory_space<vmem>>) dst(%dma_wait3A_421 : memref<10240xf32, #tpu.memory_space<vmem_shared>>)
      %add3A_424 = arith.constant 5 : i32
      %add3A_425 = arith.addi %mul3A_19, %add3A_424 : i32
      %dma_wait3A_426 = arith.constant 5 : i32
      %dma_wait3A_427 = arith.constant 5 : i32
      %dma_wait3A_428 = arith.constant 0 : i32
      %dma_wait3A_429 = tpu.memref_slice %arg9[%dma_wait3A_426, %dma_wait3A_428] : memref<8x128xf32, #tpu.memory_space<vmem>> -> memref<1x128xf32, #tpu.memory_space<vmem>>
      %dma_wait3A_430 = tpu.memref_squeeze %dma_wait3A_429 : memref<1x128xf32, #tpu.memory_space<vmem>> -> memref<128xf32, #tpu.memory_space<vmem>>
      %dma_wait3A_431 = arith.constant 0 : i32
      %dma_wait3A_432 = tpu.memref_slice %arg8[%add3A_425, %dma_wait3A_431] : memref<80x128xi32, #tpu.memory_space<vmem>> -> memref<1x128xi32, #tpu.memory_space<vmem>>
      %dma_wait3A_433 = tpu.memref_squeeze %dma_wait3A_432 : memref<1x128xi32, #tpu.memory_space<vmem>> -> memref<128xi32, #tpu.memory_space<vmem>>
      %dma_wait3A_434 = arith.constant 0 : i32
      %dma_wait3A_435 = tpu.memref_slice %arg10[%dma_wait3A_434] : memref<10240xf32, #tpu.memory_space<vmem_shared>> -> memref<10240xf32, #tpu.memory_space<vmem_shared>>
      %dma_wait3A_436 = tpu.memref_slice %arg12[%dma_wait3A_427] : memref<8x!tpu.dma_semaphore, #tpu.memory_space<semaphore_mem>> -> memref<1x!tpu.dma_semaphore, #tpu.memory_space<semaphore_mem>>
      %dma_wait3A_437 = tpu.memref_squeeze %dma_wait3A_436 : memref<1x!tpu.dma_semaphore, #tpu.memory_space<semaphore_mem>> -> memref<!tpu.dma_semaphore, #tpu.memory_space<semaphore_mem>>
      tpu.wait_indirect_dma semaphore(%dma_wait3A_437 : memref<!tpu.dma_semaphore, #tpu.memory_space<semaphore_mem>>) src(%dma_wait3A_430 : memref<128xf32, #tpu.memory_space<vmem>>) dst(%dma_wait3A_435 : memref<10240xf32, #tpu.memory_space<vmem_shared>>)
      %add3A_438 = arith.constant 6 : i32
      %add3A_439 = arith.addi %mul3A_19, %add3A_438 : i32
      %dma_wait3A_440 = arith.constant 6 : i32
      %dma_wait3A_441 = arith.constant 6 : i32
      %dma_wait3A_442 = arith.constant 0 : i32
      %dma_wait3A_443 = tpu.memref_slice %arg9[%dma_wait3A_440, %dma_wait3A_442] : memref<8x128xf32, #tpu.memory_space<vmem>> -> memref<1x128xf32, #tpu.memory_space<vmem>>
      %dma_wait3A_444 = tpu.memref_squeeze %dma_wait3A_443 : memref<1x128xf32, #tpu.memory_space<vmem>> -> memref<128xf32, #tpu.memory_space<vmem>>
      %dma_wait3A_445 = arith.constant 0 : i32
      %dma_wait3A_446 = tpu.memref_slice %arg8[%add3A_439, %dma_wait3A_445] : memref<80x128xi32, #tpu.memory_space<vmem>> -> memref<1x128xi32, #tpu.memory_space<vmem>>
      %dma_wait3A_447 = tpu.memref_squeeze %dma_wait3A_446 : memref<1x128xi32, #tpu.memory_space<vmem>> -> memref<128xi32, #tpu.memory_space<vmem>>
      %dma_wait3A_448 = arith.constant 0 : i32
      %dma_wait3A_449 = tpu.memref_slice %arg10[%dma_wait3A_448] : memref<10240xf32, #tpu.memory_space<vmem_shared>> -> memref<10240xf32, #tpu.memory_space<vmem_shared>>
      %dma_wait3A_450 = tpu.memref_slice %arg12[%dma_wait3A_441] : memref<8x!tpu.dma_semaphore, #tpu.memory_space<semaphore_mem>> -> memref<1x!tpu.dma_semaphore, #tpu.memory_space<semaphore_mem>>
      %dma_wait3A_451 = tpu.memref_squeeze %dma_wait3A_450 : memref<1x!tpu.dma_semaphore, #tpu.memory_space<semaphore_mem>> -> memref<!tpu.dma_semaphore, #tpu.memory_space<semaphore_mem>>
      tpu.wait_indirect_dma semaphore(%dma_wait3A_451 : memref<!tpu.dma_semaphore, #tpu.memory_space<semaphore_mem>>) src(%dma_wait3A_444 : memref<128xf32, #tpu.memory_space<vmem>>) dst(%dma_wait3A_449 : memref<10240xf32, #tpu.memory_space<vmem_shared>>)
      %add3A_452 = arith.constant 7 : i32
      %add3A_453 = arith.addi %mul3A_19, %add3A_452 : i32
      %dma_wait3A_454 = arith.constant 7 : i32
      %dma_wait3A_455 = arith.constant 7 : i32
      %dma_wait3A_456 = arith.constant 0 : i32
      %dma_wait3A_457 = tpu.memref_slice %arg9[%dma_wait3A_454, %dma_wait3A_456] : memref<8x128xf32, #tpu.memory_space<vmem>> -> memref<1x128xf32, #tpu.memory_space<vmem>>
      %dma_wait3A_458 = tpu.memref_squeeze %dma_wait3A_457 : memref<1x128xf32, #tpu.memory_space<vmem>> -> memref<128xf32, #tpu.memory_space<vmem>>
      %dma_wait3A_459 = arith.constant 0 : i32
      %dma_wait3A_460 = tpu.memref_slice %arg8[%add3A_453, %dma_wait3A_459] : memref<80x128xi32, #tpu.memory_space<vmem>> -> memref<1x128xi32, #tpu.memory_space<vmem>>
      %dma_wait3A_461 = tpu.memref_squeeze %dma_wait3A_460 : memref<1x128xi32, #tpu.memory_space<vmem>> -> memref<128xi32, #tpu.memory_space<vmem>>
      %dma_wait3A_462 = arith.constant 0 : i32
      %dma_wait3A_463 = tpu.memref_slice %arg10[%dma_wait3A_462] : memref<10240xf32, #tpu.memory_space<vmem_shared>> -> memref<10240xf32, #tpu.memory_space<vmem_shared>>
      %dma_wait3A_464 = tpu.memref_slice %arg12[%dma_wait3A_455] : memref<8x!tpu.dma_semaphore, #tpu.memory_space<semaphore_mem>> -> memref<1x!tpu.dma_semaphore, #tpu.memory_space<semaphore_mem>>
      %dma_wait3A_465 = tpu.memref_squeeze %dma_wait3A_464 : memref<1x!tpu.dma_semaphore, #tpu.memory_space<semaphore_mem>> -> memref<!tpu.dma_semaphore, #tpu.memory_space<semaphore_mem>>
      tpu.wait_indirect_dma semaphore(%dma_wait3A_465 : memref<!tpu.dma_semaphore, #tpu.memory_space<semaphore_mem>>) src(%dma_wait3A_458 : memref<128xf32, #tpu.memory_space<vmem>>) dst(%dma_wait3A_463 : memref<10240xf32, #tpu.memory_space<vmem_shared>>)
    }
    %scan3A_11 = arith.constant 10 : i32
    %barrier3A_12 = arith.constant 0 : index
    tpu.barrier barrier_id(%barrier3A_12)
    %mul3A_13 = arith.constant 640 : i32
    %mul3A_14 = arith.muli %arg1, %mul3A_13 : i32
    %mul3A_15 = arith.constant 640 : i32
    %mul3A_16 = arith.muli %arg1, %mul3A_15 : i32
    "tpu.region"() ({
      %run_scoped3A = tpu.sem_alloc : memref<!tpu.dma_semaphore, #tpu.memory_space<semaphore_mem>>
      %dma_start3A = tpu.memref_slice %arg6[%arg0, %mul3A_16] : memref<2x10240xf32, #tpu.memory_space<hbm>> -> memref<1x640xf32, #tpu.memory_space<hbm>>
      %dma_start3A_17 = tpu.memref_squeeze %dma_start3A : memref<1x640xf32, #tpu.memory_space<hbm>> -> memref<640xf32, #tpu.memory_space<hbm>>
      %dma_start3A_18 = tpu.memref_slice %arg10[%mul3A_14] : memref<10240xf32, #tpu.memory_space<vmem_shared>> -> memref<640xf32, #tpu.memory_space<vmem_shared>>
      tpu.enqueue_dma source(%dma_start3A_18 : memref<640xf32, #tpu.memory_space<vmem_shared>>) target(%dma_start3A_17 : memref<640xf32, #tpu.memory_space<hbm>>) target_semaphore(%run_scoped3A : memref<!tpu.dma_semaphore, #tpu.memory_space<semaphore_mem>>)
      %dma_wait3A = tpu.memref_slice %arg6[%arg0, %mul3A_16] : memref<2x10240xf32, #tpu.memory_space<hbm>> -> memref<1x640xf32, #tpu.memory_space<hbm>>
      %dma_wait3A_19 = tpu.memref_squeeze %dma_wait3A : memref<1x640xf32, #tpu.memory_space<hbm>> -> memref<640xf32, #tpu.memory_space<hbm>>
      %dma_wait3A_20 = tpu.memref_slice %arg10[%mul3A_14] : memref<10240xf32, #tpu.memory_space<vmem_shared>> -> memref<640xf32, #tpu.memory_space<vmem_shared>>
      tpu.wait_dma2 semaphore(%run_scoped3A : memref<!tpu.dma_semaphore, #tpu.memory_space<semaphore_mem>>) src(%dma_wait3A_20 : memref<640xf32, #tpu.memory_space<vmem_shared>>) dst(%dma_wait3A_19 : memref<640xf32, #tpu.memory_space<hbm>>)
      tpu.yield
    }) : () -> ()
    return
  }
}

#map = affine_map<(d0, d1) -> (0, 0)>
#map1 = affine_map<(d0, d1) -> (0, 0, 0)>
module attributes {stable_mosaic.version = 14 : i64} {
  func.func @_agg_kernel(%arg0: i32, %arg1: i32, %arg2: memref<2560x128xi32, #tpu.memory_space<hbm>>, %arg3: memref<2560x128xi32, #tpu.memory_space<hbm>>, %arg4: memref<10240x128xf32, #tpu.memory_space<hbm>>, %arg5: memref<2x10240x128xf32, #tpu.memory_space<hbm>>, %arg6: memref<2x16x128xi32, #tpu.memory_space<vmem>>, %arg7: memref<2x16x128xi32, #tpu.memory_space<vmem>>, %arg8: memref<2x128x128xf32, #tpu.memory_space<vmem>>, %arg9: memref<10240x128xf32, #tpu.memory_space<vmem_shared>>, %arg10: memref<!tpu.dma_semaphore, #tpu.memory_space<semaphore_mem>>, %arg11: memref<!tpu.dma_semaphore, #tpu.memory_space<semaphore_mem>>, %arg12: memref<!tpu.dma_semaphore, #tpu.memory_space<semaphore_mem>>) attributes {dimension_semantics = [#tpu.dimension_semantics<core_parallel>, #tpu.dimension_semantics<subcore_parallel>], iteration_bounds = array<i64: 2, 16>, scalar_prefetch = 0 : i64, scratch_operands = 7 : i64, tpu.core_type = #tpu.core_type<sc_vector_subcore>, window_params = [{transform_indices = #map}, {transform_indices = #map}, {transform_indices = #map}, {transform_indices = #map1}]} {
    %mul3A = arith.constant 16 : i32
    %mul3A_0 = arith.muli %arg0, %mul3A : i32
    %add3A = arith.addi %mul3A_0, %arg1 : i32
    %mul3A_1 = arith.constant 80 : i32
    %mul3A_2 = arith.muli %add3A, %mul3A_1 : i32
    %run_scoped3A = arith.constant 0 : i32
    "tpu.region"() ({
      %run_scoped3A_16 = tpu.sem_alloc : memref<!tpu.dma_semaphore, #tpu.memory_space<semaphore_mem>>
      %dma_start3A = arith.constant 0 : i32
      %dma_start3A_17 = arith.constant 0 : i32
      %dma_start3A_18 = tpu.memref_slice %arg6[%run_scoped3A, %dma_start3A, %dma_start3A_17] : memref<2x16x128xi32, #tpu.memory_space<vmem>> -> memref<1x16x128xi32, #tpu.memory_space<vmem>>
      %dma_start3A_19 = tpu.memref_squeeze %dma_start3A_18 : memref<1x16x128xi32, #tpu.memory_space<vmem>> -> memref<16x128xi32, #tpu.memory_space<vmem>>
      %dma_start3A_20 = arith.constant 0 : i32
      %dma_start3A_21 = tpu.memref_slice %arg2[%mul3A_2, %dma_start3A_20] : memref<2560x128xi32, #tpu.memory_space<hbm>> -> memref<16x128xi32, #tpu.memory_space<hbm>>
      %dma_start3A_22 = arith.constant 0 : i32
      %dma_start3A_23 = arith.constant 0 : i32
      %dma_start3A_24 = tpu.memref_slice %arg6[%run_scoped3A, %dma_start3A_22, %dma_start3A_23] : memref<2x16x128xi32, #tpu.memory_space<vmem>> -> memref<1x16x128xi32, #tpu.memory_space<vmem>>
      %dma_start3A_25 = tpu.memref_squeeze %dma_start3A_24 : memref<1x16x128xi32, #tpu.memory_space<vmem>> -> memref<16x128xi32, #tpu.memory_space<vmem>>
      %dma_start3A_26 = arith.constant 0 : i32
      %dma_start3A_27 = tpu.memref_slice %arg2[%mul3A_2, %dma_start3A_26] : memref<2560x128xi32, #tpu.memory_space<hbm>> -> memref<16x128xi32, #tpu.memory_space<hbm>>
      tpu.enqueue_dma source(%dma_start3A_27 : memref<16x128xi32, #tpu.memory_space<hbm>>) target(%dma_start3A_25 : memref<16x128xi32, #tpu.memory_space<vmem>>) target_semaphore(%run_scoped3A_16 : memref<!tpu.dma_semaphore, #tpu.memory_space<semaphore_mem>>)
      %dma_wait3A = arith.constant 0 : i32
      %dma_wait3A_28 = arith.constant 0 : i32
      %dma_wait3A_29 = tpu.memref_slice %arg6[%run_scoped3A, %dma_wait3A, %dma_wait3A_28] : memref<2x16x128xi32, #tpu.memory_space<vmem>> -> memref<1x16x128xi32, #tpu.memory_space<vmem>>
      %dma_wait3A_30 = tpu.memref_squeeze %dma_wait3A_29 : memref<1x16x128xi32, #tpu.memory_space<vmem>> -> memref<16x128xi32, #tpu.memory_space<vmem>>
      %dma_wait3A_31 = arith.constant 0 : i32
      %dma_wait3A_32 = tpu.memref_slice %arg2[%mul3A_2, %dma_wait3A_31] : memref<2560x128xi32, #tpu.memory_space<hbm>> -> memref<16x128xi32, #tpu.memory_space<hbm>>
      %dma_wait3A_33 = arith.constant 0 : i32
      %dma_wait3A_34 = arith.constant 0 : i32
      %dma_wait3A_35 = tpu.memref_slice %arg6[%run_scoped3A, %dma_wait3A_33, %dma_wait3A_34] : memref<2x16x128xi32, #tpu.memory_space<vmem>> -> memref<1x16x128xi32, #tpu.memory_space<vmem>>
      %dma_wait3A_36 = tpu.memref_squeeze %dma_wait3A_35 : memref<1x16x128xi32, #tpu.memory_space<vmem>> -> memref<16x128xi32, #tpu.memory_space<vmem>>
      %dma_wait3A_37 = arith.constant 0 : i32
      %dma_wait3A_38 = tpu.memref_slice %arg2[%mul3A_2, %dma_wait3A_37] : memref<2560x128xi32, #tpu.memory_space<hbm>> -> memref<16x128xi32, #tpu.memory_space<hbm>>
      tpu.wait_dma2 semaphore(%run_scoped3A_16 : memref<!tpu.dma_semaphore, #tpu.memory_space<semaphore_mem>>) src(%dma_wait3A_38 : memref<16x128xi32, #tpu.memory_space<hbm>>) dst(%dma_wait3A_36 : memref<16x128xi32, #tpu.memory_space<vmem>>)
      tpu.yield
    }) : () -> ()
    %run_scoped3A_3 = arith.constant 0 : i32
    "tpu.region"() ({
      %run_scoped3A_16 = tpu.sem_alloc : memref<!tpu.dma_semaphore, #tpu.memory_space<semaphore_mem>>
      %dma_start3A = arith.constant 0 : i32
      %dma_start3A_17 = arith.constant 0 : i32
      %dma_start3A_18 = tpu.memref_slice %arg7[%run_scoped3A_3, %dma_start3A, %dma_start3A_17] : memref<2x16x128xi32, #tpu.memory_space<vmem>> -> memref<1x16x128xi32, #tpu.memory_space<vmem>>
      %dma_start3A_19 = tpu.memref_squeeze %dma_start3A_18 : memref<1x16x128xi32, #tpu.memory_space<vmem>> -> memref<16x128xi32, #tpu.memory_space<vmem>>
      %dma_start3A_20 = arith.constant 0 : i32
      %dma_start3A_21 = tpu.memref_slice %arg3[%mul3A_2, %dma_start3A_20] : memref<2560x128xi32, #tpu.memory_space<hbm>> -> memref<16x128xi32, #tpu.memory_space<hbm>>
      %dma_start3A_22 = arith.constant 0 : i32
      %dma_start3A_23 = arith.constant 0 : i32
      %dma_start3A_24 = tpu.memref_slice %arg7[%run_scoped3A_3, %dma_start3A_22, %dma_start3A_23] : memref<2x16x128xi32, #tpu.memory_space<vmem>> -> memref<1x16x128xi32, #tpu.memory_space<vmem>>
      %dma_start3A_25 = tpu.memref_squeeze %dma_start3A_24 : memref<1x16x128xi32, #tpu.memory_space<vmem>> -> memref<16x128xi32, #tpu.memory_space<vmem>>
      %dma_start3A_26 = arith.constant 0 : i32
      %dma_start3A_27 = tpu.memref_slice %arg3[%mul3A_2, %dma_start3A_26] : memref<2560x128xi32, #tpu.memory_space<hbm>> -> memref<16x128xi32, #tpu.memory_space<hbm>>
      tpu.enqueue_dma source(%dma_start3A_27 : memref<16x128xi32, #tpu.memory_space<hbm>>) target(%dma_start3A_25 : memref<16x128xi32, #tpu.memory_space<vmem>>) target_semaphore(%run_scoped3A_16 : memref<!tpu.dma_semaphore, #tpu.memory_space<semaphore_mem>>)
      %dma_wait3A = arith.constant 0 : i32
      %dma_wait3A_28 = arith.constant 0 : i32
      %dma_wait3A_29 = tpu.memref_slice %arg7[%run_scoped3A_3, %dma_wait3A, %dma_wait3A_28] : memref<2x16x128xi32, #tpu.memory_space<vmem>> -> memref<1x16x128xi32, #tpu.memory_space<vmem>>
      %dma_wait3A_30 = tpu.memref_squeeze %dma_wait3A_29 : memref<1x16x128xi32, #tpu.memory_space<vmem>> -> memref<16x128xi32, #tpu.memory_space<vmem>>
      %dma_wait3A_31 = arith.constant 0 : i32
      %dma_wait3A_32 = tpu.memref_slice %arg3[%mul3A_2, %dma_wait3A_31] : memref<2560x128xi32, #tpu.memory_space<hbm>> -> memref<16x128xi32, #tpu.memory_space<hbm>>
      %dma_wait3A_33 = arith.constant 0 : i32
      %dma_wait3A_34 = arith.constant 0 : i32
      %dma_wait3A_35 = tpu.memref_slice %arg7[%run_scoped3A_3, %dma_wait3A_33, %dma_wait3A_34] : memref<2x16x128xi32, #tpu.memory_space<vmem>> -> memref<1x16x128xi32, #tpu.memory_space<vmem>>
      %dma_wait3A_36 = tpu.memref_squeeze %dma_wait3A_35 : memref<1x16x128xi32, #tpu.memory_space<vmem>> -> memref<16x128xi32, #tpu.memory_space<vmem>>
      %dma_wait3A_37 = arith.constant 0 : i32
      %dma_wait3A_38 = tpu.memref_slice %arg3[%mul3A_2, %dma_wait3A_37] : memref<2560x128xi32, #tpu.memory_space<hbm>> -> memref<16x128xi32, #tpu.memory_space<hbm>>
      tpu.wait_dma2 semaphore(%run_scoped3A_16 : memref<!tpu.dma_semaphore, #tpu.memory_space<semaphore_mem>>) src(%dma_wait3A_38 : memref<16x128xi32, #tpu.memory_space<hbm>>) dst(%dma_wait3A_36 : memref<16x128xi32, #tpu.memory_space<vmem>>)
      tpu.yield
    }) : () -> ()
    %eq3A = arith.constant 0 : i32
    %eq3A_4 = arith.cmpi eq, %arg1, %eq3A : i32
    %convert_element_type3A = arith.extui %eq3A_4 : i1 to i32
    %cond3A = arith.constant 0 : i32
    %cond3A_5 = arith.cmpi ne, %convert_element_type3A, %cond3A : i32
    scf.if %cond3A_5 {
      "tpu.region"() ({
        %run_scoped3A_16 = tpu.sem_alloc : memref<!tpu.dma_semaphore, #tpu.memory_space<semaphore_mem>>
        tpu.enqueue_dma source(%arg4 : memref<10240x128xf32, #tpu.memory_space<hbm>>) target(%arg9 : memref<10240x128xf32, #tpu.memory_space<vmem_shared>>) target_semaphore(%run_scoped3A_16 : memref<!tpu.dma_semaphore, #tpu.memory_space<semaphore_mem>>)
        tpu.wait_dma2 semaphore(%run_scoped3A_16 : memref<!tpu.dma_semaphore, #tpu.memory_space<semaphore_mem>>) src(%arg4 : memref<10240x128xf32, #tpu.memory_space<hbm>>) dst(%arg9 : memref<10240x128xf32, #tpu.memory_space<vmem_shared>>)
        tpu.yield
      }) : () -> ()
    } else {
    }
    %barrier3A = arith.constant 0 : index
    tpu.barrier barrier_id(%barrier3A)
    %scan3A = arith.constant 0 : i32
    %scan3A_6 = arith.constant 0 : i32
    %scan3A_7 = arith.constant 5 : i32
    %scan3A_8 = arith.addi %scan3A_6, %scan3A_7 : i32
    %scan3A_9 = arith.constant 1 : i32
    scf.for %scan3A_16 = %scan3A_6 to %scan3A_8 step %scan3A_9  : i32 {
      %rem3A = arith.constant 2 : i32
      %rem3A_17 = arith.remsi %scan3A_16, %rem3A : i32
      %add3A_18 = arith.constant 1 : i32
      %add3A_19 = arith.addi %scan3A_16, %add3A_18 : i32
      %rem3A_20 = arith.constant 2 : i32
      %rem3A_21 = arith.remsi %add3A_19, %rem3A_20 : i32
      %add3A_22 = arith.constant 1 : i32
      %add3A_23 = arith.addi %scan3A_16, %add3A_22 : i32
      %mul3A_24 = arith.constant 16 : i32
      %mul3A_25 = arith.muli %add3A_23, %mul3A_24 : i32
      %add3A_26 = arith.addi %mul3A_2, %mul3A_25 : i32
      %add3A_27 = arith.constant 1 : i32
      %add3A_28 = arith.addi %scan3A_16, %add3A_27 : i32
      %lt3A = arith.constant 5 : i32
      %lt3A_29 = arith.cmpi slt, %add3A_28, %lt3A : i32
      %convert_element_type3A_30 = arith.extui %lt3A_29 : i1 to i32
      %cond3A_31 = arith.constant 0 : i32
      %cond3A_32 = arith.cmpi ne, %convert_element_type3A_30, %cond3A_31 : i32
      scf.if %cond3A_32 {
        %dma_start3A_61 = arith.constant 0 : i32
        %dma_start3A_62 = arith.constant 0 : i32
        %dma_start3A_63 = tpu.memref_slice %arg6[%rem3A_21, %dma_start3A_61, %dma_start3A_62] : memref<2x16x128xi32, #tpu.memory_space<vmem>> -> memref<1x16x128xi32, #tpu.memory_space<vmem>>
        %dma_start3A_64 = tpu.memref_squeeze %dma_start3A_63 : memref<1x16x128xi32, #tpu.memory_space<vmem>> -> memref<16x128xi32, #tpu.memory_space<vmem>>
        %dma_start3A_65 = arith.constant 0 : i32
        %dma_start3A_66 = tpu.memref_slice %arg2[%add3A_26, %dma_start3A_65] : memref<2560x128xi32, #tpu.memory_space<hbm>> -> memref<16x128xi32, #tpu.memory_space<hbm>>
        %dma_start3A_67 = arith.constant 0 : i32
        %dma_start3A_68 = arith.constant 0 : i32
        %dma_start3A_69 = tpu.memref_slice %arg6[%rem3A_21, %dma_start3A_67, %dma_start3A_68] : memref<2x16x128xi32, #tpu.memory_space<vmem>> -> memref<1x16x128xi32, #tpu.memory_space<vmem>>
        %dma_start3A_70 = tpu.memref_squeeze %dma_start3A_69 : memref<1x16x128xi32, #tpu.memory_space<vmem>> -> memref<16x128xi32, #tpu.memory_space<vmem>>
        %dma_start3A_71 = arith.constant 0 : i32
        %dma_start3A_72 = tpu.memref_slice %arg2[%add3A_26, %dma_start3A_71] : memref<2560x128xi32, #tpu.memory_space<hbm>> -> memref<16x128xi32, #tpu.memory_space<hbm>>
        tpu.enqueue_dma source(%dma_start3A_72 : memref<16x128xi32, #tpu.memory_space<hbm>>) target(%dma_start3A_70 : memref<16x128xi32, #tpu.memory_space<vmem>>) target_semaphore(%arg12 : memref<!tpu.dma_semaphore, #tpu.memory_space<semaphore_mem>>)
        %dma_start3A_73 = arith.constant 0 : i32
        %dma_start3A_74 = arith.constant 0 : i32
        %dma_start3A_75 = tpu.memref_slice %arg7[%rem3A_21, %dma_start3A_73, %dma_start3A_74] : memref<2x16x128xi32, #tpu.memory_space<vmem>> -> memref<1x16x128xi32, #tpu.memory_space<vmem>>
        %dma_start3A_76 = tpu.memref_squeeze %dma_start3A_75 : memref<1x16x128xi32, #tpu.memory_space<vmem>> -> memref<16x128xi32, #tpu.memory_space<vmem>>
        %dma_start3A_77 = arith.constant 0 : i32
        %dma_start3A_78 = tpu.memref_slice %arg3[%add3A_26, %dma_start3A_77] : memref<2560x128xi32, #tpu.memory_space<hbm>> -> memref<16x128xi32, #tpu.memory_space<hbm>>
        %dma_start3A_79 = arith.constant 0 : i32
        %dma_start3A_80 = arith.constant 0 : i32
        %dma_start3A_81 = tpu.memref_slice %arg7[%rem3A_21, %dma_start3A_79, %dma_start3A_80] : memref<2x16x128xi32, #tpu.memory_space<vmem>> -> memref<1x16x128xi32, #tpu.memory_space<vmem>>
        %dma_start3A_82 = tpu.memref_squeeze %dma_start3A_81 : memref<1x16x128xi32, #tpu.memory_space<vmem>> -> memref<16x128xi32, #tpu.memory_space<vmem>>
        %dma_start3A_83 = arith.constant 0 : i32
        %dma_start3A_84 = tpu.memref_slice %arg3[%add3A_26, %dma_start3A_83] : memref<2560x128xi32, #tpu.memory_space<hbm>> -> memref<16x128xi32, #tpu.memory_space<hbm>>
        tpu.enqueue_dma source(%dma_start3A_84 : memref<16x128xi32, #tpu.memory_space<hbm>>) target(%dma_start3A_82 : memref<16x128xi32, #tpu.memory_space<vmem>>) target_semaphore(%arg12 : memref<!tpu.dma_semaphore, #tpu.memory_space<semaphore_mem>>)
      } else {
      }
      %dma_start3A = arith.constant 0 : i32
      %dma_start3A_33 = arith.constant 0 : i32
      %dma_start3A_34 = arith.constant 0 : i32
      %dma_start3A_35 = arith.constant 0 : i32
      %dma_start3A_36 = tpu.memref_slice %arg8[%dma_start3A_33, %dma_start3A_34, %dma_start3A_35] : memref<2x128x128xf32, #tpu.memory_space<vmem>> -> memref<1x128x128xf32, #tpu.memory_space<vmem>>
      %dma_start3A_37 = tpu.memref_squeeze %dma_start3A_36 : memref<1x128x128xf32, #tpu.memory_space<vmem>> -> memref<128x128xf32, #tpu.memory_space<vmem>>
      %dma_start3A_38 = arith.constant 0 : i32
      %dma_start3A_39 = arith.constant 0 : i32
      %dma_start3A_40 = tpu.memref_slice %arg6[%rem3A_17, %dma_start3A_38, %dma_start3A_39] : memref<2x16x128xi32, #tpu.memory_space<vmem>> -> memref<1x16x128xi32, #tpu.memory_space<vmem>>
      %dma_start3A_41 = tpu.memref_squeeze %dma_start3A_40 : memref<1x16x128xi32, #tpu.memory_space<vmem>> -> memref<16x128xi32, #tpu.memory_space<vmem>>
      %dma_start3A_42 = arith.constant 0 : i32
      %dma_start3A_43 = tpu.memref_slice %dma_start3A_41[%dma_start3A, %dma_start3A_42] : memref<16x128xi32, #tpu.memory_space<vmem>> -> memref<1x128xi32, #tpu.memory_space<vmem>>
      %dma_start3A_44 = tpu.memref_squeeze %dma_start3A_43 : memref<1x128xi32, #tpu.memory_space<vmem>> -> memref<128xi32, #tpu.memory_space<vmem>>
      %dma_start3A_45 = arith.constant 0 : i32
      %dma_start3A_46 = arith.constant 0 : i32
      %dma_start3A_47 = tpu.memref_slice %arg4[%dma_start3A_45, %dma_start3A_46] : memref<10240x128xf32, #tpu.memory_space<hbm>> -> memref<10240x128xf32, #tpu.memory_space<hbm>>
      tpu.enqueue_indirect_dma source(%dma_start3A_47 : memref<10240x128xf32, #tpu.memory_space<hbm>>) target(%dma_start3A_37 : memref<128x128xf32, #tpu.memory_space<vmem>>) offsets(%dma_start3A_44 : memref<128xi32, #tpu.memory_space<vmem>>) semaphore(%arg10 : memref<!tpu.dma_semaphore, #tpu.memory_space<semaphore_mem>>)
      %scan3A_48 = arith.constant 0 : i32
      %scan3A_49 = arith.constant 0 : i32
      %scan3A_50 = arith.constant 8 : i32
      %scan3A_51 = arith.addi %scan3A_49, %scan3A_50 : i32
      %scan3A_52 = arith.constant 1 : i32
      scf.for %scan3A_61 = %scan3A_49 to %scan3A_51 step %scan3A_52  : i32 {
        %mul3A_62 = arith.constant 2 : i32
        %mul3A_63 = arith.muli %scan3A_61, %mul3A_62 : i32
        %add3A_64 = arith.constant 1 : i32
        %add3A_65 = arith.addi %mul3A_63, %add3A_64 : i32
        %dma_start3A_66 = arith.constant 1 : i32
        %dma_start3A_67 = arith.constant 0 : i32
        %dma_start3A_68 = arith.constant 0 : i32
        %dma_start3A_69 = tpu.memref_slice %arg8[%dma_start3A_66, %dma_start3A_67, %dma_start3A_68] : memref<2x128x128xf32, #tpu.memory_space<vmem>> -> memref<1x128x128xf32, #tpu.memory_space<vmem>>
        %dma_start3A_70 = tpu.memref_squeeze %dma_start3A_69 : memref<1x128x128xf32, #tpu.memory_space<vmem>> -> memref<128x128xf32, #tpu.memory_space<vmem>>
        %dma_start3A_71 = arith.constant 0 : i32
        %dma_start3A_72 = arith.constant 0 : i32
        %dma_start3A_73 = tpu.memref_slice %arg6[%rem3A_17, %dma_start3A_71, %dma_start3A_72] : memref<2x16x128xi32, #tpu.memory_space<vmem>> -> memref<1x16x128xi32, #tpu.memory_space<vmem>>
        %dma_start3A_74 = tpu.memref_squeeze %dma_start3A_73 : memref<1x16x128xi32, #tpu.memory_space<vmem>> -> memref<16x128xi32, #tpu.memory_space<vmem>>
        %dma_start3A_75 = arith.constant 0 : i32
        %dma_start3A_76 = tpu.memref_slice %dma_start3A_74[%add3A_65, %dma_start3A_75] : memref<16x128xi32, #tpu.memory_space<vmem>> -> memref<1x128xi32, #tpu.memory_space<vmem>>
        %dma_start3A_77 = tpu.memref_squeeze %dma_start3A_76 : memref<1x128xi32, #tpu.memory_space<vmem>> -> memref<128xi32, #tpu.memory_space<vmem>>
        %dma_start3A_78 = arith.constant 0 : i32
        %dma_start3A_79 = arith.constant 0 : i32
        %dma_start3A_80 = tpu.memref_slice %arg4[%dma_start3A_78, %dma_start3A_79] : memref<10240x128xf32, #tpu.memory_space<hbm>> -> memref<10240x128xf32, #tpu.memory_space<hbm>>
        tpu.enqueue_indirect_dma source(%dma_start3A_80 : memref<10240x128xf32, #tpu.memory_space<hbm>>) target(%dma_start3A_70 : memref<128x128xf32, #tpu.memory_space<vmem>>) offsets(%dma_start3A_77 : memref<128xi32, #tpu.memory_space<vmem>>) semaphore(%arg11 : memref<!tpu.dma_semaphore, #tpu.memory_space<semaphore_mem>>)
        %dma_wait3A = arith.constant 0 : i32
        %dma_wait3A_81 = arith.constant 0 : i32
        %dma_wait3A_82 = arith.constant 0 : i32
        %dma_wait3A_83 = tpu.memref_slice %arg8[%dma_wait3A, %dma_wait3A_81, %dma_wait3A_82] : memref<2x128x128xf32, #tpu.memory_space<vmem>> -> memref<1x128x128xf32, #tpu.memory_space<vmem>>
        %dma_wait3A_84 = tpu.memref_squeeze %dma_wait3A_83 : memref<1x128x128xf32, #tpu.memory_space<vmem>> -> memref<128x128xf32, #tpu.memory_space<vmem>>
        %dma_wait3A_85 = arith.constant 0 : i32
        %dma_wait3A_86 = arith.constant 0 : i32
        %dma_wait3A_87 = tpu.memref_slice %arg6[%rem3A_17, %dma_wait3A_85, %dma_wait3A_86] : memref<2x16x128xi32, #tpu.memory_space<vmem>> -> memref<1x16x128xi32, #tpu.memory_space<vmem>>
        %dma_wait3A_88 = tpu.memref_squeeze %dma_wait3A_87 : memref<1x16x128xi32, #tpu.memory_space<vmem>> -> memref<16x128xi32, #tpu.memory_space<vmem>>
        %dma_wait3A_89 = arith.constant 0 : i32
        %dma_wait3A_90 = tpu.memref_slice %dma_wait3A_88[%mul3A_63, %dma_wait3A_89] : memref<16x128xi32, #tpu.memory_space<vmem>> -> memref<1x128xi32, #tpu.memory_space<vmem>>
        %dma_wait3A_91 = tpu.memref_squeeze %dma_wait3A_90 : memref<1x128xi32, #tpu.memory_space<vmem>> -> memref<128xi32, #tpu.memory_space<vmem>>
        %dma_wait3A_92 = arith.constant 0 : i32
        %dma_wait3A_93 = arith.constant 0 : i32
        %dma_wait3A_94 = tpu.memref_slice %arg4[%dma_wait3A_92, %dma_wait3A_93] : memref<10240x128xf32, #tpu.memory_space<hbm>> -> memref<10240x128xf32, #tpu.memory_space<hbm>>
        tpu.wait_indirect_dma semaphore(%arg10 : memref<!tpu.dma_semaphore, #tpu.memory_space<semaphore_mem>>) src(%dma_wait3A_94 : memref<10240x128xf32, #tpu.memory_space<hbm>>) dst(%dma_wait3A_84 : memref<128x128xf32, #tpu.memory_space<vmem>>)
        %run_scoped3A_95 = arith.constant 0 : i32
        "tpu.region"() ({
          %run_scoped3A_123 = tpu.sem_alloc : memref<!tpu.dma_semaphore, #tpu.memory_space<semaphore_mem>>
          %dma_start3A_124 = arith.constant 0 : i32
          %dma_start3A_125 = arith.constant 0 : i32
          %dma_start3A_126 = tpu.memref_slice %arg8[%run_scoped3A_95, %dma_start3A_124, %dma_start3A_125] : memref<2x128x128xf32, #tpu.memory_space<vmem>> -> memref<1x128x128xf32, #tpu.memory_space<vmem>>
          %dma_start3A_127 = tpu.memref_squeeze %dma_start3A_126 : memref<1x128x128xf32, #tpu.memory_space<vmem>> -> memref<128x128xf32, #tpu.memory_space<vmem>>
          %dma_start3A_128 = arith.constant 0 : i32
          %dma_start3A_129 = arith.constant 0 : i32
          %dma_start3A_130 = tpu.memref_slice %arg7[%rem3A_17, %dma_start3A_128, %dma_start3A_129] : memref<2x16x128xi32, #tpu.memory_space<vmem>> -> memref<1x16x128xi32, #tpu.memory_space<vmem>>
          %dma_start3A_131 = tpu.memref_squeeze %dma_start3A_130 : memref<1x16x128xi32, #tpu.memory_space<vmem>> -> memref<16x128xi32, #tpu.memory_space<vmem>>
          %dma_start3A_132 = arith.constant 0 : i32
          %dma_start3A_133 = tpu.memref_slice %dma_start3A_131[%mul3A_63, %dma_start3A_132] : memref<16x128xi32, #tpu.memory_space<vmem>> -> memref<1x128xi32, #tpu.memory_space<vmem>>
          %dma_start3A_134 = tpu.memref_squeeze %dma_start3A_133 : memref<1x128xi32, #tpu.memory_space<vmem>> -> memref<128xi32, #tpu.memory_space<vmem>>
          %dma_start3A_135 = arith.constant 0 : i32
          %dma_start3A_136 = arith.constant 0 : i32
          %dma_start3A_137 = tpu.memref_slice %arg9[%dma_start3A_135, %dma_start3A_136] : memref<10240x128xf32, #tpu.memory_space<vmem_shared>> -> memref<10240x128xf32, #tpu.memory_space<vmem_shared>>
          tpu.enqueue_indirect_dma source(%dma_start3A_127 : memref<128x128xf32, #tpu.memory_space<vmem>>) target(%dma_start3A_137 : memref<10240x128xf32, #tpu.memory_space<vmem_shared>>) offsets(%dma_start3A_134 : memref<128xi32, #tpu.memory_space<vmem>>) semaphore(%run_scoped3A_123 : memref<!tpu.dma_semaphore, #tpu.memory_space<semaphore_mem>>) {add = true}
          %dma_wait3A_138 = arith.constant 0 : i32
          %dma_wait3A_139 = arith.constant 0 : i32
          %dma_wait3A_140 = tpu.memref_slice %arg8[%run_scoped3A_95, %dma_wait3A_138, %dma_wait3A_139] : memref<2x128x128xf32, #tpu.memory_space<vmem>> -> memref<1x128x128xf32, #tpu.memory_space<vmem>>
          %dma_wait3A_141 = tpu.memref_squeeze %dma_wait3A_140 : memref<1x128x128xf32, #tpu.memory_space<vmem>> -> memref<128x128xf32, #tpu.memory_space<vmem>>
          %dma_wait3A_142 = arith.constant 0 : i32
          %dma_wait3A_143 = arith.constant 0 : i32
          %dma_wait3A_144 = tpu.memref_slice %arg7[%rem3A_17, %dma_wait3A_142, %dma_wait3A_143] : memref<2x16x128xi32, #tpu.memory_space<vmem>> -> memref<1x16x128xi32, #tpu.memory_space<vmem>>
          %dma_wait3A_145 = tpu.memref_squeeze %dma_wait3A_144 : memref<1x16x128xi32, #tpu.memory_space<vmem>> -> memref<16x128xi32, #tpu.memory_space<vmem>>
          %dma_wait3A_146 = arith.constant 0 : i32
          %dma_wait3A_147 = tpu.memref_slice %dma_wait3A_145[%mul3A_63, %dma_wait3A_146] : memref<16x128xi32, #tpu.memory_space<vmem>> -> memref<1x128xi32, #tpu.memory_space<vmem>>
          %dma_wait3A_148 = tpu.memref_squeeze %dma_wait3A_147 : memref<1x128xi32, #tpu.memory_space<vmem>> -> memref<128xi32, #tpu.memory_space<vmem>>
          %dma_wait3A_149 = arith.constant 0 : i32
          %dma_wait3A_150 = arith.constant 0 : i32
          %dma_wait3A_151 = tpu.memref_slice %arg9[%dma_wait3A_149, %dma_wait3A_150] : memref<10240x128xf32, #tpu.memory_space<vmem_shared>> -> memref<10240x128xf32, #tpu.memory_space<vmem_shared>>
          tpu.wait_indirect_dma semaphore(%run_scoped3A_123 : memref<!tpu.dma_semaphore, #tpu.memory_space<semaphore_mem>>) src(%dma_wait3A_141 : memref<128x128xf32, #tpu.memory_space<vmem>>) dst(%dma_wait3A_151 : memref<10240x128xf32, #tpu.memory_space<vmem_shared>>)
          tpu.yield
        }) : () -> ()
        %add3A_96 = arith.constant 2 : i32
        %add3A_97 = arith.addi %mul3A_63, %add3A_96 : i32
        %lt3A_98 = arith.constant 16 : i32
        %lt3A_99 = arith.cmpi slt, %add3A_97, %lt3A_98 : i32
        %convert_element_type3A_100 = arith.extui %lt3A_99 : i1 to i32
        %cond3A_101 = arith.constant 0 : i32
        %cond3A_102 = arith.cmpi ne, %convert_element_type3A_100, %cond3A_101 : i32
        scf.if %cond3A_102 {
          %add3A_123 = arith.constant 2 : i32
          %add3A_124 = arith.addi %mul3A_63, %add3A_123 : i32
          %dma_start3A_125 = arith.constant 0 : i32
          %dma_start3A_126 = arith.constant 0 : i32
          %dma_start3A_127 = arith.constant 0 : i32
          %dma_start3A_128 = tpu.memref_slice %arg8[%dma_start3A_125, %dma_start3A_126, %dma_start3A_127] : memref<2x128x128xf32, #tpu.memory_space<vmem>> -> memref<1x128x128xf32, #tpu.memory_space<vmem>>
          %dma_start3A_129 = tpu.memref_squeeze %dma_start3A_128 : memref<1x128x128xf32, #tpu.memory_space<vmem>> -> memref<128x128xf32, #tpu.memory_space<vmem>>
          %dma_start3A_130 = arith.constant 0 : i32
          %dma_start3A_131 = arith.constant 0 : i32
          %dma_start3A_132 = tpu.memref_slice %arg6[%rem3A_17, %dma_start3A_130, %dma_start3A_131] : memref<2x16x128xi32, #tpu.memory_space<vmem>> -> memref<1x16x128xi32, #tpu.memory_space<vmem>>
          %dma_start3A_133 = tpu.memref_squeeze %dma_start3A_132 : memref<1x16x128xi32, #tpu.memory_space<vmem>> -> memref<16x128xi32, #tpu.memory_space<vmem>>
          %dma_start3A_134 = arith.constant 0 : i32
          %dma_start3A_135 = tpu.memref_slice %dma_start3A_133[%add3A_124, %dma_start3A_134] : memref<16x128xi32, #tpu.memory_space<vmem>> -> memref<1x128xi32, #tpu.memory_space<vmem>>
          %dma_start3A_136 = tpu.memref_squeeze %dma_start3A_135 : memref<1x128xi32, #tpu.memory_space<vmem>> -> memref<128xi32, #tpu.memory_space<vmem>>
          %dma_start3A_137 = arith.constant 0 : i32
          %dma_start3A_138 = arith.constant 0 : i32
          %dma_start3A_139 = tpu.memref_slice %arg4[%dma_start3A_137, %dma_start3A_138] : memref<10240x128xf32, #tpu.memory_space<hbm>> -> memref<10240x128xf32, #tpu.memory_space<hbm>>
          tpu.enqueue_indirect_dma source(%dma_start3A_139 : memref<10240x128xf32, #tpu.memory_space<hbm>>) target(%dma_start3A_129 : memref<128x128xf32, #tpu.memory_space<vmem>>) offsets(%dma_start3A_136 : memref<128xi32, #tpu.memory_space<vmem>>) semaphore(%arg10 : memref<!tpu.dma_semaphore, #tpu.memory_space<semaphore_mem>>)
        } else {
        }
        %add3A_103 = arith.constant 1 : i32
        %add3A_104 = arith.addi %mul3A_63, %add3A_103 : i32
        %dma_wait3A_105 = arith.constant 1 : i32
        %dma_wait3A_106 = arith.constant 0 : i32
        %dma_wait3A_107 = arith.constant 0 : i32
        %dma_wait3A_108 = tpu.memref_slice %arg8[%dma_wait3A_105, %dma_wait3A_106, %dma_wait3A_107] : memref<2x128x128xf32, #tpu.memory_space<vmem>> -> memref<1x128x128xf32, #tpu.memory_space<vmem>>
        %dma_wait3A_109 = tpu.memref_squeeze %dma_wait3A_108 : memref<1x128x128xf32, #tpu.memory_space<vmem>> -> memref<128x128xf32, #tpu.memory_space<vmem>>
        %dma_wait3A_110 = arith.constant 0 : i32
        %dma_wait3A_111 = arith.constant 0 : i32
        %dma_wait3A_112 = tpu.memref_slice %arg6[%rem3A_17, %dma_wait3A_110, %dma_wait3A_111] : memref<2x16x128xi32, #tpu.memory_space<vmem>> -> memref<1x16x128xi32, #tpu.memory_space<vmem>>
        %dma_wait3A_113 = tpu.memref_squeeze %dma_wait3A_112 : memref<1x16x128xi32, #tpu.memory_space<vmem>> -> memref<16x128xi32, #tpu.memory_space<vmem>>
        %dma_wait3A_114 = arith.constant 0 : i32
        %dma_wait3A_115 = tpu.memref_slice %dma_wait3A_113[%add3A_104, %dma_wait3A_114] : memref<16x128xi32, #tpu.memory_space<vmem>> -> memref<1x128xi32, #tpu.memory_space<vmem>>
        %dma_wait3A_116 = tpu.memref_squeeze %dma_wait3A_115 : memref<1x128xi32, #tpu.memory_space<vmem>> -> memref<128xi32, #tpu.memory_space<vmem>>
        %dma_wait3A_117 = arith.constant 0 : i32
        %dma_wait3A_118 = arith.constant 0 : i32
        %dma_wait3A_119 = tpu.memref_slice %arg4[%dma_wait3A_117, %dma_wait3A_118] : memref<10240x128xf32, #tpu.memory_space<hbm>> -> memref<10240x128xf32, #tpu.memory_space<hbm>>
        tpu.wait_indirect_dma semaphore(%arg11 : memref<!tpu.dma_semaphore, #tpu.memory_space<semaphore_mem>>) src(%dma_wait3A_119 : memref<10240x128xf32, #tpu.memory_space<hbm>>) dst(%dma_wait3A_109 : memref<128x128xf32, #tpu.memory_space<vmem>>)
        %add3A_120 = arith.constant 1 : i32
        %add3A_121 = arith.addi %mul3A_63, %add3A_120 : i32
        %run_scoped3A_122 = arith.constant 1 : i32
        "tpu.region"() ({
          %run_scoped3A_123 = tpu.sem_alloc : memref<!tpu.dma_semaphore, #tpu.memory_space<semaphore_mem>>
          %dma_start3A_124 = arith.constant 0 : i32
          %dma_start3A_125 = arith.constant 0 : i32
          %dma_start3A_126 = tpu.memref_slice %arg8[%run_scoped3A_122, %dma_start3A_124, %dma_start3A_125] : memref<2x128x128xf32, #tpu.memory_space<vmem>> -> memref<1x128x128xf32, #tpu.memory_space<vmem>>
          %dma_start3A_127 = tpu.memref_squeeze %dma_start3A_126 : memref<1x128x128xf32, #tpu.memory_space<vmem>> -> memref<128x128xf32, #tpu.memory_space<vmem>>
          %dma_start3A_128 = arith.constant 0 : i32
          %dma_start3A_129 = arith.constant 0 : i32
          %dma_start3A_130 = tpu.memref_slice %arg7[%rem3A_17, %dma_start3A_128, %dma_start3A_129] : memref<2x16x128xi32, #tpu.memory_space<vmem>> -> memref<1x16x128xi32, #tpu.memory_space<vmem>>
          %dma_start3A_131 = tpu.memref_squeeze %dma_start3A_130 : memref<1x16x128xi32, #tpu.memory_space<vmem>> -> memref<16x128xi32, #tpu.memory_space<vmem>>
          %dma_start3A_132 = arith.constant 0 : i32
          %dma_start3A_133 = tpu.memref_slice %dma_start3A_131[%add3A_121, %dma_start3A_132] : memref<16x128xi32, #tpu.memory_space<vmem>> -> memref<1x128xi32, #tpu.memory_space<vmem>>
          %dma_start3A_134 = tpu.memref_squeeze %dma_start3A_133 : memref<1x128xi32, #tpu.memory_space<vmem>> -> memref<128xi32, #tpu.memory_space<vmem>>
          %dma_start3A_135 = arith.constant 0 : i32
          %dma_start3A_136 = arith.constant 0 : i32
          %dma_start3A_137 = tpu.memref_slice %arg9[%dma_start3A_135, %dma_start3A_136] : memref<10240x128xf32, #tpu.memory_space<vmem_shared>> -> memref<10240x128xf32, #tpu.memory_space<vmem_shared>>
          tpu.enqueue_indirect_dma source(%dma_start3A_127 : memref<128x128xf32, #tpu.memory_space<vmem>>) target(%dma_start3A_137 : memref<10240x128xf32, #tpu.memory_space<vmem_shared>>) offsets(%dma_start3A_134 : memref<128xi32, #tpu.memory_space<vmem>>) semaphore(%run_scoped3A_123 : memref<!tpu.dma_semaphore, #tpu.memory_space<semaphore_mem>>) {add = true}
          %dma_wait3A_138 = arith.constant 0 : i32
          %dma_wait3A_139 = arith.constant 0 : i32
          %dma_wait3A_140 = tpu.memref_slice %arg8[%run_scoped3A_122, %dma_wait3A_138, %dma_wait3A_139] : memref<2x128x128xf32, #tpu.memory_space<vmem>> -> memref<1x128x128xf32, #tpu.memory_space<vmem>>
          %dma_wait3A_141 = tpu.memref_squeeze %dma_wait3A_140 : memref<1x128x128xf32, #tpu.memory_space<vmem>> -> memref<128x128xf32, #tpu.memory_space<vmem>>
          %dma_wait3A_142 = arith.constant 0 : i32
          %dma_wait3A_143 = arith.constant 0 : i32
          %dma_wait3A_144 = tpu.memref_slice %arg7[%rem3A_17, %dma_wait3A_142, %dma_wait3A_143] : memref<2x16x128xi32, #tpu.memory_space<vmem>> -> memref<1x16x128xi32, #tpu.memory_space<vmem>>
          %dma_wait3A_145 = tpu.memref_squeeze %dma_wait3A_144 : memref<1x16x128xi32, #tpu.memory_space<vmem>> -> memref<16x128xi32, #tpu.memory_space<vmem>>
          %dma_wait3A_146 = arith.constant 0 : i32
          %dma_wait3A_147 = tpu.memref_slice %dma_wait3A_145[%add3A_121, %dma_wait3A_146] : memref<16x128xi32, #tpu.memory_space<vmem>> -> memref<1x128xi32, #tpu.memory_space<vmem>>
          %dma_wait3A_148 = tpu.memref_squeeze %dma_wait3A_147 : memref<1x128xi32, #tpu.memory_space<vmem>> -> memref<128xi32, #tpu.memory_space<vmem>>
          %dma_wait3A_149 = arith.constant 0 : i32
          %dma_wait3A_150 = arith.constant 0 : i32
          %dma_wait3A_151 = tpu.memref_slice %arg9[%dma_wait3A_149, %dma_wait3A_150] : memref<10240x128xf32, #tpu.memory_space<vmem_shared>> -> memref<10240x128xf32, #tpu.memory_space<vmem_shared>>
          tpu.wait_indirect_dma semaphore(%run_scoped3A_123 : memref<!tpu.dma_semaphore, #tpu.memory_space<semaphore_mem>>) src(%dma_wait3A_141 : memref<128x128xf32, #tpu.memory_space<vmem>>) dst(%dma_wait3A_151 : memref<10240x128xf32, #tpu.memory_space<vmem_shared>>)
          tpu.yield
        }) : () -> ()
      }
      %scan3A_53 = arith.constant 8 : i32
      %add3A_54 = arith.constant 1 : i32
      %add3A_55 = arith.addi %scan3A_16, %add3A_54 : i32
      %lt3A_56 = arith.constant 5 : i32
      %lt3A_57 = arith.cmpi slt, %add3A_55, %lt3A_56 : i32
      %convert_element_type3A_58 = arith.extui %lt3A_57 : i1 to i32
      %cond3A_59 = arith.constant 0 : i32
      %cond3A_60 = arith.cmpi ne, %convert_element_type3A_58, %cond3A_59 : i32
      scf.if %cond3A_60 {
        %dma_wait3A = arith.constant 0 : i32
        %dma_wait3A_61 = arith.constant 0 : i32
        %dma_wait3A_62 = tpu.memref_slice %arg6[%rem3A_21, %dma_wait3A, %dma_wait3A_61] : memref<2x16x128xi32, #tpu.memory_space<vmem>> -> memref<1x16x128xi32, #tpu.memory_space<vmem>>
        %dma_wait3A_63 = tpu.memref_squeeze %dma_wait3A_62 : memref<1x16x128xi32, #tpu.memory_space<vmem>> -> memref<16x128xi32, #tpu.memory_space<vmem>>
        %dma_wait3A_64 = arith.constant 0 : i32
        %dma_wait3A_65 = tpu.memref_slice %arg2[%add3A_26, %dma_wait3A_64] : memref<2560x128xi32, #tpu.memory_space<hbm>> -> memref<16x128xi32, #tpu.memory_space<hbm>>
        %dma_wait3A_66 = arith.constant 0 : i32
        %dma_wait3A_67 = arith.constant 0 : i32
        %dma_wait3A_68 = tpu.memref_slice %arg6[%rem3A_21, %dma_wait3A_66, %dma_wait3A_67] : memref<2x16x128xi32, #tpu.memory_space<vmem>> -> memref<1x16x128xi32, #tpu.memory_space<vmem>>
        %dma_wait3A_69 = tpu.memref_squeeze %dma_wait3A_68 : memref<1x16x128xi32, #tpu.memory_space<vmem>> -> memref<16x128xi32, #tpu.memory_space<vmem>>
        %dma_wait3A_70 = arith.constant 0 : i32
        %dma_wait3A_71 = tpu.memref_slice %arg2[%add3A_26, %dma_wait3A_70] : memref<2560x128xi32, #tpu.memory_space<hbm>> -> memref<16x128xi32, #tpu.memory_space<hbm>>
        tpu.wait_dma2 semaphore(%arg12 : memref<!tpu.dma_semaphore, #tpu.memory_space<semaphore_mem>>) src(%dma_wait3A_71 : memref<16x128xi32, #tpu.memory_space<hbm>>) dst(%dma_wait3A_69 : memref<16x128xi32, #tpu.memory_space<vmem>>)
        %dma_wait3A_72 = arith.constant 0 : i32
        %dma_wait3A_73 = arith.constant 0 : i32
        %dma_wait3A_74 = tpu.memref_slice %arg7[%rem3A_21, %dma_wait3A_72, %dma_wait3A_73] : memref<2x16x128xi32, #tpu.memory_space<vmem>> -> memref<1x16x128xi32, #tpu.memory_space<vmem>>
        %dma_wait3A_75 = tpu.memref_squeeze %dma_wait3A_74 : memref<1x16x128xi32, #tpu.memory_space<vmem>> -> memref<16x128xi32, #tpu.memory_space<vmem>>
        %dma_wait3A_76 = arith.constant 0 : i32
        %dma_wait3A_77 = tpu.memref_slice %arg3[%add3A_26, %dma_wait3A_76] : memref<2560x128xi32, #tpu.memory_space<hbm>> -> memref<16x128xi32, #tpu.memory_space<hbm>>
        %dma_wait3A_78 = arith.constant 0 : i32
        %dma_wait3A_79 = arith.constant 0 : i32
        %dma_wait3A_80 = tpu.memref_slice %arg7[%rem3A_21, %dma_wait3A_78, %dma_wait3A_79] : memref<2x16x128xi32, #tpu.memory_space<vmem>> -> memref<1x16x128xi32, #tpu.memory_space<vmem>>
        %dma_wait3A_81 = tpu.memref_squeeze %dma_wait3A_80 : memref<1x16x128xi32, #tpu.memory_space<vmem>> -> memref<16x128xi32, #tpu.memory_space<vmem>>
        %dma_wait3A_82 = arith.constant 0 : i32
        %dma_wait3A_83 = tpu.memref_slice %arg3[%add3A_26, %dma_wait3A_82] : memref<2560x128xi32, #tpu.memory_space<hbm>> -> memref<16x128xi32, #tpu.memory_space<hbm>>
        tpu.wait_dma2 semaphore(%arg12 : memref<!tpu.dma_semaphore, #tpu.memory_space<semaphore_mem>>) src(%dma_wait3A_83 : memref<16x128xi32, #tpu.memory_space<hbm>>) dst(%dma_wait3A_81 : memref<16x128xi32, #tpu.memory_space<vmem>>)
      } else {
      }
    }
    %scan3A_10 = arith.constant 5 : i32
    %barrier3A_11 = arith.constant 0 : index
    tpu.barrier barrier_id(%barrier3A_11)
    %mul3A_12 = arith.constant 640 : i32
    %mul3A_13 = arith.muli %arg1, %mul3A_12 : i32
    %mul3A_14 = arith.constant 640 : i32
    %mul3A_15 = arith.muli %arg1, %mul3A_14 : i32
    "tpu.region"() ({
      %run_scoped3A_16 = tpu.sem_alloc : memref<!tpu.dma_semaphore, #tpu.memory_space<semaphore_mem>>
      %dma_start3A = arith.constant 0 : i32
      %dma_start3A_17 = tpu.memref_slice %arg5[%arg0, %mul3A_15, %dma_start3A] : memref<2x10240x128xf32, #tpu.memory_space<hbm>> -> memref<1x640x128xf32, #tpu.memory_space<hbm>>
      %dma_start3A_18 = tpu.memref_squeeze %dma_start3A_17 : memref<1x640x128xf32, #tpu.memory_space<hbm>> -> memref<640x128xf32, #tpu.memory_space<hbm>>
      %dma_start3A_19 = arith.constant 0 : i32
      %dma_start3A_20 = tpu.memref_slice %arg9[%mul3A_13, %dma_start3A_19] : memref<10240x128xf32, #tpu.memory_space<vmem_shared>> -> memref<640x128xf32, #tpu.memory_space<vmem_shared>>
      tpu.enqueue_dma source(%dma_start3A_20 : memref<640x128xf32, #tpu.memory_space<vmem_shared>>) target(%dma_start3A_18 : memref<640x128xf32, #tpu.memory_space<hbm>>) target_semaphore(%run_scoped3A_16 : memref<!tpu.dma_semaphore, #tpu.memory_space<semaphore_mem>>)
      %dma_wait3A = arith.constant 0 : i32
      %dma_wait3A_21 = tpu.memref_slice %arg5[%arg0, %mul3A_15, %dma_wait3A] : memref<2x10240x128xf32, #tpu.memory_space<hbm>> -> memref<1x640x128xf32, #tpu.memory_space<hbm>>
      %dma_wait3A_22 = tpu.memref_squeeze %dma_wait3A_21 : memref<1x640x128xf32, #tpu.memory_space<hbm>> -> memref<640x128xf32, #tpu.memory_space<hbm>>
      %dma_wait3A_23 = arith.constant 0 : i32
      %dma_wait3A_24 = tpu.memref_slice %arg9[%mul3A_13, %dma_wait3A_23] : memref<10240x128xf32, #tpu.memory_space<vmem_shared>> -> memref<640x128xf32, #tpu.memory_space<vmem_shared>>
      tpu.wait_dma2 semaphore(%run_scoped3A_16 : memref<!tpu.dma_semaphore, #tpu.memory_space<semaphore_mem>>) src(%dma_wait3A_24 : memref<640x128xf32, #tpu.memory_space<vmem_shared>>) dst(%dma_wait3A_22 : memref<640x128xf32, #tpu.memory_space<hbm>>)
      tpu.yield
    }) : () -> ()
    return
  }
}

module attributes {stable_mosaic.version = 14 : i64} {
  func.func @_mm1_body(%arg0: i32, %arg1: memref<1024x128xf32, #tpu.memory_space<vmem>>, %arg2: memref<128x128xf32, #tpu.memory_space<vmem>>, %arg3: memref<2x1024xf32, #tpu.memory_space<vmem>>, %arg4: memref<1024x128xf32, #tpu.memory_space<vmem>>, %arg5: memref<1024xf32, #tpu.memory_space<vmem>>) attributes {dimension_semantics = [#tpu.dimension_semantics<arbitrary>], iteration_bounds = array<i64: 10>, scalar_prefetch = 0 : i64, scratch_operands = 0 : i64, tpu.core_type = #tpu.core_type<tc>, window_params = [{transform_indices = @transform_0, window_bounds = array<i64: 1024, 128>}, {pipeline_mode = #tpu.pipeline_mode<synchronous>, transform_indices = @transform_1, window_bounds = array<i64: 128, 128>}, {transform_indices = @transform_2, window_bounds = array<i64: 2, 1024>}, {transform_indices = @transform_3, window_bounds = array<i64: 1024, 128>}, {transform_indices = @transform_4, window_bounds = array<i64: 1024>}]} {
    %get3A = arith.constant 0 : index
    %get3A_0 = arith.constant 0 : index
    %get3A_1 = vector.load %arg1[%get3A, %get3A_0] : memref<1024x128xf32, #tpu.memory_space<vmem>>, vector<1024x128xf32>
    %get3A_2 = arith.constant 0 : index
    %get3A_3 = arith.constant 0 : index
    %get3A_4 = vector.load %arg2[%get3A_2, %get3A_3] : memref<128x128xf32, #tpu.memory_space<vmem>>, vector<128x128xf32>
    %dot_general3A = arith.constant dense<0.000000e+00> : vector<1024x128xf32>
    %dot_general3A_5 = tpu.matmul %get3A_1, %get3A_4, %dot_general3A {dimension_numbers = #tpu.dot_dimension_numbers<[1], [0], [0], [1], [0, 0, 1, 1], [], []>, transpose_lhs_hint = false} : vector<1024x128xf32>, vector<128x128xf32>, vector<1024x128xf32> -> vector<1024x128xf32>
    %get3A_6 = arith.constant 0 : index
    %get3A_7 = arith.constant 0 : index
    %get3A_8 = vector.load %arg3[%get3A_6, %get3A_7] : memref<2x1024xf32, #tpu.memory_space<vmem>>, vector<1x1024xf32>
    %get3A_9 = arith.constant 1 : index
    %get3A_10 = arith.constant 0 : index
    %get3A_11 = vector.load %arg3[%get3A_9, %get3A_10] : memref<2x1024xf32, #tpu.memory_space<vmem>>, vector<1x1024xf32>
    %add3A = arith.addf %get3A_8, %get3A_11 : vector<1x1024xf32>
    %add3A_12 = arith.constant 1.000000e+00 : f32
    %add3A_13 = vector.broadcast %add3A_12 : f32 to vector<1x1024xf32>
    %add3A_14 = arith.addf %add3A, %add3A_13 : vector<1x1024xf32>
    %rsqrt3A = math.rsqrt %add3A_14 : vector<1x1024xf32>
    %transpose3A = tpu.transpose %rsqrt3A, [1, 0] : vector<1x1024xf32> -> vector<1024x1xf32>
    %mul3A = vector.broadcast %transpose3A : vector<1024x1xf32> to vector<1024x128xf32>
    %mul3A_15 = arith.mulf %dot_general3A_5, %mul3A : vector<1024x128xf32>
    %swap3A = arith.constant 0 : index
    %swap3A_16 = arith.constant 0 : index
    %swap3A_17 = vector.load %arg4[%swap3A, %swap3A_16] : memref<1024x128xf32, #tpu.memory_space<vmem>>, vector<1024x128xf32>
    tpu.vector_store %arg4[%swap3A, %swap3A_16], %mul3A_15 {strides = array<i32>} : memref<1024x128xf32, #tpu.memory_space<vmem>>, vector<1024x128xf32>,
    %reshape3A = vector.shape_cast %rsqrt3A : vector<1x1024xf32> to vector<1024xf32>
    %swap3A_18 = arith.constant 0 : index
    %swap3A_19 = vector.load %arg5[%swap3A_18] : memref<1024xf32, #tpu.memory_space<vmem>>, vector<1024xf32>
    tpu.vector_store %arg5[%swap3A_18], %reshape3A {strides = array<i32>} : memref<1024xf32, #tpu.memory_space<vmem>>, vector<1024xf32>,
    return
  }
  func.func @transform_0(%arg0: i32) -> (i32, i32) {
    %c0_i32 = arith.constant 0 : i32
    %c0_i32_0 = arith.constant 0 : i32
    return %arg0, %c0_i32 : i32, i32
  }
  func.func @transform_1(%arg0: i32) -> (i32, i32) {
    %c0_i32 = arith.constant 0 : i32
    %c0_i32_0 = arith.constant 0 : i32
    %c0_i32_1 = arith.constant 0 : i32
    return %c0_i32, %c0_i32_0 : i32, i32
  }
  func.func @transform_2(%arg0: i32) -> (i32, i32) {
    %c0_i32 = arith.constant 0 : i32
    %c0_i32_0 = arith.constant 0 : i32
    return %c0_i32, %arg0 : i32, i32
  }
  func.func @transform_3(%arg0: i32) -> (i32, i32) {
    %c0_i32 = arith.constant 0 : i32
    %c0_i32_0 = arith.constant 0 : i32
    return %arg0, %c0_i32 : i32, i32
  }
  func.func @transform_4(%arg0: i32) -> i32 {
    %c0_i32 = arith.constant 0 : i32
    return %arg0 : i32
  }
}

module attributes {stable_mosaic.version = 14 : i64} {
  func.func @_mm2_body(%arg0: i32, %arg1: memref<1x1024x128xf32, #tpu.memory_space<vmem>>, %arg2: memref<1x1024x128xf32, #tpu.memory_space<vmem>>, %arg3: memref<1024x128xf32, #tpu.memory_space<vmem>>, %arg4: memref<1024xf32, #tpu.memory_space<vmem>>, %arg5: memref<128x1xf32, #tpu.memory_space<vmem>>, %arg6: memref<1x128xf32, #tpu.memory_space<vmem>>, %arg7: memref<1024xf32, #tpu.memory_space<vmem>>) attributes {dimension_semantics = [#tpu.dimension_semantics<arbitrary>], iteration_bounds = array<i64: 10>, scalar_prefetch = 0 : i64, scratch_operands = 0 : i64, tpu.core_type = #tpu.core_type<tc>, window_params = [{transform_indices = @transform_0, window_bounds = array<i64: 1, 1024, 128>}, {transform_indices = @transform_1, window_bounds = array<i64: 1, 1024, 128>}, {transform_indices = @transform_2, window_bounds = array<i64: 1024, 128>}, {transform_indices = @transform_3, window_bounds = array<i64: 1024>}, {pipeline_mode = #tpu.pipeline_mode<synchronous>, transform_indices = @transform_4, window_bounds = array<i64: 128, 1>}, {pipeline_mode = #tpu.pipeline_mode<synchronous>, transform_indices = @transform_5, window_bounds = array<i64: 1, 128>}, {transform_indices = @transform_6, window_bounds = array<i64: 1024>}]} {
    %get3A = arith.constant 0 : index
    %get3A_0 = vector.load %arg4[%get3A] : memref<1024xf32, #tpu.memory_space<vmem>>, vector<1024xf32>
    %reshape3A = vector.shape_cast %get3A_0 : vector<1024xf32> to vector<1x1024xf32>
    %transpose3A = tpu.transpose %reshape3A, [1, 0] : vector<1x1024xf32> -> vector<1024x1xf32>
    %get3A_1 = arith.constant 0 : index
    %get3A_2 = arith.constant 0 : index
    %get3A_3 = arith.constant 0 : index
    %get3A_4 = vector.load %arg1[%get3A_1, %get3A_2, %get3A_3] : memref<1x1024x128xf32, #tpu.memory_space<vmem>>, vector<1x1024x128xf32>
    %get3A_5 = vector.shape_cast %get3A_4 : vector<1x1024x128xf32> to vector<1024x128xf32>
    %get3A_6 = arith.constant 0 : index
    %get3A_7 = arith.constant 0 : index
    %get3A_8 = arith.constant 0 : index
    %get3A_9 = vector.load %arg2[%get3A_6, %get3A_7, %get3A_8] : memref<1x1024x128xf32, #tpu.memory_space<vmem>>, vector<1x1024x128xf32>
    %get3A_10 = vector.shape_cast %get3A_9 : vector<1x1024x128xf32> to vector<1024x128xf32>
    %add3A = arith.addf %get3A_5, %get3A_10 : vector<1024x128xf32>
    %get3A_11 = arith.constant 0 : index
    %get3A_12 = arith.constant 0 : index
    %get3A_13 = vector.load %arg3[%get3A_11, %get3A_12] : memref<1024x128xf32, #tpu.memory_space<vmem>>, vector<1024x128xf32>
    %sub3A = arith.subf %add3A, %get3A_13 : vector<1024x128xf32>
    %mul3A = vector.broadcast %transpose3A : vector<1024x1xf32> to vector<1024x128xf32>
    %mul3A_14 = arith.mulf %mul3A, %sub3A : vector<1024x128xf32>
    %get3A_15 = arith.constant 0 : index
    %get3A_16 = arith.constant 0 : index
    %get3A_17 = vector.load %arg6[%get3A_15, %get3A_16] : memref<1x128xf32, #tpu.memory_space<vmem>>, vector<1x128xf32>
    %add3A_18 = vector.broadcast %get3A_17 : vector<1x128xf32> to vector<1024x128xf32>
    %add3A_19 = arith.addf %mul3A_14, %add3A_18 : vector<1024x128xf32>
    %max3A = arith.constant 0.000000e+00 : f32
    %max3A_20 = vector.broadcast %max3A : f32 to vector<1024x128xf32>
    %max3A_21 = arith.maximumf %add3A_19, %max3A_20 : vector<1024x128xf32>
    %get3A_22 = arith.constant 0 : index
    %get3A_23 = arith.constant 0 : index
    %get3A_24 = vector.load %arg5[%get3A_22, %get3A_23] : memref<128x1xf32, #tpu.memory_space<vmem>>, vector<128x1xf32>
    %dot_general3A = arith.constant dense<0.000000e+00> : vector<1x1024xf32>
    %dot_general3A_25 = tpu.matmul %get3A_24, %max3A_21, %dot_general3A {dimension_numbers = #tpu.dot_dimension_numbers<[0], [1], [1], [0], [0, 1, 1, 0], [], []>, transpose_lhs_hint = false} : vector<128x1xf32>, vector<1024x128xf32>, vector<1x1024xf32> -> vector<1x1024xf32>
    %mul3A_26 = arith.mulf %dot_general3A_25, %reshape3A : vector<1x1024xf32>
    %reshape3A_27 = vector.shape_cast %mul3A_26 : vector<1x1024xf32> to vector<1024xf32>
    %swap3A = arith.constant 0 : index
    %swap3A_28 = vector.load %arg7[%swap3A] : memref<1024xf32, #tpu.memory_space<vmem>>, vector<1024xf32>
    tpu.vector_store %arg7[%swap3A], %reshape3A_27 {strides = array<i32>} : memref<1024xf32, #tpu.memory_space<vmem>>, vector<1024xf32>,
    return
  }
  func.func @transform_0(%arg0: i32) -> (i32, i32, i32) {
    %c0_i32 = arith.constant 0 : i32
    %c0_i32_0 = arith.constant 0 : i32
    %c0_i32_1 = arith.constant 0 : i32
    return %c0_i32, %arg0, %c0_i32_0 : i32, i32, i32
  }
  func.func @transform_1(%arg0: i32) -> (i32, i32, i32) {
    %c1_i32 = arith.constant 1 : i32
    %c0_i32 = arith.constant 0 : i32
    %c0_i32_0 = arith.constant 0 : i32
    return %c1_i32, %arg0, %c0_i32 : i32, i32, i32
  }
  func.func @transform_2(%arg0: i32) -> (i32, i32) {
    %c0_i32 = arith.constant 0 : i32
    %c0_i32_0 = arith.constant 0 : i32
    return %arg0, %c0_i32 : i32, i32
  }
  func.func @transform_3(%arg0: i32) -> i32 {
    %c0_i32 = arith.constant 0 : i32
    return %arg0 : i32
  }
  func.func @transform_4(%arg0: i32) -> (i32, i32) {
    %c0_i32 = arith.constant 0 : i32
    %c0_i32_0 = arith.constant 0 : i32
    %c0_i32_1 = arith.constant 0 : i32
    return %c0_i32, %c0_i32_0 : i32, i32
  }
  func.func @transform_5(%arg0: i32) -> (i32, i32) {
    %c0_i32 = arith.constant 0 : i32
    %c0_i32_0 = arith.constant 0 : i32
    %c0_i32_1 = arith.constant 0 : i32
    return %c0_i32, %c0_i32_0 : i32, i32
  }
  func.func @transform_6(%arg0: i32) -> i32 {
    %c0_i32 = arith.constant 0 : i32
    return %arg0 : i32
  }
}

module attributes {stable_mosaic.version = 14 : i64} {
  func.func @_fin_body(%arg0: i32, %arg1: memref<2x10240xf32, #tpu.memory_space<vmem>>, %arg2: memref<10240xf32, #tpu.memory_space<vmem>>, %arg3: memref<10240xf32, #tpu.memory_space<vmem>>, %arg4: memref<1x1xf32, #tpu.memory_space<vmem>>, %arg5: memref<10000x1xf32, #tpu.memory_space<vmem>>) attributes {dimension_semantics = [#tpu.dimension_semantics<arbitrary>], iteration_bounds = array<i64: 1>, scalar_prefetch = 0 : i64, scratch_operands = 0 : i64, tpu.core_type = #tpu.core_type<tc>, window_params = [{pipeline_mode = #tpu.pipeline_mode<synchronous>, transform_indices = @transform_0, window_bounds = array<i64: 2, 10240>}, {pipeline_mode = #tpu.pipeline_mode<synchronous>, transform_indices = @transform_1, window_bounds = array<i64: 10240>}, {pipeline_mode = #tpu.pipeline_mode<synchronous>, transform_indices = @transform_2, window_bounds = array<i64: 10240>}, {pipeline_mode = #tpu.pipeline_mode<synchronous>, transform_indices = @transform_3, window_bounds = array<i64: 1, 1>}, {pipeline_mode = #tpu.pipeline_mode<synchronous>, transform_indices = @transform_4, window_bounds = array<i64: 10000, 1>}]} {
    %get3A = arith.constant 0 : index
    %get3A_0 = vector.load %arg3[%get3A] : memref<10240xf32, #tpu.memory_space<vmem>>, vector<10240xf32>
    %reshape3A = vector.shape_cast %get3A_0 : vector<10240xf32> to vector<1x10240xf32>
    %slice3A = vector.extract_strided_slice %reshape3A {offsets = [0, 0], sizes = [1, 10000], strides = [1, 1]} : vector<1x10240xf32> to vector<1x10000xf32>
    %get3A_1 = arith.constant 0 : index
    %get3A_2 = vector.load %arg2[%get3A_1] : memref<10240xf32, #tpu.memory_space<vmem>>, vector<10240xf32>
    %reshape3A_3 = vector.shape_cast %get3A_2 : vector<10240xf32> to vector<1x10240xf32>
    %slice3A_4 = vector.extract_strided_slice %reshape3A_3 {offsets = [0, 0], sizes = [1, 10000], strides = [1, 1]} : vector<1x10240xf32> to vector<1x10000xf32>
    %get3A_5 = arith.constant 0 : index
    %get3A_6 = arith.constant 0 : index
    %get3A_7 = vector.load %arg1[%get3A_5, %get3A_6] : memref<2x10240xf32, #tpu.memory_space<vmem>>, vector<1x10000xf32>
    %get3A_8 = arith.constant 1 : index
    %get3A_9 = arith.constant 0 : index
    %get3A_10 = vector.load %arg1[%get3A_8, %get3A_9] : memref<2x10240xf32, #tpu.memory_space<vmem>>, vector<1x10000xf32>
    %add3A = arith.addf %get3A_7, %get3A_10 : vector<1x10000xf32>
    %add3A_11 = arith.addf %add3A, %slice3A_4 : vector<1x10000xf32>
    %mul3A = arith.mulf %slice3A, %add3A_11 : vector<1x10000xf32>
    %get3A_12 = arith.constant 0 : index
    %get3A_13 = arith.constant 0 : index
    %get3A_14 = vector.load %arg4[%get3A_12, %get3A_13] : memref<1x1xf32, #tpu.memory_space<vmem>>, vector<1x1xf32>
    %add3A_15 = vector.broadcast %get3A_14 : vector<1x1xf32> to vector<1x10000xf32>
    %add3A_16 = arith.addf %mul3A, %add3A_15 : vector<1x10000xf32>
    %transpose3A = tpu.transpose %add3A_16, [1, 0] : vector<1x10000xf32> -> vector<10000x1xf32>
    %swap3A = arith.constant 0 : index
    %swap3A_17 = arith.constant 0 : index
    %swap3A_18 = vector.load %arg5[%swap3A, %swap3A_17] : memref<10000x1xf32, #tpu.memory_space<vmem>>, vector<10000x1xf32>
    tpu.vector_store %arg5[%swap3A, %swap3A_17], %transpose3A {strides = array<i32>} : memref<10000x1xf32, #tpu.memory_space<vmem>>, vector<10000x1xf32>,
    return
  }
  func.func @transform_0(%arg0: i32) -> (i32, i32) {
    %c0_i32 = arith.constant 0 : i32
    %c0_i32_0 = arith.constant 0 : i32
    %c0_i32_1 = arith.constant 0 : i32
    return %c0_i32, %c0_i32_0 : i32, i32
  }
  func.func @transform_1(%arg0: i32) -> i32 {
    %c0_i32 = arith.constant 0 : i32
    %c0_i32_0 = arith.constant 0 : i32
    return %c0_i32 : i32
  }
  func.func @transform_2(%arg0: i32) -> i32 {
    %c0_i32 = arith.constant 0 : i32
    %c0_i32_0 = arith.constant 0 : i32
    return %c0_i32 : i32
  }
  func.func @transform_3(%arg0: i32) -> (i32, i32) {
    %c0_i32 = arith.constant 0 : i32
    %c0_i32_0 = arith.constant 0 : i32
    %c0_i32_1 = arith.constant 0 : i32
    return %c0_i32, %c0_i32_0 : i32, i32
  }
  func.func @transform_4(%arg0: i32) -> (i32, i32) {
    %c0_i32 = arith.constant 0 : i32
    %c0_i32_0 = arith.constant 0 : i32
    %c0_i32_1 = arith.constant 0 : i32
    return %c0_i32, %c0_i32_0 : i32, i32
  }
}

</mosaic_0001>

<sc_bundles>
// kernel: kernel.11.cloned.1.call-start
scs
__scs_entry_jumppad:
0x0: {  	(pc) =	sbr.rel $0x88, $3  }
0x1: {  	(tag) =	ssettag $0x0;
	lr =	simm.s32 $0x1  }
0x2: {  	[smem:$0x3F9B] =	sst lr;
	_ =	strace $0xD0000000  }
0x3: {  	_ = 	snop  }
0x4: {  	_ = 	snop  }
0x5: {  	_ = 	snop  }
0x6: {  	_ = 	snop  }
0x7: {  	_ = 	snop  }
__scs_overlays_trampoline_lowered:
0x8: {  	[smem:$0x3FAA] =	sst s0  }
0x9: {  	[smem:$0x3FAB] =	sst s1  }
0xa: {  	[smem:$0x3FAC] =	sst s2  }
0xb: {  	[smem:$0x3FAD] =	sst s3  }
0xc: {  	[smem:$0x3FAE] =	sst s4  }
0xd: {  	[smem:$0x3FAF] =	sst s5  }
0xe: {  	[smem:$0x3FB0] =	sst s6  }
0xf: {  	[smem:$0x3FB1] =	sst s7  }
0x10: {  	[smem:$0x3FB2] =	sst s8  }
0x11: {  	[smem:$0x3FB3] =	sst s9;
	s0 =	simm.s32 @!p0 $0x0  }
0x12: {  	s1 =	sld [smem:$0x3F99];
	s0 =	simm.s32 @p0 $0x1  }
0x13: {  	[smem:$0x3FB4] =	sst s0;
	s0 =	simm.s32 @!p1 $0x0  }
0x14: {  	s2 =	sld [smem:$0x3F98];
	s0 =	simm.s32 @p1 $0x1  }
0x15: {  	[smem:$0x3FB5] =	sst s0;
	s0 =	simm.s32 @!p2 $0x0  }
0x16: {  	s3 =	sld [smem:$0x3FDB];
	s0 =	simm.s32 @p2 $0x1  }
0x17: {  	s4 =	simm.s32 $0x1BF5;
	[smem:$0x3FB7] =	sst s0  }
0x18: {  	s0 =	sld [smem:$0x3F9A];
	_ =	swait.ge [sflag:s4], $0x0  }
0x19: {  	s7 =	sld [smem:$0x3F9B]  }
0x1a: {  	s8 =	sadd.s32 $0xFFFFE003, lr  }
0x1b: {  	s9 =	sadd.s32 $0xFFFFFEF7, lr;
	s5 =	simm.s32 $0xFFFFFFFF;
	p2 =	slt.u32 s8, $0xFFFFF086  }
0x1c: {  	p1 =	slt.u32 s9, $0xF7A;
	s5 =	simm.s32 @!p2 $0x0  }
0x1d: {  	s5 =	simm.s32 @p1 $0x1;
	p0 =	seq.s32 s7, s2  }
0x1e: {  	s7 =	smul.u32 @!p0 $0xF7A, s2;
	p2 =	seq.s32 @!p0 s5, $0x0  }
0x1f: {  	s9 =	smul.u32 $0xF7A, s1;
	s8 =	simm.s32 @!p0 $0x1BF5;
	p2 =	por !p2, p0  }
0x20: {  	[sflag:s8] =	ssyncset.s32 @!p0 $0xFFFFF086;
	s6 =	sadd.s32 @!p0 s3, s7;
	s7 =	simm.s32 @!p0 $0x108  }
0x21: {  	s3 =	sadd.s32 s3, s9;
	s6 =	sadd.s32 @!p0 $0x88, s6;
	s7 =	simm.s32 @p2 $0x1082  }
0x22: {  	[simem:s7], [sflag:s8] =	dma.local @!p0 [hbm:s6], $0xF7A  }
0x23: {  	s9 =	sor.u32 $0xD0000000, s2;
	s6 =	simm.s32 $0x108;
	_ =	swait.ge @!p0 [sflag:s8], $0x0  }
0x24: {  	s3 =	sadd.s32 $0x88, s3;
	s6 =	simm.s32 @!p1 $0x1082;
	[sflag:s4] =	ssyncset.s32 $0xFFFFF086  }
0x25: {  	[simem:s6], [sflag:s4] =	dma.local [hbm:s3], $0xF7A  }
0x26: {  	[smem:$0x3F9B] =	sst s1;
	(tag) =	ssettag s2;
	_ =	strace s9  }
0x27: {  	s1 =	sld [smem:$0x3FAB]  }
0x28: {  	s2 =	sld [smem:$0x3FAC]  }
0x29: {  	s4 =	sld [smem:$0x3FAE]  }
0x2a: {  	p0 =	seq.s32 s5, $0x0;
	s5 =	sld [smem:$0x3FAF]  }
0x2b: {  	s6 =	sld [smem:$0x3FB0]  }
0x2c: {  	s7 =	sld [smem:$0x3FB1]  }
0x2d: {  	s3 =	simm.s32 $0x108;
	s8 =	sld [smem:$0x3FB2]  }
0x2e: {  	s3 =	simm.s32 @!p0 $0x1082;
	s9 =	sld [smem:$0x3FB3]  }
0x2f: {  	lr =	sadd.s32 s0, s3;
	s0 =	sld [smem:$0x3FAA]  }
0x30: {  	s3 =	sld [smem:$0x3FAD]  }
0x31: {  	[smem:$0x3FB6] =	sst s10  }
0x32: {  	s10 =	sld [smem:$0x3FB4];
	_ =	sdelay $0x3  }
0x33: {  	p0 =	seq.s32 s10, $0x1;
	s10 =	sld [smem:$0x3FB6];
	_ =	sdelay $0x3  }
0x34: {  	[smem:$0x3FB6] =	sst s10  }
0x35: {  	s10 =	sld [smem:$0x3FB5];
	_ =	sdelay $0x3  }
0x36: {  	p1 =	seq.s32 s10, $0x1;
	s10 =	sld [smem:$0x3FB6];
	_ =	sdelay $0x3  }
0x37: {  	[smem:$0x3FB6] =	sst s10  }
0x38: {  	s10 =	sld [smem:$0x3FB7]  }
0x39: {  	_ = 	snop;
	(pc) =	sbr.ind lr, $3  }
0x3a: {  	_ = 	snop  }
0x3b: {  	_ = 	snop  }
0x3c: {  	p2 =	seq.s32 s10, $0x1;
	s10 =	sld [smem:$0x3FB6]  }
0x3d: {  	_ =	shalt  }
0x3e: {  	_ =	shalt  }
0x3f: {  	_ =	shalt  }
0x40: {  	_ =	shalt  }
0x41: {  	_ =	shalt  }
0x42: {  	_ =	shalt  }
0x43: {  	_ =	shalt  }
0x44: {  	_ =	shalt  }
0x45: {  	_ =	shalt  }
0x46: {  	_ =	shalt  }
0x47: {  	_ =	shalt  }
0x48: {  	_ =	shalt  }
0x49: {  	_ =	shalt  }
0x4a: {  	_ =	shalt  }
0x4b: {  	_ =	shalt  }
0x4c: {  	_ =	shalt  }
0x4d: {  	_ =	shalt  }
0x4e: {  	_ =	shalt  }
0x4f: {  	_ =	shalt  }
0x50: {  	_ =	shalt  }
0x51: {  	_ =	shalt  }
0x52: {  	_ =	shalt  }
0x53: {  	_ =	shalt  }
0x54: {  	_ =	shalt  }
0x55: {  	_ =	shalt  }
0x56: {  	_ =	shalt  }
0x57: {  	_ =	shalt  }
0x58: {  	_ =	shalt  }
0x59: {  	_ =	shalt  }
0x5a: {  	_ =	shalt  }
0x5b: {  	_ =	shalt  }
0x5c: {  	_ =	shalt  }
0x5d: {  	_ =	shalt  }
0x5e: {  	_ =	shalt  }
0x5f: {  	_ =	shalt  }
0x60: {  	_ =	shalt  }
0x61: {  	_ =	shalt  }
0x62: {  	_ =	shalt  }
0x63: {  	_ =	shalt  }
0x64: {  	_ =	shalt  }
0x65: {  	_ =	shalt  }
0x66: {  	_ =	shalt  }
0x67: {  	_ =	shalt  }
0x68: {  	_ =	shalt  }
0x69: {  	_ =	shalt  }
0x6a: {  	_ =	shalt  }
0x6b: {  	_ =	shalt  }
0x6c: {  	_ =	shalt  }
0x6d: {  	_ =	shalt  }
0x6e: {  	_ =	shalt  }
0x6f: {  	_ =	shalt  }
0x70: {  	_ =	shalt  }
0x71: {  	_ =	shalt  }
0x72: {  	_ =	shalt  }
0x73: {  	_ =	shalt  }
0x74: {  	_ =	shalt  }
0x75: {  	_ =	shalt  }
0x76: {  	_ =	shalt  }
0x77: {  	_ =	shalt  }
0x78: {  	_ =	shalt  }
0x79: {  	_ =	shalt  }
0x7a: {  	_ =	shalt  }
0x7b: {  	_ =	shalt  }
0x7c: {  	_ =	shalt  }
0x7d: {  	_ =	shalt  }
0x7e: {  	_ =	shalt  }
0x7f: {  	_ =	shalt  }
0x80: {  	_ =	shalt  }
0x81: {  	_ =	shalt  }
0x82: {  	_ =	shalt  }
0x83: {  	_ =	shalt  }
0x84: {  	_ =	shalt  }
0x85: {  	_ =	shalt  }
0x86: {  	_ =	shalt  }
0x87: {  	_ =	shalt  }
.Lfunc_end0:
.L_simem_size_0:
called_computation.1_lowered:
.L_overlay_start_0:
0x88: {  	s2 =	sld [smem:$0x3FD9]  }
0x89: {  	s3 =	sld [smem:$0x3FFE];
	_ =	sdelay $0x1  }
0x8a: {  	s1 =	srdreg.scid  }
0x8b: {  	s0 =	sand.u32 $0x1, s1  }
0x8c: {  	s16 =	sshll.u32 s0, $0xA;
	s2 =	sadd.s32 s3, s2  }
0x8d: {  	s2 =	sadd.s32 s2, s16  }
0x8e: {  	[smem:$0x3FC2] =	sst s2  }
0x8f: {  	_ = 	snop  }
0x90: {  	(tm) =	ssettm $0x1  }
0x91: {  	s17 =	sld [smem:$0x3FFB];
	_ =	sdelay $0x3  }
0x92: {  	_ =	strace s17  }
0x93: {  	s2 =	sld [smem:$0x3FFC];
	_ =	sdelay $0x3  }
0x94: {  	_ =	strace s2  }
0x95: {  	s2 =	sld [smem:$0x3FFD];
	_ =	sdelay $0x3  }
0x96: {  	_ =	strace s2  }
0x97: {  	_ =	strace $0x8FFFFFFF  }
0x98: {  	s18 =	sld [smem:$0x3FDB];
	_ =	sdelay $0x1  }
0x99: {  	s19 =	simm.s32 $_scs_section_size  }
0x9a: {  	s4 =	simm.s32 $_size__tile_overlayer_lowered;
	s5 =	simm.s32 $_tile_overlayer_lowered  }
0x9b: {  	s22 =	simm.s32 $0x1BFF;
	s21 =	sshll.u32 s5, $0x1;
	s2 =	sadd.s32 s19, s18  }
0x9c: {  	s6 =	simm.s32 $0x0;
	s20 =	sshll.u32 s4, $0x1;
	s4 =	sadd.s32 s21, s2  }
0x9d: {  	[timem:s6], [sflag:s22] =	dma.local [hbm:s4], s20  }
0x9e: {  	_ =	swait.ge [sflag:s22], s20  }
0x9f: {  	s3 =	ssub.s32 $0x0, s20;
	[sflag:s22] =	ssyncset.done $0x0  }
0xa0: {  	[sflag:s22] =	ssyncadd.s32 s3;
	_ =	sdelay $0x1  }
0xa1: {  	s23 =	simm.s32 $0x1B8B  }
0xa2: {  	_ =	swait.ge [sflag:s23], $0x1  }
0xa3: {  	[sflag:s23] =	ssyncset.done $0x0  }
0xa4: {  	s25 =	simm.s32 $0x1B8E;
	s24 =	sld [smem:$0x3FFE];
	[sflag:s23] =	ssyncadd.s32 $0xFFFFFFFF  }
0xa5: {  	s26 =	simm.s32 $execute0_lowered;
	[smem:$0x3FD2] =	sst s25  }
0xa6: {  	s4 =	sshll.u32 s26, $0x1;
	_ =	strace $0x80000049;
	[dreg:$0x1] =	wrdreg $0xFFFFFFFF  }
0xa7: {  	s28 =	simm.s32 $_size_execute0_lowered;
	s2 =	sadd.s32 s2, s4;
	[dreg:$0x0] =	wrdreg $0x0  }
0xa8: {  	s4 =	sshll.u32 s28, $0x1;
	[dreg:$0x2] =	wrdreg s2  }
0xa9: {  	[dreg:$0x3] =	wrdreg s4  }
0xaa: {  	[dreg:$0x4] =	wrdreg $0xC0  }
0xab: {  	_ =	task [dreg:s6], $0x5FFFF  }
0xac: {  	[dreg:$0x1] =	wrdreg $0xFFFFFFFF  }
0xad: {  	[dreg:$0x0] =	wrdreg $0x60  }
0xae: {  	[dreg:$0x2] =	wrdreg s24  }
0xaf: {  	[dreg:$0x3] =	wrdreg $0xA0000  }
0xb0: {  	[dreg:$0x4] =	wrdreg $0x9  }
0xb1: {  	_ =	task.clear_ibuf [dreg:s6], $0x5FFFF;
	_ =	strace $0x90000049  }
0xb2: {  	s29 =	simm.s32 $0x9;
	_ =	strace $0x8000004B  }
0xb3: {  	_ =	swait.ge [sflag:s29], $0x1  }
0xb4: {  	[sflag:s29] =	ssyncadd.s32 $0xFFFFFFFF  }
0xb5: {  	_ =	strace $0x9000004B  }
0xb6: {  	_ =	sfence  }
0xb7: {  	s30 =	sld [smem:$0x0];
	_ =	sdelay $0x2  }
0xb8: {  	s31 =	sshll.u32 s1, $0xD;
	s1 =	sshrl.u32 s1, $0x2  }
0xb9: {  	s3 =	sand.u32 $0x4000, s31;
	s1 =	sadd.s32 s1, s30  }
0xba: {  	s0 =	sor.u32 s3, s0;
	s1 =	sshll.u32 s1, $0x11  }
0xbb: {  	s0 =	sor.u32 s1, s0  }
0xbc: {  	s0 =	sadd.s32 $0x8F2B, s0  }
0xbd: {  	[sflag:s0] =	ssyncadd.remote.s32 $0x1  }
0xbe: {  	_ =	sfence.sel $0xFFFF  }
0xbf: {  	[dreg:$0x0] =	wrdreg $0xFFFFFFFF;
	(pc) =	sbr.abs _section_cstart, $3  }
0xc0: {  	[dreg:$0x1] =	wrdreg $0xFFFFFFFF  }
0xc1: {  	_ =	task.clear_ibuf [dreg:s6], $0x2FFFF;
	_ =	strace $0x9FFFFFFF  }
0xc2: {  	(tm) =	ssettm $0x7FFFFFFF  }
0xc3: {  	_ =	shalt  }
tec
execute0_lowered:
.L_overlay_start_1:
0x0: {  	(tag) =	ssettag $0x1  }
0x1: {  	s6 =	rddreg [dreg:$0x0]  }
0x2: {  	s1 =	rddreg [dreg:$0x1]  }
0x3: {  	s0 =	rddreg [dreg:$0x2];
	s2 =	simm.s32 $0x0;
	s3 =	srdreg.scid  }
0x4: {  	s19 =	stileid.u32;
	s14 =	simm.s32 $0x80;
	s15 =	simm.s32 $0x2000  }
0x5: {  	s16 =	simm.s32 $0x6000;
	s17 =	simm.s32 $0x1;
	s18 =	simm.s32 $0x2  }
0x6: {  	s21 =	simm.s32 $0x0;
	[smem:$0x7FF] =	sst s2;
	s9 =	smul.u32 $0x14000, s19  }
0x7: {  	s7 =	sand.u32 $0x1, s3;
	s3 =	sadd.s32 $0xD200, s6;
	s11 =	smul.u32 $0x50000, s19  }
0x8: {  	s5 =	sadd.s32 $0x17200, s6;
	s29 =	smul.u32 $0x2800, s19;
	p0 =	sne.s32 s19, $0x0  }
0x9: {  	_ =	strace $0x8000004A;
	s8 =	smul.u32 $0x140000, s7;
	s4 =	sshll.u32 s7, $0x4  }
0xa: {  	s28 =	ssub.s32 $0x2, s7;
	s13 =	smul.u32 $0x28000, s7;
	s10 =	sor.u32 s19, s4  }
0xb: {  	s4 =	sadd.s32 $0x2200, s6;
	s12 =	sshrl.u32 s28, $0x1;
	s30 =	sshrl.u32 s11, $0x2  }
0xc: {  	s11 =	simm.s32 $0x4;
	s19 =	sshll.u32 s19, $0x6;
	s10 =	smul.u32 $0x500, s10  }
0xd: {  	s8 =	sadd.s32 s9, s8;
	s9 =	ssub.s32 s28, s12;
	s20 =	sadd.s32 s30, s1  }
0xe: {  	s31 =	sadd.s32 s29, s13;
	s12 =	simm.s32 $0x1000;
	s13 =	sshrl.u32 @!p0 s1, $0x3  }
0xf: {  	s19 =	sor.u32 $0x1C04, s19;
	s8 =	sshrl.u32 s8, $0x3;
	s9 =	smax.u32 s9, $0x1  }
0x10: {  	s20 =	sshrl.u32 s20, $0x3;
	s8 =	sadd.s32 s8, s6;
	s6 =	sadd.s32 s3, s10  }
0x11: {  	s7 =	sadd.s32 s4, s10;
	s10 =	sadd.s32 $0x800, s31;
	s8 =	sadd.s32 $0x3F200, s8  }
.LBB2_1:
0x12: {  	[tilespmem:s2], [sflag:$0x4] =	stream.linear.gather [hbm4b:s6+s2], $0x800, $0x38;
	[tilespmem:$0x1E000] =	vst v63  }
0x13: {  	_ =	swait.ge [sflag:s11], $0x800  }
0x14: {  	[sflag:s11] =	ssyncset.done $0x0  }
0x15: {  	[sflag:s11] =	ssyncadd.s32 $0xFFFFF800  }
0x16: {  	[tilespmem:s12], [sflag:$0x4] =	stream.linear.gather [hbm4b:s7+s2], $0x800, $0x38;
	[tilespmem:$0x1E000] =	vst v63  }
0x17: {  	_ =	swait.ge [sflag:s11], $0x800  }
0x18: {  	[sflag:s11] =	ssyncset.done $0x0  }
0x19: {  	s22 =	simm.s32 @!p0 $0x1C04;
	[sflag:s11] =	ssyncadd.s32 $0xFFFFF800  }
0x1a: {  	[spmem:s13], [sflag:s22] =	dma.local @!p0 [hbm:s5], $0x28000  }
0x1b: {  	s22 =	simm.s32 @!p0 $0x4  }
0x1c: {  	_ =	swait.ge @!p0 [sflag:s22], $0x28000  }
0x1d: {  	[sflag:s22] =	ssyncset.done @!p0 $0x0  }
0x1e: {  	[sflag:s22] =	ssyncadd.s32 @!p0 $0xFFFD8000  }
0x1f: {  	s22 =	simm.s32 $0x0;
	[bflag:$0x0] =	sbarrier.arrive $0xFFFF  }
.LBB2_2:
0x20: {  	p1 =	seq.s32 s22, $0x2000  }
0x21: {  	s23 =	sadd.s32 @!p1 s22, s10  }
0x22: {  	s24 =	sxor.u32 @!p1 $0xFFFFFFFF, s22;
	s23 =	sshrl.u32 @!p1 s23, $0x3  }
0x23: {  	s26 =	simm.s32 @!p1 $0x0;
	s24 =	sand.u32 @!p1 $0x800, s24;
	s25 =	sadd.s32 @!p1 s3, s23  }
0x24: {  	[tilespmem:s24], [sflag:$0x3] =	stream.linear.gather @!p1 [hbm4b:s25+s26], $0x800, $0x38;
	[tilespmem:$0x1E000] =	vst v63  }
0x25: {  	s23 =	sadd.s32 @!p1 s4, s23;
	s24 =	sor.u32 @!p1 $0x1000, s24  }
0x26: {  	[tilespmem:s24], [sflag:$0x3] =	stream.linear.gather @!p1 [hbm4b:s23+s26], $0x800, $0x38;
	[tilespmem:$0x1E000] =	vst v63  }
0x27: {  	s23 =	sand.u32 $0x800, s22  }
0x28: {  	[tilespmem:s15], [sflag:$0x1] =	stream.indirect.gather [hbm4b:s5+s14], $0x80, s23, s14, $0xb8;
	[tilespmem:$0x1E000] =	vst v63  }
0x29: {  	s25 =	sor.u32 $0x80, s23  }
0x2a: {  	[tilespmem:s16], [sflag:$0x2] =	stream.indirect.gather [hbm4b:s5+s14], $0x80, s25, s14, $0xb8;
	[tilespmem:$0x1E000] =	vst v63  }
0x2b: {  	_ =	swait.ge [sflag:s17], $0x4000  }
0x2c: {  	[sflag:s17] =	ssyncset.done $0x0  }
0x2d: {  	s26 =	sor.u32 $0x1000, s23;
	[sflag:s17] =	ssyncadd.s32 $0xFFFFC000  }
0x2e: {  	[spmem:s1] =	stream.indirect.scatter.add.f32 [tilespmem:s15], [sflag:$0x4], $0x80, s26, s14, $0xb8;
	[tilespmem:$0x1E000] =	vst v63  }
0x2f: {  	_ =	swait.ge [sflag:s11], $0x4000  }
0x30: {  	[sflag:s11] =	ssyncset.done $0x0  }
0x31: {  	s28 =	sor.u32 $0x100, s23;
	[sflag:s11] =	ssyncadd.s32 $0xFFFFC000  }
0x32: {  	[tilespmem:s15], [sflag:$0x1] =	stream.indirect.gather [hbm4b:s5+s14], $0x80, s28, s14, $0xb8;
	[tilespmem:$0x1E000] =	vst v63  }
0x33: {  	_ =	swait.ge [sflag:s18], $0x4000  }
0x34: {  	[sflag:s18] =	ssyncset.done $0x0  }
0x35: {  	s29 =	sor.u32 $0x1080, s23;
	[sflag:s18] =	ssyncadd.s32 $0xFFFFC000  }
0x36: {  	[spmem:s1] =	stream.indirect.scatter.add.f32 [tilespmem:s16], [sflag:$0x4], $0x80, s29, s14, $0xb8;
	[tilespmem:$0x1E000] =	vst v63  }
0x37: {  	_ =	swait.ge [sflag:s11], $0x4000  }
0x38: {  	[sflag:s11] =	ssyncset.done $0x0  }
0x39: {  	s30 =	sor.u32 $0x180, s23;
	[sflag:s11] =	ssyncadd.s32 $0xFFFFC000  }
0x3a: {  	[tilespmem:s16], [sflag:$0x2] =	stream.indirect.gather [hbm4b:s5+s14], $0x80, s30, s14, $0xb8;
	[tilespmem:$0x1E000] =	vst v63  }
0x3b: {  	_ =	swait.ge [sflag:s17], $0x4000  }
0x3c: {  	[sflag:s17] =	ssyncset.done $0x0  }
0x3d: {  	s31 =	sor.u32 $0x1100, s23;
	[sflag:s17] =	ssyncadd.s32 $0xFFFFC000  }
0x3e: {  	[spmem:s1] =	stream.indirect.scatter.add.f32 [tilespmem:s15], [sflag:$0x4], $0x80, s31, s14, $0xb8;
	[tilespmem:$0x1E000] =	vst v63  }
0x3f: {  	_ =	swait.ge [sflag:s11], $0x4000  }
0x40: {  	[sflag:s11] =	ssyncset.done $0x0  }
0x41: {  	s25 =	sor.u32 $0x200, s23;
	[sflag:s11] =	ssyncadd.s32 $0xFFFFC000  }
0x42: {  	[tilespmem:s15], [sflag:$0x1] =	stream.indirect.gather [hbm4b:s5+s14], $0x80, s25, s14, $0xb8;
	[tilespmem:$0x1E000] =	vst v63  }
0x43: {  	_ =	swait.ge [sflag:s18], $0x4000  }
0x44: {  	[sflag:s18] =	ssyncset.done $0x0  }
0x45: {  	s26 =	sor.u32 $0x1180, s23;
	[sflag:s18] =	ssyncadd.s32 $0xFFFFC000  }
0x46: {  	[spmem:s1] =	stream.indirect.scatter.add.f32 [tilespmem:s16], [sflag:$0x4], $0x80, s26, s14, $0xb8;
	[tilespmem:$0x1E000] =	vst v63  }
0x47: {  	_ =	swait.ge [sflag:s11], $0x4000  }
0x48: {  	[sflag:s11] =	ssyncset.done $0x0  }
0x49: {  	s28 =	sor.u32 $0x280, s23;
	[sflag:s11] =	ssyncadd.s32 $0xFFFFC000  }
0x4a: {  	[tilespmem:s16], [sflag:$0x2] =	stream.indirect.gather [hbm4b:s5+s14], $0x80, s28, s14, $0xb8;
	[tilespmem:$0x1E000] =	vst v63  }
0x4b: {  	_ =	swait.ge [sflag:s17], $0x4000  }
0x4c: {  	[sflag:s17] =	ssyncset.done $0x0  }
0x4d: {  	s29 =	sor.u32 $0x1200, s23;
	[sflag:s17] =	ssyncadd.s32 $0xFFFFC000  }
0x4e: {  	[spmem:s1] =	stream.indirect.scatter.add.f32 [tilespmem:s15], [sflag:$0x4], $0x80, s29, s14, $0xb8;
	[tilespmem:$0x1E000] =	vst v63  }
0x4f: {  	_ =	swait.ge [sflag:s11], $0x4000  }
0x50: {  	[sflag:s11] =	ssyncset.done $0x0  }
0x51: {  	s30 =	sor.u32 $0x300, s23;
	[sflag:s11] =	ssyncadd.s32 $0xFFFFC000  }
0x52: {  	[tilespmem:s15], [sflag:$0x1] =	stream.indirect.gather [hbm4b:s5+s14], $0x80, s30, s14, $0xb8;
	[tilespmem:$0x1E000] =	vst v63  }
0x53: {  	_ =	swait.ge [sflag:s18], $0x4000  }
0x54: {  	[sflag:s18] =	ssyncset.done $0x0  }
0x55: {  	s31 =	sor.u32 $0x1280, s23;
	[sflag:s18] =	ssyncadd.s32 $0xFFFFC000  }
0x56: {  	[spmem:s1] =	stream.indirect.scatter.add.f32 [tilespmem:s16], [sflag:$0x4], $0x80, s31, s14, $0xb8;
	[tilespmem:$0x1E000] =	vst v63  }
0x57: {  	_ =	swait.ge [sflag:s11], $0x4000  }
0x58: {  	[sflag:s11] =	ssyncset.done $0x0  }
0x59: {  	s25 =	sor.u32 $0x380, s23;
	[sflag:s11] =	ssyncadd.s32 $0xFFFFC000  }
0x5a: {  	[tilespmem:s16], [sflag:$0x2] =	stream.indirect.gather [hbm4b:s5+s14], $0x80, s25, s14, $0xb8;
	[tilespmem:$0x1E000] =	vst v63  }
0x5b: {  	_ =	swait.ge [sflag:s17], $0x4000  }
0x5c: {  	[sflag:s17] =	ssyncset.done $0x0  }
0x5d: {  	s26 =	sor.u32 $0x1300, s23;
	[sflag:s17] =	ssyncadd.s32 $0xFFFFC000  }
0x5e: {  	[spmem:s1] =	stream.indirect.scatter.add.f32 [tilespmem:s15], [sflag:$0x4], $0x80, s26, s14, $0xb8;
	[tilespmem:$0x1E000] =	vst v63  }
0x5f: {  	_ =	swait.ge [sflag:s11], $0x4000  }
0x60: {  	[sflag:s11] =	ssyncset.done $0x0  }
0x61: {  	s28 =	sor.u32 $0x400, s23;
	[sflag:s11] =	ssyncadd.s32 $0xFFFFC000  }
0x62: {  	[tilespmem:s15], [sflag:$0x1] =	stream.indirect.gather [hbm4b:s5+s14], $0x80, s28, s14, $0xb8;
	[tilespmem:$0x1E000] =	vst v63  }
0x63: {  	_ =	swait.ge [sflag:s18], $0x4000  }
0x64: {  	[sflag:s18] =	ssyncset.done $0x0  }
0x65: {  	s29 =	sor.u32 $0x1380, s23;
	[sflag:s18] =	ssyncadd.s32 $0xFFFFC000  }
0x66: {  	[spmem:s1] =	stream.indirect.scatter.add.f32 [tilespmem:s16], [sflag:$0x4], $0x80, s29, s14, $0xb8;
	[tilespmem:$0x1E000] =	vst v63  }
0x67: {  	_ =	swait.ge [sflag:s11], $0x4000  }
0x68: {  	[sflag:s11] =	ssyncset.done $0x0  }
0x69: {  	s30 =	sor.u32 $0x480, s23;
	[sflag:s11] =	ssyncadd.s32 $0xFFFFC000  }
0x6a: {  	[tilespmem:s16], [sflag:$0x2] =	stream.indirect.gather [hbm4b:s5+s14], $0x80, s30, s14, $0xb8;
	[tilespmem:$0x1E000] =	vst v63  }
0x6b: {  	_ =	swait.ge [sflag:s17], $0x4000  }
0x6c: {  	[sflag:s17] =	ssyncset.done $0x0  }
0x6d: {  	s31 =	sor.u32 $0x1400, s23;
	[sflag:s17] =	ssyncadd.s32 $0xFFFFC000  }
0x6e: {  	[spmem:s1] =	stream.indirect.scatter.add.f32 [tilespmem:s15], [sflag:$0x4], $0x80, s31, s14, $0xb8;
	[tilespmem:$0x1E000] =	vst v63  }
0x6f: {  	_ =	swait.ge [sflag:s11], $0x4000  }
0x70: {  	[sflag:s11] =	ssyncset.done $0x0  }
0x71: {  	s25 =	sor.u32 $0x500, s23;
	[sflag:s11] =	ssyncadd.s32 $0xFFFFC000  }
0x72: {  	[tilespmem:s15], [sflag:$0x1] =	stream.indirect.gather [hbm4b:s5+s14], $0x80, s25, s14, $0xb8;
	[tilespmem:$0x1E000] =	vst v63  }
0x73: {  	_ =	swait.ge [sflag:s18], $0x4000  }
0x74: {  	[sflag:s18] =	ssyncset.done $0x0  }
0x75: {  	s26 =	sor.u32 $0x1480, s23;
	[sflag:s18] =	ssyncadd.s32 $0xFFFFC000  }
0x76: {  	[spmem:s1] =	stream.indirect.scatter.add.f32 [tilespmem:s16], [sflag:$0x4], $0x80, s26, s14, $0xb8;
	[tilespmem:$0x1E000] =	vst v63  }
0x77: {  	_ =	swait.ge [sflag:s11], $0x4000  }
0x78: {  	[sflag:s11] =	ssyncset.done $0x0  }
0x79: {  	s28 =	sor.u32 $0x580, s23;
	[sflag:s11] =	ssyncadd.s32 $0xFFFFC000  }
0x7a: {  	[tilespmem:s16], [sflag:$0x2] =	stream.indirect.gather [hbm4b:s5+s14], $0x80, s28, s14, $0xb8;
	[tilespmem:$0x1E000] =	vst v63  }
0x7b: {  	_ =	swait.ge [sflag:s17], $0x4000  }
0x7c: {  	[sflag:s17] =	ssyncset.done $0x0  }
0x7d: {  	s29 =	sor.u32 $0x1500, s23;
	[sflag:s17] =	ssyncadd.s32 $0xFFFFC000  }
0x7e: {  	[spmem:s1] =	stream.indirect.scatter.add.f32 [tilespmem:s15], [sflag:$0x4], $0x80, s29, s14, $0xb8;
	[tilespmem:$0x1E000] =	vst v63  }
0x7f: {  	_ =	swait.ge [sflag:s11], $0x4000  }
0x80: {  	[sflag:s11] =	ssyncset.done $0x0  }
0x81: {  	s30 =	sor.u32 $0x600, s23;
	[sflag:s11] =	ssyncadd.s32 $0xFFFFC000  }
0x82: {  	[tilespmem:s15], [sflag:$0x1] =	stream.indirect.gather [hbm4b:s5+s14], $0x80, s30, s14, $0xb8;
	[tilespmem:$0x1E000] =	vst v63  }
0x83: {  	_ =	swait.ge [sflag:s18], $0x4000  }
0x84: {  	[sflag:s18] =	ssyncset.done $0x0  }
0x85: {  	s31 =	sor.u32 $0x1580, s23;
	[sflag:s18] =	ssyncadd.s32 $0xFFFFC000  }
0x86: {  	[spmem:s1] =	stream.indirect.scatter.add.f32 [tilespmem:s16], [sflag:$0x4], $0x80, s31, s14, $0xb8;
	[tilespmem:$0x1E000] =	vst v63  }
0x87: {  	_ =	swait.ge [sflag:s11], $0x4000  }
0x88: {  	[sflag:s11] =	ssyncset.done $0x0  }
0x89: {  	s25 =	sor.u32 $0x680, s23;
	[sflag:s11] =	ssyncadd.s32 $0xFFFFC000  }
0x8a: {  	[tilespmem:s16], [sflag:$0x2] =	stream.indirect.gather [hbm4b:s5+s14], $0x80, s25, s14, $0xb8;
	[tilespmem:$0x1E000] =	vst v63  }
0x8b: {  	_ =	swait.ge [sflag:s17], $0x4000  }
0x8c: {  	[sflag:s17] =	ssyncset.done $0x0  }
0x8d: {  	s26 =	sor.u32 $0x1600, s23;
	[sflag:s17] =	ssyncadd.s32 $0xFFFFC000  }
0x8e: {  	[spmem:s1] =	stream.indirect.scatter.add.f32 [tilespmem:s15], [sflag:$0x4], $0x80, s26, s14, $0xb8;
	[tilespmem:$0x1E000] =	vst v63  }
0x8f: {  	_ =	swait.ge [sflag:s11], $0x4000  }
0x90: {  	[sflag:s11] =	ssyncset.done $0x0  }
0x91: {  	s28 =	sor.u32 $0x700, s23;
	[sflag:s11] =	ssyncadd.s32 $0xFFFFC000  }
0x92: {  	[tilespmem:s15], [sflag:$0x1] =	stream.indirect.gather [hbm4b:s5+s14], $0x80, s28, s14, $0xb8;
	[tilespmem:$0x1E000] =	vst v63  }
0x93: {  	_ =	swait.ge [sflag:s18], $0x4000  }
0x94: {  	[sflag:s18] =	ssyncset.done $0x0  }
0x95: {  	s29 =	sor.u32 $0x1680, s23;
	[sflag:s18] =	ssyncadd.s32 $0xFFFFC000  }
0x96: {  	[spmem:s1] =	stream.indirect.scatter.add.f32 [tilespmem:s16], [sflag:$0x4], $0x80, s29, s14, $0xb8;
	[tilespmem:$0x1E000] =	vst v63  }
0x97: {  	_ =	swait.ge [sflag:s11], $0x4000  }
0x98: {  	[sflag:s11] =	ssyncset.done $0x0  }
0x99: {  	s30 =	sor.u32 $0x780, s23;
	[sflag:s11] =	ssyncadd.s32 $0xFFFFC000  }
0x9a: {  	[tilespmem:s16], [sflag:$0x2] =	stream.indirect.gather [hbm4b:s5+s14], $0x80, s30, s14, $0xb8;
	[tilespmem:$0x1E000] =	vst v63  }
0x9b: {  	_ =	swait.ge [sflag:s17], $0x4000  }
0x9c: {  	[sflag:s17] =	ssyncset.done $0x0  }
0x9d: {  	s31 =	sor.u32 $0x1700, s23;
	[sflag:s17] =	ssyncadd.s32 $0xFFFFC000  }
0x9e: {  	[spmem:s1] =	stream.indirect.scatter.add.f32 [tilespmem:s15], [sflag:$0x4], $0x80, s31, s14, $0xb8;
	[tilespmem:$0x1E000] =	vst v63  }
0x9f: {  	_ =	swait.ge [sflag:s11], $0x4000  }
0xa0: {  	[sflag:s11] =	ssyncset.done $0x0  }
0xa1: {  	[sflag:s11] =	ssyncadd.s32 $0xFFFFC000  }
0xa2: {  	_ =	swait.ge [sflag:s18], $0x4000  }
0xa3: {  	[sflag:s18] =	ssyncset.done $0x0  }
0xa4: {  	s23 =	sor.u32 $0x1780, s23;
	[sflag:s18] =	ssyncadd.s32 $0xFFFFC000  }
0xa5: {  	[spmem:s1] =	stream.indirect.scatter.add.f32 [tilespmem:s16], [sflag:$0x4], $0x80, s23, s14, $0xb8;
	[tilespmem:$0x1E000] =	vst v63  }
0xa6: {  	_ =	swait.ge [sflag:s11], $0x4000  }
0xa7: {  	s22 =	sadd.s32 @!p1 $0x800, s22;
	[sflag:s11] =	ssyncset.done $0x0  }
0xa8: {  	p2 =	sne.s32 @!p1 s22, $0x2800;
	s23 =	simm.s32 @!p1 $0x3;
	[sflag:s11] =	ssyncadd.s32 $0xFFFFC000  }
0xa9: {  	p2 =	por p1, !p2;
	_ =	swait.ge @!p1 [sflag:s23], $0x800  }
.Ltmp0:
0xaa: {  	[sflag:s23] =	ssyncset.done @!p1 $0x0;
	(pc) =	sbr.rel @!p2 .LBB2_2-.Ltmp0, $4  }
0xab: {  	[sflag:s23] =	ssyncadd.s32 @!p1 $0xFFFFF800  }
0xac: {  	_ =	swait.ge @!p1 [sflag:s23], $0x800  }
0xad: {  	[sflag:s23] =	ssyncset.done @!p1 $0x0  }
0xae: {  	[sflag:s23] =	ssyncadd.s32 @!p1 $0xFFFFF800  }
0xaf: {  	s21 =	sadd.s32 $0x1, s21  }
0xb0: {  	p1 =	sne.s32 s21, s9  }
.Ltmp1:
0xb1: {  	[bflag:$0x0] =	sbarrier.arrive $0xFFFF;
	(pc) =	sbr.rel @p1 .LBB2_1-.Ltmp1, $4  }
0xb2: {  	[hbm:s8], [sflag:s19] =	dma.local [spmem:s20], $0x2800  }
0xb3: {  	_ =	swait.ge [sflag:s11], $0x2800  }
0xb4: {  	[sflag:s11] =	ssyncset.done $0x0  }
0xb5: {  	[sflag:s11] =	ssyncadd.s32 $0xFFFFD800  }
0xb6: {  	_ =	sfence.sel $0x180000  }
0xb7: {  	[bflag:$0x0] =	sbarrier.arrive $0xFFFF  }
0xb8: {  	_ =	strace $0x9000004A  }
0xb9: {  	s0 =	sadd.s32 @!p0 $0x100000, s0;
	[bflag:$0x2] =	sbarrier.arrive $0xFFFF  }
0xba: {  	[sflag:s0] =	ssyncadd.tile.s32 @!p0 $0x1;
	_ =	shalt  }
.Lfunc_end2:
_tile_overlayer_lowered:
.L_overlay_start_2:
0xbb: {  	(tag) =	ssettag $0x2  }
0xbc: {  	s0 =	rddreg [dreg:$0x0];
	s2 =	stileid.u32  }
0xbd: {  	s1 =	rddreg [dreg:$0x1];
	p0 =	sne.s32 s2, $0x0  }
0xbe: {  	s3 =	rddreg [dreg:$0x2];
	[bflag:$0x3] =	sbarrier.arrive $0xFFFF;
	s2 =	simm.s32 @!p0 $0x1C04  }
0xbf: {  	[timem:s3], [sflag:s2] =	dma.local @!p0 [hbm:s0], s1  }
0xc0: {  	s0 =	simm.s32 @!p0 $0x4  }
0xc1: {  	_ =	swait.ge @!p0 [sflag:s0], s1  }
0xc2: {  	s1 =	ssub.s32 @!p0 $0x0, s1;
	[sflag:s0] =	ssyncset.done @!p0 $0x0  }
0xc3: {  	[sflag:s0] =	ssyncadd.s32 @!p0 s1  }
0xc4: {  	[bflag:$0x3] =	sbarrier.arrive $0xFFFF  }
0xc5: {  	_ =	shalt  }

// kernel: kernel.14.cloned.1.call-start
scs
__scs_entry_jumppad:
0x0: {  	(pc) =	sbr.rel $0x88, $3  }
0x1: {  	(tag) =	ssettag $0x0;
	lr =	simm.s32 $0x1  }
0x2: {  	[smem:$0x3F9B] =	sst lr;
	_ =	strace $0xD0000000  }
0x3: {  	_ = 	snop  }
0x4: {  	_ = 	snop  }
0x5: {  	_ = 	snop  }
0x6: {  	_ = 	snop  }
0x7: {  	_ = 	snop  }
__scs_overlays_trampoline_lowered:
0x8: {  	[smem:$0x3FAA] =	sst s0  }
0x9: {  	[smem:$0x3FAB] =	sst s1  }
0xa: {  	[smem:$0x3FAC] =	sst s2  }
0xb: {  	[smem:$0x3FAD] =	sst s3  }
0xc: {  	[smem:$0x3FAE] =	sst s4  }
0xd: {  	[smem:$0x3FAF] =	sst s5  }
0xe: {  	[smem:$0x3FB0] =	sst s6  }
0xf: {  	[smem:$0x3FB1] =	sst s7  }
0x10: {  	[smem:$0x3FB2] =	sst s8  }
0x11: {  	[smem:$0x3FB3] =	sst s9;
	s0 =	simm.s32 @!p0 $0x0  }
0x12: {  	s1 =	sld [smem:$0x3F99];
	s0 =	simm.s32 @p0 $0x1  }
0x13: {  	[smem:$0x3FB4] =	sst s0;
	s0 =	simm.s32 @!p1 $0x0  }
0x14: {  	s2 =	sld [smem:$0x3F98];
	s0 =	simm.s32 @p1 $0x1  }
0x15: {  	[smem:$0x3FB5] =	sst s0;
	s0 =	simm.s32 @!p2 $0x0  }
0x16: {  	s3 =	sld [smem:$0x3FDB];
	s0 =	simm.s32 @p2 $0x1  }
0x17: {  	s4 =	simm.s32 $0x1BF5;
	[smem:$0x3FB7] =	sst s0  }
0x18: {  	s0 =	sld [smem:$0x3F9A];
	_ =	swait.ge [sflag:s4], $0x0  }
0x19: {  	s7 =	sld [smem:$0x3F9B]  }
0x1a: {  	s8 =	sadd.s32 $0xFFFFE003, lr  }
0x1b: {  	s9 =	sadd.s32 $0xFFFFFEF7, lr;
	s5 =	simm.s32 $0xFFFFFFFF;
	p2 =	slt.u32 s8, $0xFFFFF086  }
0x1c: {  	p1 =	slt.u32 s9, $0xF7A;
	s5 =	simm.s32 @!p2 $0x0  }
0x1d: {  	s5 =	simm.s32 @p1 $0x1;
	p0 =	seq.s32 s7, s2  }
0x1e: {  	s7 =	smul.u32 @!p0 $0xF7A, s2;
	p2 =	seq.s32 @!p0 s5, $0x0  }
0x1f: {  	s9 =	smul.u32 $0xF7A, s1;
	s8 =	simm.s32 @!p0 $0x1BF5;
	p2 =	por !p2, p0  }
0x20: {  	[sflag:s8] =	ssyncset.s32 @!p0 $0xFFFFF086;
	s6 =	sadd.s32 @!p0 s3, s7;
	s7 =	simm.s32 @!p0 $0x108  }
0x21: {  	s3 =	sadd.s32 s3, s9;
	s6 =	sadd.s32 @!p0 $0x88, s6;
	s7 =	simm.s32 @p2 $0x1082  }
0x22: {  	[simem:s7], [sflag:s8] =	dma.local @!p0 [hbm:s6], $0xF7A  }
0x23: {  	s9 =	sor.u32 $0xD0000000, s2;
	s6 =	simm.s32 $0x108;
	_ =	swait.ge @!p0 [sflag:s8], $0x0  }
0x24: {  	s3 =	sadd.s32 $0x88, s3;
	s6 =	simm.s32 @!p1 $0x1082;
	[sflag:s4] =	ssyncset.s32 $0xFFFFF086  }
0x25: {  	[simem:s6], [sflag:s4] =	dma.local [hbm:s3], $0xF7A  }
0x26: {  	[smem:$0x3F9B] =	sst s1;
	(tag) =	ssettag s2;
	_ =	strace s9  }
0x27: {  	s1 =	sld [smem:$0x3FAB]  }
0x28: {  	s2 =	sld [smem:$0x3FAC]  }
0x29: {  	s4 =	sld [smem:$0x3FAE]  }
0x2a: {  	p0 =	seq.s32 s5, $0x0;
	s5 =	sld [smem:$0x3FAF]  }
0x2b: {  	s6 =	sld [smem:$0x3FB0]  }
0x2c: {  	s7 =	sld [smem:$0x3FB1]  }
0x2d: {  	s3 =	simm.s32 $0x108;
	s8 =	sld [smem:$0x3FB2]  }
0x2e: {  	s3 =	simm.s32 @!p0 $0x1082;
	s9 =	sld [smem:$0x3FB3]  }
0x2f: {  	lr =	sadd.s32 s0, s3;
	s0 =	sld [smem:$0x3FAA]  }
0x30: {  	s3 =	sld [smem:$0x3FAD]  }
0x31: {  	[smem:$0x3FB6] =	sst s10  }
0x32: {  	s10 =	sld [smem:$0x3FB4];
	_ =	sdelay $0x3  }
0x33: {  	p0 =	seq.s32 s10, $0x1;
	s10 =	sld [smem:$0x3FB6];
	_ =	sdelay $0x3  }
0x34: {  	[smem:$0x3FB6] =	sst s10  }
0x35: {  	s10 =	sld [smem:$0x3FB5];
	_ =	sdelay $0x3  }
0x36: {  	p1 =	seq.s32 s10, $0x1;
	s10 =	sld [smem:$0x3FB6];
	_ =	sdelay $0x3  }
0x37: {  	[smem:$0x3FB6] =	sst s10  }
0x38: {  	s10 =	sld [smem:$0x3FB7]  }
0x39: {  	_ = 	snop;
	(pc) =	sbr.ind lr, $3  }
0x3a: {  	_ = 	snop  }
0x3b: {  	_ = 	snop  }
0x3c: {  	p2 =	seq.s32 s10, $0x1;
	s10 =	sld [smem:$0x3FB6]  }
0x3d: {  	_ =	shalt  }
0x3e: {  	_ =	shalt  }
0x3f: {  	_ =	shalt  }
0x40: {  	_ =	shalt  }
0x41: {  	_ =	shalt  }
0x42: {  	_ =	shalt  }
0x43: {  	_ =	shalt  }
0x44: {  	_ =	shalt  }
0x45: {  	_ =	shalt  }
0x46: {  	_ =	shalt  }
0x47: {  	_ =	shalt  }
0x48: {  	_ =	shalt  }
0x49: {  	_ =	shalt  }
0x4a: {  	_ =	shalt  }
0x4b: {  	_ =	shalt  }
0x4c: {  	_ =	shalt  }
0x4d: {  	_ =	shalt  }
0x4e: {  	_ =	shalt  }
0x4f: {  	_ =	shalt  }
0x50: {  	_ =	shalt  }
0x51: {  	_ =	shalt  }
0x52: {  	_ =	shalt  }
0x53: {  	_ =	shalt  }
0x54: {  	_ =	shalt  }
0x55: {  	_ =	shalt  }
0x56: {  	_ =	shalt  }
0x57: {  	_ =	shalt  }
0x58: {  	_ =	shalt  }
0x59: {  	_ =	shalt  }
0x5a: {  	_ =	shalt  }
0x5b: {  	_ =	shalt  }
0x5c: {  	_ =	shalt  }
0x5d: {  	_ =	shalt  }
0x5e: {  	_ =	shalt  }
0x5f: {  	_ =	shalt  }
0x60: {  	_ =	shalt  }
0x61: {  	_ =	shalt  }
0x62: {  	_ =	shalt  }
0x63: {  	_ =	shalt  }
0x64: {  	_ =	shalt  }
0x65: {  	_ =	shalt  }
0x66: {  	_ =	shalt  }
0x67: {  	_ =	shalt  }
0x68: {  	_ =	shalt  }
0x69: {  	_ =	shalt  }
0x6a: {  	_ =	shalt  }
0x6b: {  	_ =	shalt  }
0x6c: {  	_ =	shalt  }
0x6d: {  	_ =	shalt  }
0x6e: {  	_ =	shalt  }
0x6f: {  	_ =	shalt  }
0x70: {  	_ =	shalt  }
0x71: {  	_ =	shalt  }
0x72: {  	_ =	shalt  }
0x73: {  	_ =	shalt  }
0x74: {  	_ =	shalt  }
0x75: {  	_ =	shalt  }
0x76: {  	_ =	shalt  }
0x77: {  	_ =	shalt  }
0x78: {  	_ =	shalt  }
0x79: {  	_ =	shalt  }
0x7a: {  	_ =	shalt  }
0x7b: {  	_ =	shalt  }
0x7c: {  	_ =	shalt  }
0x7d: {  	_ =	shalt  }
0x7e: {  	_ =	shalt  }
0x7f: {  	_ =	shalt  }
0x80: {  	_ =	shalt  }
0x81: {  	_ =	shalt  }
0x82: {  	_ =	shalt  }
0x83: {  	_ =	shalt  }
0x84: {  	_ =	shalt  }
0x85: {  	_ =	shalt  }
0x86: {  	_ =	shalt  }
0x87: {  	_ =	shalt  }
.Lfunc_end0:
.L_simem_size_0:
called_computation.2_lowered:
.L_overlay_start_0:
0x88: {  	s2 =	sld [smem:$0x3FD9]  }
0x89: {  	s3 =	sld [smem:$0x3FFE];
	_ =	sdelay $0x1  }
0x8a: {  	s1 =	srdreg.scid  }
0x8b: {  	s0 =	sand.u32 $0x1, s1  }
0x8c: {  	s16 =	sshll.u32 s0, $0xA;
	s2 =	sadd.s32 s3, s2  }
0x8d: {  	s2 =	sadd.s32 s2, s16  }
0x8e: {  	[smem:$0x3FC2] =	sst s2  }
0x8f: {  	_ = 	snop  }
0x90: {  	(tm) =	ssettm $0x1  }
0x91: {  	s17 =	sld [smem:$0x3FFB];
	_ =	sdelay $0x3  }
0x92: {  	_ =	strace s17  }
0x93: {  	s2 =	sld [smem:$0x3FFC];
	_ =	sdelay $0x3  }
0x94: {  	_ =	strace s2  }
0x95: {  	s2 =	sld [smem:$0x3FFD];
	_ =	sdelay $0x3  }
0x96: {  	_ =	strace s2  }
0x97: {  	_ =	strace $0x8FFFFFFF  }
0x98: {  	s18 =	sld [smem:$0x3FDB];
	_ =	sdelay $0x1  }
0x99: {  	s19 =	simm.s32 $_scs_section_size  }
0x9a: {  	s4 =	simm.s32 $_size__tile_overlayer_lowered;
	s5 =	simm.s32 $_tile_overlayer_lowered  }
0x9b: {  	s22 =	simm.s32 $0x1BFF;
	s21 =	sshll.u32 s5, $0x1;
	s2 =	sadd.s32 s19, s18  }
0x9c: {  	s6 =	simm.s32 $0x0;
	s20 =	sshll.u32 s4, $0x1;
	s4 =	sadd.s32 s21, s2  }
0x9d: {  	[timem:s6], [sflag:s22] =	dma.local [hbm:s4], s20  }
0x9e: {  	_ =	swait.ge [sflag:s22], s20  }
0x9f: {  	s3 =	ssub.s32 $0x0, s20;
	[sflag:s22] =	ssyncset.done $0x0  }
0xa0: {  	[sflag:s22] =	ssyncadd.s32 s3;
	_ =	sdelay $0x1  }
0xa1: {  	s23 =	simm.s32 $0x1B8B  }
0xa2: {  	_ =	swait.ge [sflag:s23], $0x1  }
0xa3: {  	[sflag:s23] =	ssyncset.done $0x0  }
0xa4: {  	s25 =	simm.s32 $0x1B8E;
	s24 =	sld [smem:$0x3FFE];
	[sflag:s23] =	ssyncadd.s32 $0xFFFFFFFF  }
0xa5: {  	s26 =	simm.s32 $execute0_lowered;
	[smem:$0x3FD2] =	sst s25  }
0xa6: {  	s4 =	sshll.u32 s26, $0x1;
	_ =	strace $0x8000004C;
	[dreg:$0x1] =	wrdreg $0xFFFFFFFF  }
0xa7: {  	s28 =	simm.s32 $_size_execute0_lowered;
	s2 =	sadd.s32 s2, s4;
	[dreg:$0x0] =	wrdreg $0x0  }
0xa8: {  	s4 =	sshll.u32 s28, $0x1;
	[dreg:$0x2] =	wrdreg s2  }
0xa9: {  	[dreg:$0x3] =	wrdreg s4  }
0xaa: {  	[dreg:$0x4] =	wrdreg $0xC0  }
0xab: {  	_ =	task [dreg:s6], $0x5FFFF  }
0xac: {  	[dreg:$0x1] =	wrdreg $0xFFFFFFFF  }
0xad: {  	[dreg:$0x0] =	wrdreg $0x60  }
0xae: {  	[dreg:$0x2] =	wrdreg s24  }
0xaf: {  	[dreg:$0x3] =	wrdreg $0x54000  }
0xb0: {  	[dreg:$0x4] =	wrdreg $0x9  }
0xb1: {  	_ =	task.clear_ibuf [dreg:s6], $0x5FFFF;
	_ =	strace $0x9000004C  }
0xb2: {  	s29 =	simm.s32 $0x9;
	_ =	strace $0x8000004E  }
0xb3: {  	_ =	swait.ge [sflag:s29], $0x1  }
0xb4: {  	[sflag:s29] =	ssyncadd.s32 $0xFFFFFFFF  }
0xb5: {  	_ =	strace $0x9000004E  }
0xb6: {  	_ =	sfence  }
0xb7: {  	s30 =	sld [smem:$0x0];
	_ =	sdelay $0x2  }
0xb8: {  	s31 =	sshll.u32 s1, $0xD;
	s1 =	sshrl.u32 s1, $0x2  }
0xb9: {  	s3 =	sand.u32 $0x4000, s31;
	s1 =	sadd.s32 s1, s30  }
0xba: {  	s0 =	sor.u32 s3, s0;
	s1 =	sshll.u32 s1, $0x11  }
0xbb: {  	s0 =	sor.u32 s1, s0  }
0xbc: {  	s0 =	sadd.s32 $0x8F2B, s0  }
0xbd: {  	[sflag:s0] =	ssyncadd.remote.s32 $0x1  }
0xbe: {  	_ =	sfence.sel $0xFFFF  }
0xbf: {  	[dreg:$0x0] =	wrdreg $0xFFFFFFFF;
	(pc) =	sbr.abs _section_cstart, $3  }
0xc0: {  	[dreg:$0x1] =	wrdreg $0xFFFFFFFF  }
0xc1: {  	_ =	task.clear_ibuf [dreg:s6], $0x2FFFF;
	_ =	strace $0x9FFFFFFF  }
0xc2: {  	(tm) =	ssettm $0x7FFFFFFF  }
0xc3: {  	_ =	shalt  }
tec
execute0_lowered:
.L_overlay_start_1:
0x0: {  	(tag) =	ssettag $0x1  }
0x1: {  	s0 =	srdreg.scid  }
0x2: {  	s1 =	rddreg [dreg:$0x0];
	s7 =	stileid.u32  }
0x3: {  	s2 =	rddreg [dreg:$0x1];
	s4 =	simm.s32 $0x0;
	s12 =	simm.s32 $0x11  }
0x4: {  	s13 =	simm.s32 $0x80;
	s14 =	simm.s32 $0x5000;
	s15 =	simm.s32 $0x5080  }
0x5: {  	s16 =	simm.s32 $0x5100;
	s17 =	simm.s32 $0x5180;
	s18 =	simm.s32 $0x5200  }
0x6: {  	s19 =	simm.s32 $0x5280;
	s20 =	simm.s32 $0x5300;
	s28 =	simm.s32 $0x5  }
0x7: {  	s29 =	simm.s32 $0x6;
	s30 =	simm.s32 $0x7;
	s31 =	simm.s32 $0x8  }
0x8: {  	s11 =	simm.s32 $0xA;
	s10 =	simm.s32 $0x0;
	s0 =	sand.u32 $0x1, s0  }
0x9: {  	[smem:$0x7FF] =	sst s4;
	s5 =	smul.u32 $0x500, s7;
	s4 =	sadd.s32 $0xC800, s1  }
0xa: {  	s21 =	smul.u32 $0xA00, s7;
	s8 =	sadd.s32 $0xC200, s1;
	p0 =	sne.s32 s7, $0x0  }
0xb: {  	s3 =	sshll.u32 s0, $0x4;
	_ =	strace $0x8000004D;
	s6 =	sshll.u32 s0, $0x7  }
0xc: {  	s0 =	ssub.s32 $0x2, s0;
	[dreg:$0x3] =	wrdreg s8;
	s8 =	simm.s32 $0x10  }
0xd: {  	s3 =	sor.u32 s7, s3;
	s5 =	sor.u32 s6, s5;
	s22 =	sshrl.u32 s0, $0x1  }
0xe: {  	s24 =	sshrl.u32 s21, $0x2;
	s21 =	simm.s32 $0x5380;
	s6 =	simm.s32 $0xE  }
0xf: {  	s7 =	simm.s32 $0xF;
	s3 =	smul.u32 $0x500, s3;
	s0 =	ssub.s32 s0, s22  }
0x10: {  	s5 =	sshrl.u32 s5, $0x3;
	s25 =	sadd.s32 s24, s2;
	s0 =	smax.u32 s0, $0x1  }
0x11: {  	s22 =	simm.s32 $0x1;
	s26 =	sshrl.u32 s25, $0x3;
	[dreg:$0x7] =	wrdreg s0  }
0x12: {  	s3 =	sadd.s32 s3, s1;
	s0 =	sshrl.u32 @!p0 s2, $0x3;
	[dreg:$0x9] =	wrdreg s26  }
0x13: {  	s24 =	simm.s32 $0x3;
	s23 =	sadd.s32 $0xD200, s3;
	[dreg:$0x8] =	wrdreg s0  }
0x14: {  	s1 =	sadd.s32 s5, s1;
	s3 =	sadd.s32 $0x2200, s3;
	[dreg:$0x4] =	wrdreg s23  }
0x15: {  	s26 =	simm.s32 $0x4;
	s1 =	sadd.s32 $0x17200, s1;
	[dreg:$0x5] =	wrdreg s3  }
0x16: {  	s5 =	simm.s32 $0xD;
	s0 =	simm.s32 $0x9;
	[dreg:$0x6] =	wrdreg s1  }
0x17: {  	s23 =	simm.s32 $0x2;
	s1 =	simm.s32 $0xB;
	s3 =	simm.s32 $0xC  }
.LBB2_1:
0x18: {  	[dreg:$0xa] =	wrdreg s10  }
0x19: {  	s9 =	simm.s32 $0x0;
	s25 =	rddreg [dreg:$0x4]  }
0x1a: {  	[tilespmem:s9], [sflag:$0x11] =	stream.linear.gather [hbm4b:s25+s9], $0x2800, $0x38;
	[tilespmem:$0x5680] =	vst v63  }
0x1b: {  	_ =	swait.ge [sflag:s12], $0x2800  }
0x1c: {  	[sflag:s12] =	ssyncset.done $0x0  }
0x1d: {  	s25 =	simm.s32 $0x2800;
	s10 =	rddreg [dreg:$0x5];
	[sflag:s12] =	ssyncadd.s32 $0xFFFFD800  }
0x1e: {  	[tilespmem:s25], [sflag:$0x11] =	stream.linear.gather [hbm4b:s10+s9], $0x2800, $0x38;
	[tilespmem:$0x5680] =	vst v63  }
0x1f: {  	_ =	swait.ge [sflag:s12], $0x2800  }
0x20: {  	[sflag:s12] =	ssyncset.done $0x0;
	s10 =	rddreg [dreg:$0x3]  }
0x21: {  	s9 =	simm.s32 @!p0 $0x1C11;
	[sflag:s12] =	ssyncadd.s32 $0xFFFFD800;
	s12 =	rddreg [dreg:$0x8]  }
0x22: {  	[spmem:s12], [sflag:s9] =	dma.local @!p0 [hbm:s10], $0x500  }
0x23: {  	s9 =	simm.s32 @!p0 $0x11  }
0x24: {  	_ =	swait.ge @!p0 [sflag:s9], $0x500  }
0x25: {  	[sflag:s9] =	ssyncset.done @!p0 $0x0  }
0x26: {  	[sflag:s9] =	ssyncadd.s32 @!p0 $0xFFFFFB00  }
0x27: {  	s25 =	simm.s32 $0x0;
	[bflag:$0x0] =	sbarrier.arrive $0xFFFF  }
0x28: {  	[tilespmem:s14], [sflag:$0x1] =	stream.indirect.gather [hbm4b:s4+s13], $0x1, s25, s13, $0xb8;
	[tilespmem:$0x5680] =	vst v63  }
0x29: {  	s10 =	simm.s32 $0x80  }
0x2a: {  	[tilespmem:s15], [sflag:$0x2] =	stream.indirect.gather [hbm4b:s4+s13], $0x1, s10, s13, $0xb8;
	[tilespmem:$0x5680] =	vst v63  }
0x2b: {  	s12 =	simm.s32 $0x100  }
0x2c: {  	[tilespmem:s16], [sflag:$0x3] =	stream.indirect.gather [hbm4b:s4+s13], $0x1, s12, s13, $0xb8;
	[tilespmem:$0x5680] =	vst v63  }
0x2d: {  	s25 =	simm.s32 $0x180  }
0x2e: {  	[tilespmem:s17], [sflag:$0x4] =	stream.indirect.gather [hbm4b:s4+s13], $0x1, s25, s13, $0xb8;
	[tilespmem:$0x5680] =	vst v63  }
0x2f: {  	s10 =	simm.s32 $0x200  }
0x30: {  	[tilespmem:s18], [sflag:$0x5] =	stream.indirect.gather [hbm4b:s4+s13], $0x1, s10, s13, $0xb8;
	[tilespmem:$0x5680] =	vst v63  }
0x31: {  	s12 =	simm.s32 $0x280  }
0x32: {  	[tilespmem:s19], [sflag:$0x6] =	stream.indirect.gather [hbm4b:s4+s13], $0x1, s12, s13, $0xb8;
	[tilespmem:$0x5680] =	vst v63  }
0x33: {  	s25 =	simm.s32 $0x300  }
0x34: {  	[tilespmem:s20], [sflag:$0x7] =	stream.indirect.gather [hbm4b:s4+s13], $0x1, s25, s13, $0xb8;
	[tilespmem:$0x5680] =	vst v63  }
0x35: {  	s10 =	simm.s32 $0x380  }
0x36: {  	[tilespmem:s21], [sflag:$0x8] =	stream.indirect.gather [hbm4b:s4+s13], $0x1, s10, s13, $0xb8;
	[tilespmem:$0x5680] =	vst v63  }
0x37: {  	_ =	swait.ge [sflag:s22], $0x80  }
0x38: {  	[sflag:s22] =	ssyncset.done $0x0  }
0x39: {  	s12 =	simm.s32 $0x2800;
	[sflag:s22] =	ssyncadd.s32 $0xFFFFFF80  }
0x3a: {  	[spmem:s2] =	stream.indirect.scatter.add.f32 [tilespmem:s14], [sflag:$0x9], $0x1, s12, s13, $0xb8;
	[tilespmem:$0x5680] =	vst v63  }
0x3b: {  	_ =	swait.ge [sflag:s23], $0x80  }
0x3c: {  	[sflag:s23] =	ssyncset.done $0x0  }
0x3d: {  	s25 =	simm.s32 $0x2880;
	[sflag:s23] =	ssyncadd.s32 $0xFFFFFF80  }
0x3e: {  	[spmem:s2] =	stream.indirect.scatter.add.f32 [tilespmem:s15], [sflag:$0xA], $0x1, s25, s13, $0xb8;
	[tilespmem:$0x5680] =	vst v63  }
0x3f: {  	_ =	swait.ge [sflag:s24], $0x80  }
0x40: {  	[sflag:s24] =	ssyncset.done $0x0  }
0x41: {  	s10 =	simm.s32 $0x2900;
	[sflag:s24] =	ssyncadd.s32 $0xFFFFFF80  }
0x42: {  	[spmem:s2] =	stream.indirect.scatter.add.f32 [tilespmem:s16], [sflag:$0xB], $0x1, s10, s13, $0xb8;
	[tilespmem:$0x5680] =	vst v63  }
0x43: {  	_ =	swait.ge [sflag:s26], $0x80  }
0x44: {  	[sflag:s26] =	ssyncset.done $0x0  }
0x45: {  	s12 =	simm.s32 $0x2980;
	[sflag:s26] =	ssyncadd.s32 $0xFFFFFF80  }
0x46: {  	[spmem:s2] =	stream.indirect.scatter.add.f32 [tilespmem:s17], [sflag:$0xC], $0x1, s12, s13, $0xb8;
	[tilespmem:$0x5680] =	vst v63  }
0x47: {  	_ =	swait.ge [sflag:s28], $0x80  }
0x48: {  	[sflag:s28] =	ssyncset.done $0x0  }
0x49: {  	s25 =	simm.s32 $0x2A00;
	[sflag:s28] =	ssyncadd.s32 $0xFFFFFF80  }
0x4a: {  	[spmem:s2] =	stream.indirect.scatter.add.f32 [tilespmem:s18], [sflag:$0xD], $0x1, s25, s13, $0xb8;
	[tilespmem:$0x5680] =	vst v63  }
0x4b: {  	_ =	swait.ge [sflag:s29], $0x80  }
0x4c: {  	[sflag:s29] =	ssyncset.done $0x0  }
0x4d: {  	s10 =	simm.s32 $0x2A80;
	[sflag:s29] =	ssyncadd.s32 $0xFFFFFF80  }
0x4e: {  	[spmem:s2] =	stream.indirect.scatter.add.f32 [tilespmem:s19], [sflag:$0xE], $0x1, s10, s13, $0xb8;
	[tilespmem:$0x5680] =	vst v63  }
0x4f: {  	_ =	swait.ge [sflag:s30], $0x80  }
0x50: {  	[sflag:s30] =	ssyncset.done $0x0  }
0x51: {  	s12 =	simm.s32 $0x2B00;
	[sflag:s30] =	ssyncadd.s32 $0xFFFFFF80  }
0x52: {  	[spmem:s2] =	stream.indirect.scatter.add.f32 [tilespmem:s20], [sflag:$0xF], $0x1, s12, s13, $0xb8;
	[tilespmem:$0x5680] =	vst v63  }
0x53: {  	_ =	swait.ge [sflag:s31], $0x80  }
0x54: {  	[sflag:s31] =	ssyncset.done $0x0  }
0x55: {  	s25 =	simm.s32 $0x2B80;
	[sflag:s31] =	ssyncadd.s32 $0xFFFFFF80  }
0x56: {  	[spmem:s2] =	stream.indirect.scatter.add.f32 [tilespmem:s21], [sflag:$0x10], $0x1, s25, s13, $0xb8;
	[tilespmem:$0x5680] =	vst v63  }
0x57: {  	_ =	swait.ge [sflag:s0], $0x80  }
0x58: {  	[sflag:s0] =	ssyncset.done $0x0  }
0x59: {  	[sflag:s0] =	ssyncadd.s32 $0xFFFFFF80  }
0x5a: {  	_ =	swait.ge [sflag:s11], $0x80  }
0x5b: {  	[sflag:s11] =	ssyncset.done $0x0  }
0x5c: {  	[sflag:s11] =	ssyncadd.s32 $0xFFFFFF80  }
0x5d: {  	_ =	swait.ge [sflag:s1], $0x80  }
0x5e: {  	[sflag:s1] =	ssyncset.done $0x0  }
0x5f: {  	[sflag:s1] =	ssyncadd.s32 $0xFFFFFF80  }
0x60: {  	_ =	swait.ge [sflag:s3], $0x80  }
0x61: {  	[sflag:s3] =	ssyncset.done $0x0  }
0x62: {  	[sflag:s3] =	ssyncadd.s32 $0xFFFFFF80  }
0x63: {  	_ =	swait.ge [sflag:s5], $0x80  }
0x64: {  	[sflag:s5] =	ssyncset.done $0x0  }
0x65: {  	[sflag:s5] =	ssyncadd.s32 $0xFFFFFF80  }
0x66: {  	_ =	swait.ge [sflag:s6], $0x80  }
0x67: {  	[sflag:s6] =	ssyncset.done $0x0  }
0x68: {  	[sflag:s6] =	ssyncadd.s32 $0xFFFFFF80  }
0x69: {  	_ =	swait.ge [sflag:s7], $0x80  }
0x6a: {  	[sflag:s7] =	ssyncset.done $0x0  }
0x6b: {  	[sflag:s7] =	ssyncadd.s32 $0xFFFFFF80  }
0x6c: {  	_ =	swait.ge [sflag:s8], $0x80  }
0x6d: {  	s12 =	simm.s32 $0x1000;
	s25 =	simm.s32 $0x2000;
	[sflag:s8] =	ssyncset.done $0x0  }
.LBB2_2:
0x6e: {  	s10 =	sshra.s32 s12, $0x2  }
0x6f: {  	[sflag:s8] =	ssyncadd.s32 $0xFFFFFF80;
	s12 =	smov.u32 s25;
	s9 =	sadd.s32 $0x1000, s25  }
0x70: {  	[tilespmem:s14], [sflag:$0x1] =	stream.indirect.gather [hbm4b:s4+s13], $0x1, s10, s13, $0xb8;
	[tilespmem:$0x5680] =	vst v63  }
0x71: {  	p1 =	sne.s32 s25, $0x9000;
	s25 =	sadd.s32 $0x80, s10  }
0x72: {  	[tilespmem:s15], [sflag:$0x2] =	stream.indirect.gather [hbm4b:s4+s13], $0x1, s25, s13, $0xb8;
	[tilespmem:$0x5680] =	vst v63  }
0x73: {  	s25 =	sadd.s32 $0x100, s10  }
0x74: {  	[tilespmem:s16], [sflag:$0x3] =	stream.indirect.gather [hbm4b:s4+s13], $0x1, s25, s13, $0xb8;
	[tilespmem:$0x5680] =	vst v63  }
0x75: {  	s25 =	sadd.s32 $0x180, s10  }
0x76: {  	[tilespmem:s17], [sflag:$0x4] =	stream.indirect.gather [hbm4b:s4+s13], $0x1, s25, s13, $0xb8;
	[tilespmem:$0x5680] =	vst v63  }
0x77: {  	s25 =	sadd.s32 $0x200, s10  }
0x78: {  	[tilespmem:s18], [sflag:$0x5] =	stream.indirect.gather [hbm4b:s4+s13], $0x1, s25, s13, $0xb8;
	[tilespmem:$0x5680] =	vst v63  }
0x79: {  	s25 =	sadd.s32 $0x280, s10  }
0x7a: {  	[tilespmem:s19], [sflag:$0x6] =	stream.indirect.gather [hbm4b:s4+s13], $0x1, s25, s13, $0xb8;
	[tilespmem:$0x5680] =	vst v63  }
0x7b: {  	s25 =	sadd.s32 $0x300, s10  }
0x7c: {  	[tilespmem:s20], [sflag:$0x7] =	stream.indirect.gather [hbm4b:s4+s13], $0x1, s25, s13, $0xb8;
	[tilespmem:$0x5680] =	vst v63  }
0x7d: {  	s25 =	sadd.s32 $0x380, s10  }
0x7e: {  	[tilespmem:s21], [sflag:$0x8] =	stream.indirect.gather [hbm4b:s4+s13], $0x1, s25, s13, $0xb8;
	[tilespmem:$0x5680] =	vst v63  }
0x7f: {  	_ =	swait.ge [sflag:s22], $0x80  }
0x80: {  	[sflag:s22] =	ssyncset.done $0x0  }
0x81: {  	s25 =	sadd.s32 $0x2800, s10;
	[sflag:s22] =	ssyncadd.s32 $0xFFFFFF80  }
0x82: {  	[spmem:s2] =	stream.indirect.scatter.add.f32 [tilespmem:s14], [sflag:$0x9], $0x1, s25, s13, $0xb8;
	[tilespmem:$0x5680] =	vst v63  }
0x83: {  	_ =	swait.ge [sflag:s23], $0x80  }
0x84: {  	[sflag:s23] =	ssyncset.done $0x0  }
0x85: {  	s25 =	sadd.s32 $0x2880, s10;
	[sflag:s23] =	ssyncadd.s32 $0xFFFFFF80  }
0x86: {  	[spmem:s2] =	stream.indirect.scatter.add.f32 [tilespmem:s15], [sflag:$0xA], $0x1, s25, s13, $0xb8;
	[tilespmem:$0x5680] =	vst v63  }
0x87: {  	_ =	swait.ge [sflag:s24], $0x80  }
0x88: {  	[sflag:s24] =	ssyncset.done $0x0  }
0x89: {  	s25 =	sadd.s32 $0x2900, s10;
	[sflag:s24] =	ssyncadd.s32 $0xFFFFFF80  }
0x8a: {  	[spmem:s2] =	stream.indirect.scatter.add.f32 [tilespmem:s16], [sflag:$0xB], $0x1, s25, s13, $0xb8;
	[tilespmem:$0x5680] =	vst v63  }
0x8b: {  	_ =	swait.ge [sflag:s26], $0x80  }
0x8c: {  	[sflag:s26] =	ssyncset.done $0x0  }
0x8d: {  	s25 =	sadd.s32 $0x2980, s10;
	[sflag:s26] =	ssyncadd.s32 $0xFFFFFF80  }
0x8e: {  	[spmem:s2] =	stream.indirect.scatter.add.f32 [tilespmem:s17], [sflag:$0xC], $0x1, s25, s13, $0xb8;
	[tilespmem:$0x5680] =	vst v63  }
0x8f: {  	_ =	swait.ge [sflag:s28], $0x80  }
0x90: {  	[sflag:s28] =	ssyncset.done $0x0  }
0x91: {  	s25 =	sadd.s32 $0x2A00, s10;
	[sflag:s28] =	ssyncadd.s32 $0xFFFFFF80  }
0x92: {  	[spmem:s2] =	stream.indirect.scatter.add.f32 [tilespmem:s18], [sflag:$0xD], $0x1, s25, s13, $0xb8;
	[tilespmem:$0x5680] =	vst v63  }
0x93: {  	_ =	swait.ge [sflag:s29], $0x80  }
0x94: {  	[sflag:s29] =	ssyncset.done $0x0  }
0x95: {  	s25 =	sadd.s32 $0x2A80, s10;
	[sflag:s29] =	ssyncadd.s32 $0xFFFFFF80  }
0x96: {  	[spmem:s2] =	stream.indirect.scatter.add.f32 [tilespmem:s19], [sflag:$0xE], $0x1, s25, s13, $0xb8;
	[tilespmem:$0x5680] =	vst v63  }
0x97: {  	_ =	swait.ge [sflag:s30], $0x80  }
0x98: {  	[sflag:s30] =	ssyncset.done $0x0  }
0x99: {  	s25 =	sadd.s32 $0x2B00, s10;
	[sflag:s30] =	ssyncadd.s32 $0xFFFFFF80  }
0x9a: {  	[spmem:s2] =	stream.indirect.scatter.add.f32 [tilespmem:s20], [sflag:$0xF], $0x1, s25, s13, $0xb8;
	[tilespmem:$0x5680] =	vst v63  }
0x9b: {  	_ =	swait.ge [sflag:s31], $0x80  }
0x9c: {  	[sflag:s31] =	ssyncset.done $0x0  }
0x9d: {  	s10 =	sadd.s32 $0x2B80, s10;
	[sflag:s31] =	ssyncadd.s32 $0xFFFFFF80  }
0x9e: {  	[spmem:s2] =	stream.indirect.scatter.add.f32 [tilespmem:s21], [sflag:$0x10], $0x1, s10, s13, $0xb8;
	[tilespmem:$0x5680] =	vst v63  }
0x9f: {  	_ =	swait.ge [sflag:s0], $0x80  }
0xa0: {  	[sflag:s0] =	ssyncset.done $0x0  }
0xa1: {  	[sflag:s0] =	ssyncadd.s32 $0xFFFFFF80  }
0xa2: {  	_ =	swait.ge [sflag:s11], $0x80  }
0xa3: {  	[sflag:s11] =	ssyncset.done $0x0  }
0xa4: {  	[sflag:s11] =	ssyncadd.s32 $0xFFFFFF80  }
0xa5: {  	_ =	swait.ge [sflag:s1], $0x80  }
0xa6: {  	[sflag:s1] =	ssyncset.done $0x0  }
0xa7: {  	[sflag:s1] =	ssyncadd.s32 $0xFFFFFF80  }
0xa8: {  	_ =	swait.ge [sflag:s3], $0x80  }
0xa9: {  	[sflag:s3] =	ssyncset.done $0x0  }
0xaa: {  	[sflag:s3] =	ssyncadd.s32 $0xFFFFFF80  }
0xab: {  	_ =	swait.ge [sflag:s5], $0x80  }
0xac: {  	[sflag:s5] =	ssyncset.done $0x0  }
0xad: {  	[sflag:s5] =	ssyncadd.s32 $0xFFFFFF80  }
0xae: {  	_ =	swait.ge [sflag:s6], $0x80  }
0xaf: {  	[sflag:s6] =	ssyncset.done $0x0  }
0xb0: {  	[sflag:s6] =	ssyncadd.s32 $0xFFFFFF80  }
.Ltmp0:
0xb1: {  	_ =	swait.ge [sflag:s7], $0x80;
	(pc) =	sbr.rel @p1 .LBB2_2-.Ltmp0, $4  }
0xb2: {  	[sflag:s7] =	ssyncset.done $0x0  }
0xb3: {  	[sflag:s7] =	ssyncadd.s32 $0xFFFFFF80  }
0xb4: {  	_ =	swait.ge [sflag:s8], $0x80  }
0xb5: {  	s25 =	smov.u32 s9;
	[sflag:s8] =	ssyncset.done $0x0  }
0xb6: {  	s9 =	sshra.s32 s12, $0x2;
	[sflag:s8] =	ssyncadd.s32 $0xFFFFFF80  }
0xb7: {  	[tilespmem:s14], [sflag:$0x1] =	stream.indirect.gather [hbm4b:s4+s13], $0x1, s9, s13, $0xb8;
	[tilespmem:$0x5680] =	vst v63  }
0xb8: {  	s10 =	sadd.s32 $0x80, s9  }
0xb9: {  	[tilespmem:s15], [sflag:$0x2] =	stream.indirect.gather [hbm4b:s4+s13], $0x1, s10, s13, $0xb8;
	[tilespmem:$0x5680] =	vst v63  }
0xba: {  	s12 =	sadd.s32 $0x100, s9  }
0xbb: {  	[tilespmem:s16], [sflag:$0x3] =	stream.indirect.gather [hbm4b:s4+s13], $0x1, s12, s13, $0xb8;
	[tilespmem:$0x5680] =	vst v63  }
0xbc: {  	s25 =	sadd.s32 $0x180, s9  }
0xbd: {  	[tilespmem:s17], [sflag:$0x4] =	stream.indirect.gather [hbm4b:s4+s13], $0x1, s25, s13, $0xb8;
	[tilespmem:$0x5680] =	vst v63  }
0xbe: {  	s12 =	sadd.s32 $0x200, s9  }
0xbf: {  	[tilespmem:s18], [sflag:$0x5] =	stream.indirect.gather [hbm4b:s4+s13], $0x1, s12, s13, $0xb8;
	[tilespmem:$0x5680] =	vst v63  }
0xc0: {  	s25 =	sadd.s32 $0x280, s9  }
0xc1: {  	[tilespmem:s19], [sflag:$0x6] =	stream.indirect.gather [hbm4b:s4+s13], $0x1, s25, s13, $0xb8;
	[tilespmem:$0x5680] =	vst v63  }
0xc2: {  	s12 =	sadd.s32 $0x300, s9  }
0xc3: {  	[tilespmem:s20], [sflag:$0x7] =	stream.indirect.gather [hbm4b:s4+s13], $0x1, s12, s13, $0xb8;
	[tilespmem:$0x5680] =	vst v63  }
0xc4: {  	s25 =	sadd.s32 $0x380, s9  }
0xc5: {  	[tilespmem:s21], [sflag:$0x8] =	stream.indirect.gather [hbm4b:s4+s13], $0x1, s25, s13, $0xb8;
	[tilespmem:$0x5680] =	vst v63  }
0xc6: {  	_ =	swait.ge [sflag:s22], $0x80  }
0xc7: {  	[sflag:s22] =	ssyncset.done $0x0  }
0xc8: {  	s12 =	sadd.s32 $0x2800, s9;
	[sflag:s22] =	ssyncadd.s32 $0xFFFFFF80  }
0xc9: {  	[spmem:s2] =	stream.indirect.scatter.add.f32 [tilespmem:s14], [sflag:$0x9], $0x1, s12, s13, $0xb8;
	[tilespmem:$0x5680] =	vst v63  }
0xca: {  	_ =	swait.ge [sflag:s23], $0x80  }
0xcb: {  	[sflag:s23] =	ssyncset.done $0x0  }
0xcc: {  	s25 =	sadd.s32 $0x2880, s9;
	[sflag:s23] =	ssyncadd.s32 $0xFFFFFF80  }
0xcd: {  	[spmem:s2] =	stream.indirect.scatter.add.f32 [tilespmem:s15], [sflag:$0xA], $0x1, s25, s13, $0xb8;
	[tilespmem:$0x5680] =	vst v63  }
0xce: {  	_ =	swait.ge [sflag:s24], $0x80  }
0xcf: {  	[sflag:s24] =	ssyncset.done $0x0  }
0xd0: {  	s12 =	sadd.s32 $0x2900, s9;
	[sflag:s24] =	ssyncadd.s32 $0xFFFFFF80  }
0xd1: {  	[spmem:s2] =	stream.indirect.scatter.add.f32 [tilespmem:s16], [sflag:$0xB], $0x1, s12, s13, $0xb8;
	[tilespmem:$0x5680] =	vst v63  }
0xd2: {  	_ =	swait.ge [sflag:s26], $0x80  }
0xd3: {  	[sflag:s26] =	ssyncset.done $0x0  }
0xd4: {  	s25 =	sadd.s32 $0x2980, s9;
	[sflag:s26] =	ssyncadd.s32 $0xFFFFFF80  }
0xd5: {  	[spmem:s2] =	stream.indirect.scatter.add.f32 [tilespmem:s17], [sflag:$0xC], $0x1, s25, s13, $0xb8;
	[tilespmem:$0x5680] =	vst v63  }
0xd6: {  	_ =	swait.ge [sflag:s28], $0x80  }
0xd7: {  	[sflag:s28] =	ssyncset.done $0x0  }
0xd8: {  	s12 =	sadd.s32 $0x2A00, s9;
	[sflag:s28] =	ssyncadd.s32 $0xFFFFFF80  }
0xd9: {  	[spmem:s2] =	stream.indirect.scatter.add.f32 [tilespmem:s18], [sflag:$0xD], $0x1, s12, s13, $0xb8;
	[tilespmem:$0x5680] =	vst v63  }
0xda: {  	_ =	swait.ge [sflag:s29], $0x80  }
0xdb: {  	[sflag:s29] =	ssyncset.done $0x0  }
0xdc: {  	s25 =	sadd.s32 $0x2A80, s9;
	[sflag:s29] =	ssyncadd.s32 $0xFFFFFF80  }
0xdd: {  	[spmem:s2] =	stream.indirect.scatter.add.f32 [tilespmem:s19], [sflag:$0xE], $0x1, s25, s13, $0xb8;
	[tilespmem:$0x5680] =	vst v63  }
0xde: {  	_ =	swait.ge [sflag:s30], $0x80  }
0xdf: {  	[sflag:s30] =	ssyncset.done $0x0  }
0xe0: {  	s12 =	sadd.s32 $0x2B00, s9;
	[sflag:s30] =	ssyncadd.s32 $0xFFFFFF80  }
0xe1: {  	[spmem:s2] =	stream.indirect.scatter.add.f32 [tilespmem:s20], [sflag:$0xF], $0x1, s12, s13, $0xb8;
	[tilespmem:$0x5680] =	vst v63  }
0xe2: {  	_ =	swait.ge [sflag:s31], $0x80  }
0xe3: {  	[sflag:s31] =	ssyncset.done $0x0  }
0xe4: {  	s9 =	sadd.s32 $0x2B80, s9;
	[sflag:s31] =	ssyncadd.s32 $0xFFFFFF80  }
0xe5: {  	[spmem:s2] =	stream.indirect.scatter.add.f32 [tilespmem:s21], [sflag:$0x10], $0x1, s9, s13, $0xb8;
	[tilespmem:$0x5680] =	vst v63  }
0xe6: {  	_ =	swait.ge [sflag:s0], $0x80  }
0xe7: {  	[sflag:s0] =	ssyncset.done $0x0  }
0xe8: {  	[sflag:s0] =	ssyncadd.s32 $0xFFFFFF80  }
0xe9: {  	_ =	swait.ge [sflag:s11], $0x80  }
0xea: {  	[sflag:s11] =	ssyncset.done $0x0  }
0xeb: {  	[sflag:s11] =	ssyncadd.s32 $0xFFFFFF80  }
0xec: {  	_ =	swait.ge [sflag:s1], $0x80  }
0xed: {  	[sflag:s1] =	ssyncset.done $0x0  }
0xee: {  	[sflag:s1] =	ssyncadd.s32 $0xFFFFFF80  }
0xef: {  	_ =	swait.ge [sflag:s3], $0x80  }
0xf0: {  	[sflag:s3] =	ssyncset.done $0x0  }
0xf1: {  	[sflag:s3] =	ssyncadd.s32 $0xFFFFFF80  }
0xf2: {  	_ =	swait.ge [sflag:s5], $0x80  }
0xf3: {  	[sflag:s5] =	ssyncset.done $0x0  }
0xf4: {  	[sflag:s5] =	ssyncadd.s32 $0xFFFFFF80  }
0xf5: {  	_ =	swait.ge [sflag:s6], $0x80  }
0xf6: {  	[sflag:s6] =	ssyncset.done $0x0  }
0xf7: {  	[sflag:s6] =	ssyncadd.s32 $0xFFFFFF80  }
0xf8: {  	_ =	swait.ge [sflag:s7], $0x80  }
0xf9: {  	[sflag:s7] =	ssyncset.done $0x0  }
0xfa: {  	[sflag:s7] =	ssyncadd.s32 $0xFFFFFF80  }
0xfb: {  	_ =	swait.ge [sflag:s8], $0x80  }
0xfc: {  	[sflag:s8] =	ssyncset.done $0x0  }
0xfd: {  	[sflag:s8] =	ssyncadd.s32 $0xFFFFFF80  }
0xfe: {  	s25 =	stileid.u32;
	[bflag:$0x0] =	sbarrier.arrive $0xFFFF  }
0xff: {  	s9 =	sshll.u32 s25, $0x6;
	s10 =	rddreg [dreg:$0x6]  }
0x100: {  	s25 =	simm.s32 $0x20;
	s9 =	sor.u32 $0x1C11, s9;
	s12 =	rddreg [dreg:$0x9]  }
0x101: {  	[hbm:s10@s25], [sflag:s9] =	dma.strided [spmem:s12@s8], $0x50, s22, $0x10   }
0x102: {  	s12 =	simm.s32 $0x11  }
0x103: {  	_ =	swait.ge [sflag:s12], $0x50  }
0x104: {  	s9 =	rddreg [dreg:$0xa]  }
0x105: {  	s25 =	rddreg [dreg:$0x7];
	s10 =	sadd.s32 $0x1, s9  }
0x106: {  	p1 =	sne.s32 s10, s25  }
.Ltmp1:
0x107: {  	_ = 	snop;
	(pc) =	sbr.rel @p1 .LBB2_1-.Ltmp1, $3  }
0x108: {  	_ =	sdelay $0x1  }
0x109: {  	[sflag:s12] =	ssyncset.done $0x0  }
0x10a: {  	[sflag:s12] =	ssyncadd.s32 $0xFFFFFFB0  }
0x10b: {  	_ =	sfence.sel $0x180000  }
0x10c: {  	[bflag:$0x0] =	sbarrier.arrive $0xFFFF  }
0x10d: {  	_ =	strace $0x9000004D  }
0x10e: {  	[bflag:$0x2] =	sbarrier.arrive $0xFFFF  }
0x10f: {  	s0 =	rddreg [dreg:$0x2]  }
0x110: {  	s0 =	sadd.s32 @!p0 $0x100000, s0  }
0x111: {  	[sflag:s0] =	ssyncadd.tile.s32 @!p0 $0x1;
	_ =	shalt  }
.Lfunc_end2:
_tile_overlayer_lowered:
.L_overlay_start_2:
0x112: {  	(tag) =	ssettag $0x2  }
0x113: {  	s0 =	rddreg [dreg:$0x0];
	s2 =	stileid.u32  }
0x114: {  	s1 =	rddreg [dreg:$0x1];
	p0 =	sne.s32 s2, $0x0  }
0x115: {  	s3 =	rddreg [dreg:$0x2];
	[bflag:$0x3] =	sbarrier.arrive $0xFFFF;
	s2 =	simm.s32 @!p0 $0x1C11  }
0x116: {  	[timem:s3], [sflag:s2] =	dma.local @!p0 [hbm:s0], s1  }
0x117: {  	s0 =	simm.s32 @!p0 $0x11  }
0x118: {  	_ =	swait.ge @!p0 [sflag:s0], s1  }
0x119: {  	s1 =	ssub.s32 @!p0 $0x0, s1;
	[sflag:s0] =	ssyncset.done @!p0 $0x0  }
0x11a: {  	[sflag:s0] =	ssyncadd.s32 @!p0 s1  }
0x11b: {  	[bflag:$0x3] =	sbarrier.arrive $0xFFFF  }
0x11c: {  	_ =	shalt  }

// kernel: kernel.8.cloned.1.call-start
scs
__scs_entry_jumppad:
0x0: {  	(pc) =	sbr.rel $0x88, $3  }
0x1: {  	(tag) =	ssettag $0x0;
	lr =	simm.s32 $0x1  }
0x2: {  	[smem:$0x3F9B] =	sst lr;
	_ =	strace $0xD0000000  }
0x3: {  	_ = 	snop  }
0x4: {  	_ = 	snop  }
0x5: {  	_ = 	snop  }
0x6: {  	_ = 	snop  }
0x7: {  	_ = 	snop  }
__scs_overlays_trampoline_lowered:
0x8: {  	[smem:$0x3FAA] =	sst s0  }
0x9: {  	[smem:$0x3FAB] =	sst s1  }
0xa: {  	[smem:$0x3FAC] =	sst s2  }
0xb: {  	[smem:$0x3FAD] =	sst s3  }
0xc: {  	[smem:$0x3FAE] =	sst s4  }
0xd: {  	[smem:$0x3FAF] =	sst s5  }
0xe: {  	[smem:$0x3FB0] =	sst s6  }
0xf: {  	[smem:$0x3FB1] =	sst s7  }
0x10: {  	[smem:$0x3FB2] =	sst s8  }
0x11: {  	[smem:$0x3FB3] =	sst s9;
	s0 =	simm.s32 @!p0 $0x0  }
0x12: {  	s1 =	sld [smem:$0x3F99];
	s0 =	simm.s32 @p0 $0x1  }
0x13: {  	[smem:$0x3FB4] =	sst s0;
	s0 =	simm.s32 @!p1 $0x0  }
0x14: {  	s2 =	sld [smem:$0x3F98];
	s0 =	simm.s32 @p1 $0x1  }
0x15: {  	[smem:$0x3FB5] =	sst s0;
	s0 =	simm.s32 @!p2 $0x0  }
0x16: {  	s3 =	sld [smem:$0x3FDB];
	s0 =	simm.s32 @p2 $0x1  }
0x17: {  	s4 =	simm.s32 $0x1BF5;
	[smem:$0x3FB7] =	sst s0  }
0x18: {  	s0 =	sld [smem:$0x3F9A];
	_ =	swait.ge [sflag:s4], $0x0  }
0x19: {  	s7 =	sld [smem:$0x3F9B]  }
0x1a: {  	s8 =	sadd.s32 $0xFFFFE003, lr  }
0x1b: {  	s9 =	sadd.s32 $0xFFFFFEF7, lr;
	s5 =	simm.s32 $0xFFFFFFFF;
	p2 =	slt.u32 s8, $0xFFFFF086  }
0x1c: {  	p1 =	slt.u32 s9, $0xF7A;
	s5 =	simm.s32 @!p2 $0x0  }
0x1d: {  	s5 =	simm.s32 @p1 $0x1;
	p0 =	seq.s32 s7, s2  }
0x1e: {  	s7 =	smul.u32 @!p0 $0xF7A, s2;
	p2 =	seq.s32 @!p0 s5, $0x0  }
0x1f: {  	s9 =	smul.u32 $0xF7A, s1;
	s8 =	simm.s32 @!p0 $0x1BF5;
	p2 =	por !p2, p0  }
0x20: {  	[sflag:s8] =	ssyncset.s32 @!p0 $0xFFFFF086;
	s6 =	sadd.s32 @!p0 s3, s7;
	s7 =	simm.s32 @!p0 $0x108  }
0x21: {  	s3 =	sadd.s32 s3, s9;
	s6 =	sadd.s32 @!p0 $0x88, s6;
	s7 =	simm.s32 @p2 $0x1082  }
0x22: {  	[simem:s7], [sflag:s8] =	dma.local @!p0 [hbm:s6], $0xF7A  }
0x23: {  	s9 =	sor.u32 $0xD0000000, s2;
	s6 =	simm.s32 $0x108;
	_ =	swait.ge @!p0 [sflag:s8], $0x0  }
0x24: {  	s3 =	sadd.s32 $0x88, s3;
	s6 =	simm.s32 @!p1 $0x1082;
	[sflag:s4] =	ssyncset.s32 $0xFFFFF086  }
0x25: {  	[simem:s6], [sflag:s4] =	dma.local [hbm:s3], $0xF7A  }
0x26: {  	[smem:$0x3F9B] =	sst s1;
	(tag) =	ssettag s2;
	_ =	strace s9  }
0x27: {  	s1 =	sld [smem:$0x3FAB]  }
0x28: {  	s2 =	sld [smem:$0x3FAC]  }
0x29: {  	s4 =	sld [smem:$0x3FAE]  }
0x2a: {  	p0 =	seq.s32 s5, $0x0;
	s5 =	sld [smem:$0x3FAF]  }
0x2b: {  	s6 =	sld [smem:$0x3FB0]  }
0x2c: {  	s7 =	sld [smem:$0x3FB1]  }
0x2d: {  	s3 =	simm.s32 $0x108;
	s8 =	sld [smem:$0x3FB2]  }
0x2e: {  	s3 =	simm.s32 @!p0 $0x1082;
	s9 =	sld [smem:$0x3FB3]  }
0x2f: {  	lr =	sadd.s32 s0, s3;
	s0 =	sld [smem:$0x3FAA]  }
0x30: {  	s3 =	sld [smem:$0x3FAD]  }
0x31: {  	[smem:$0x3FB6] =	sst s10  }
0x32: {  	s10 =	sld [smem:$0x3FB4];
	_ =	sdelay $0x3  }
0x33: {  	p0 =	seq.s32 s10, $0x1;
	s10 =	sld [smem:$0x3FB6];
	_ =	sdelay $0x3  }
0x34: {  	[smem:$0x3FB6] =	sst s10  }
0x35: {  	s10 =	sld [smem:$0x3FB5];
	_ =	sdelay $0x3  }
0x36: {  	p1 =	seq.s32 s10, $0x1;
	s10 =	sld [smem:$0x3FB6];
	_ =	sdelay $0x3  }
0x37: {  	[smem:$0x3FB6] =	sst s10  }
0x38: {  	s10 =	sld [smem:$0x3FB7]  }
0x39: {  	_ = 	snop;
	(pc) =	sbr.ind lr, $3  }
0x3a: {  	_ = 	snop  }
0x3b: {  	_ = 	snop  }
0x3c: {  	p2 =	seq.s32 s10, $0x1;
	s10 =	sld [smem:$0x3FB6]  }
0x3d: {  	_ =	shalt  }
0x3e: {  	_ =	shalt  }
0x3f: {  	_ =	shalt  }
0x40: {  	_ =	shalt  }
0x41: {  	_ =	shalt  }
0x42: {  	_ =	shalt  }
0x43: {  	_ =	shalt  }
0x44: {  	_ =	shalt  }
0x45: {  	_ =	shalt  }
0x46: {  	_ =	shalt  }
0x47: {  	_ =	shalt  }
0x48: {  	_ =	shalt  }
0x49: {  	_ =	shalt  }
0x4a: {  	_ =	shalt  }
0x4b: {  	_ =	shalt  }
0x4c: {  	_ =	shalt  }
0x4d: {  	_ =	shalt  }
0x4e: {  	_ =	shalt  }
0x4f: {  	_ =	shalt  }
0x50: {  	_ =	shalt  }
0x51: {  	_ =	shalt  }
0x52: {  	_ =	shalt  }
0x53: {  	_ =	shalt  }
0x54: {  	_ =	shalt  }
0x55: {  	_ =	shalt  }
0x56: {  	_ =	shalt  }
0x57: {  	_ =	shalt  }
0x58: {  	_ =	shalt  }
0x59: {  	_ =	shalt  }
0x5a: {  	_ =	shalt  }
0x5b: {  	_ =	shalt  }
0x5c: {  	_ =	shalt  }
0x5d: {  	_ =	shalt  }
0x5e: {  	_ =	shalt  }
0x5f: {  	_ =	shalt  }
0x60: {  	_ =	shalt  }
0x61: {  	_ =	shalt  }
0x62: {  	_ =	shalt  }
0x63: {  	_ =	shalt  }
0x64: {  	_ =	shalt  }
0x65: {  	_ =	shalt  }
0x66: {  	_ =	shalt  }
0x67: {  	_ =	shalt  }
0x68: {  	_ =	shalt  }
0x69: {  	_ =	shalt  }
0x6a: {  	_ =	shalt  }
0x6b: {  	_ =	shalt  }
0x6c: {  	_ =	shalt  }
0x6d: {  	_ =	shalt  }
0x6e: {  	_ =	shalt  }
0x6f: {  	_ =	shalt  }
0x70: {  	_ =	shalt  }
0x71: {  	_ =	shalt  }
0x72: {  	_ =	shalt  }
0x73: {  	_ =	shalt  }
0x74: {  	_ =	shalt  }
0x75: {  	_ =	shalt  }
0x76: {  	_ =	shalt  }
0x77: {  	_ =	shalt  }
0x78: {  	_ =	shalt  }
0x79: {  	_ =	shalt  }
0x7a: {  	_ =	shalt  }
0x7b: {  	_ =	shalt  }
0x7c: {  	_ =	shalt  }
0x7d: {  	_ =	shalt  }
0x7e: {  	_ =	shalt  }
0x7f: {  	_ =	shalt  }
0x80: {  	_ =	shalt  }
0x81: {  	_ =	shalt  }
0x82: {  	_ =	shalt  }
0x83: {  	_ =	shalt  }
0x84: {  	_ =	shalt  }
0x85: {  	_ =	shalt  }
0x86: {  	_ =	shalt  }
0x87: {  	_ =	shalt  }
.Lfunc_end0:
.L_simem_size_0:
called_computation_lowered:
.L_overlay_start_0:
0x88: {  	s2 =	sld [smem:$0x3FD9]  }
0x89: {  	s3 =	sld [smem:$0x3FFE];
	_ =	sdelay $0x1  }
0x8a: {  	s1 =	srdreg.scid  }
0x8b: {  	s0 =	sand.u32 $0x1, s1  }
0x8c: {  	s16 =	sshll.u32 s0, $0xA;
	s2 =	sadd.s32 s3, s2  }
0x8d: {  	s2 =	sadd.s32 s2, s16  }
0x8e: {  	[smem:$0x3FC2] =	sst s2  }
0x8f: {  	_ = 	snop  }
0x90: {  	(tm) =	ssettm $0x1  }
0x91: {  	s17 =	sld [smem:$0x3FFB];
	_ =	sdelay $0x3  }
0x92: {  	_ =	strace s17  }
0x93: {  	s2 =	sld [smem:$0x3FFC];
	_ =	sdelay $0x3  }
0x94: {  	_ =	strace s2  }
0x95: {  	s2 =	sld [smem:$0x3FFD];
	_ =	sdelay $0x3  }
0x96: {  	_ =	strace s2  }
0x97: {  	_ =	strace $0x8FFFFFFF  }
0x98: {  	s18 =	sld [smem:$0x3FDB];
	_ =	sdelay $0x1  }
0x99: {  	s19 =	simm.s32 $_scs_section_size  }
0x9a: {  	s4 =	simm.s32 $_size__tile_overlayer_lowered;
	s5 =	simm.s32 $_tile_overlayer_lowered  }
0x9b: {  	s22 =	simm.s32 $0x1BFF;
	s21 =	sshll.u32 s5, $0x1;
	s2 =	sadd.s32 s19, s18  }
0x9c: {  	s6 =	simm.s32 $0x0;
	s20 =	sshll.u32 s4, $0x1;
	s4 =	sadd.s32 s21, s2  }
0x9d: {  	[timem:s6], [sflag:s22] =	dma.local [hbm:s4], s20  }
0x9e: {  	_ =	swait.ge [sflag:s22], s20  }
0x9f: {  	s3 =	ssub.s32 $0x0, s20;
	[sflag:s22] =	ssyncset.done $0x0  }
0xa0: {  	[sflag:s22] =	ssyncadd.s32 s3;
	_ =	sdelay $0x1  }
0xa1: {  	s23 =	simm.s32 $0x1B8B  }
0xa2: {  	_ =	swait.ge [sflag:s23], $0x1  }
0xa3: {  	[sflag:s23] =	ssyncset.done $0x0  }
0xa4: {  	s25 =	simm.s32 $0x1B8E;
	s24 =	sld [smem:$0x3FFE];
	[sflag:s23] =	ssyncadd.s32 $0xFFFFFFFF  }
0xa5: {  	s26 =	simm.s32 $execute0_lowered;
	[smem:$0x3FD2] =	sst s25  }
0xa6: {  	s4 =	sshll.u32 s26, $0x1;
	_ =	strace $0x80000046;
	[dreg:$0x1] =	wrdreg $0xFFFFFFFF  }
0xa7: {  	s28 =	simm.s32 $_size_execute0_lowered;
	s2 =	sadd.s32 s2, s4;
	[dreg:$0x0] =	wrdreg $0x0  }
0xa8: {  	s4 =	sshll.u32 s28, $0x1;
	[dreg:$0x2] =	wrdreg s2  }
0xa9: {  	[dreg:$0x3] =	wrdreg s4  }
0xaa: {  	[dreg:$0x4] =	wrdreg $0xC0  }
0xab: {  	_ =	task [dreg:s6], $0x5FFFF  }
0xac: {  	[dreg:$0x1] =	wrdreg $0xFFFFFFFF  }
0xad: {  	[dreg:$0x0] =	wrdreg $0x60  }
0xae: {  	[dreg:$0x2] =	wrdreg s24  }
0xaf: {  	[dreg:$0x3] =	wrdreg $0x28800  }
0xb0: {  	[dreg:$0x4] =	wrdreg $0x9  }
0xb1: {  	_ =	task.clear_ibuf [dreg:s6], $0x5FFFF;
	_ =	strace $0x90000046  }
0xb2: {  	s29 =	simm.s32 $0x9;
	_ =	strace $0x80000048  }
0xb3: {  	_ =	swait.ge [sflag:s29], $0x1  }
0xb4: {  	[sflag:s29] =	ssyncadd.s32 $0xFFFFFFFF  }
0xb5: {  	_ =	strace $0x90000048  }
0xb6: {  	_ =	sfence  }
0xb7: {  	s30 =	sld [smem:$0x0];
	_ =	sdelay $0x2  }
0xb8: {  	s31 =	sshll.u32 s1, $0xD;
	s1 =	sshrl.u32 s1, $0x2  }
0xb9: {  	s3 =	sand.u32 $0x4000, s31;
	s1 =	sadd.s32 s1, s30  }
0xba: {  	s0 =	sor.u32 s3, s0;
	s1 =	sshll.u32 s1, $0x11  }
0xbb: {  	s0 =	sor.u32 s1, s0  }
0xbc: {  	s0 =	sadd.s32 $0x8F2B, s0  }
0xbd: {  	[sflag:s0] =	ssyncadd.remote.s32 $0x1  }
0xbe: {  	_ =	sfence.sel $0xFFFF  }
0xbf: {  	[dreg:$0x0] =	wrdreg $0xFFFFFFFF;
	(pc) =	sbr.abs _section_cstart, $3  }
0xc0: {  	[dreg:$0x1] =	wrdreg $0xFFFFFFFF  }
0xc1: {  	_ =	task.clear_ibuf [dreg:s6], $0x2FFFF;
	_ =	strace $0x9FFFFFFF  }
0xc2: {  	(tm) =	ssettm $0x7FFFFFFF  }
0xc3: {  	_ =	shalt  }
tec
execute0_lowered:
.L_overlay_start_1:
0x0: {  	(tag) =	ssettag $0x1  }
0x1: {  	s0 =	srdreg.scid  }
0x2: {  	s4 =	rddreg [dreg:$0x0];
	s10 =	stileid.u32  }
0x3: {  	s1 =	rddreg [dreg:$0x1];
	s2 =	simm.s32 $0x0;
	s13 =	simm.s32 $0x20  }
0x4: {  	s14 =	simm.s32 $0x10;
	s15 =	simm.s32 $0x0;
	s6 =	smul.u32 $0x500, s10  }
0x5: {  	s3 =	sand.u32 $0x1, s0;
	[smem:$0x7FF] =	sst s2;
	s8 =	smul.u32 $0xA00, s10  }
0x6: {  	p0 =	sne.s32 s10, $0x0;
	s11 =	sshll.u32 s10, $0x6;
	s0 =	sshll.u32 s3, $0x4  }
0x7: {  	s7 =	sshll.u32 s3, $0x7;
	s31 =	ssub.s32 $0x2, s3;
	s3 =	sadd.s32 $0xC200, s4  }
0x8: {  	s11 =	sor.u32 $0x1C01, s11;
	s5 =	sor.u32 s10, s0;
	s0 =	rddreg [dreg:$0x2]  }
0x9: {  	_ =	strace $0x80000047;
	s6 =	sor.u32 s7, s6;
	s9 =	sshrl.u32 s31, $0x1  }
0xa: {  	s8 =	sshrl.u32 s8, $0x2;
	s10 =	simm.s32 $0x2800;
	s5 =	smul.u32 $0x500, s5  }
0xb: {  	s6 =	sshrl.u32 s6, $0x3;
	s7 =	ssub.s32 s31, s9;
	s12 =	sadd.s32 s8, s1  }
0xc: {  	s8 =	sshrl.u32 @!p0 s1, $0x3;
	s9 =	simm.s32 $0x80;
	s5 =	sadd.s32 s5, s4  }
0xd: {  	s6 =	sadd.s32 s6, s4;
	s12 =	sshrl.u32 s12, $0x3;
	s4 =	sadd.s32 $0x2200, s5  }
0xe: {  	v0 =	vimm.f32 $1.000000000e+00;
	s5 =	sadd.s32 $0xC800, s6;
	s6 =	smax.u32 s7, $0x1;
	s7 =	simm.s32 $0x1  }
.LBB2_1:
0xf: {  	[tilespmem:$0x2800] =	vst v0  }
0x10: {  	[tilespmem:$0x2810] =	vst v0  }
0x11: {  	[tilespmem:$0x2820] =	vst v0  }
0x12: {  	[tilespmem:$0x2830] =	vst v0  }
0x13: {  	[tilespmem:$0x2840] =	vst v0  }
0x14: {  	[tilespmem:$0x2850] =	vst v0  }
0x15: {  	[tilespmem:$0x2860] =	vst v0  }
0x16: {  	[tilespmem:$0x2870] =	vst v0  }
0x17: {  	[tilespmem:s2], [sflag:$0x1] =	stream.linear.gather [hbm4b:s4+s2], $0x2800, $0x38;
	[tilespmem:$0x2B00] =	vst v63  }
0x18: {  	_ =	swait.ge [sflag:s7], $0x2800  }
0x19: {  	[sflag:s7] =	ssyncset.done $0x0  }
0x1a: {  	s16 =	simm.s32 @!p0 $0x1C01;
	[sflag:s7] =	ssyncadd.s32 $0xFFFFD800  }
0x1b: {  	[spmem:s8], [sflag:s16] =	dma.local @!p0 [hbm:s3], $0x500  }
0x1c: {  	s16 =	simm.s32 @!p0 $0x1  }
0x1d: {  	_ =	swait.ge @!p0 [sflag:s16], $0x500  }
0x1e: {  	[sflag:s16] =	ssyncset.done @!p0 $0x0  }
0x1f: {  	[sflag:s16] =	ssyncadd.s32 @!p0 $0xFFFFFB00  }
0x20: {  	s31 =	simm.s32 $0x0;
	[bflag:$0x0] =	sbarrier.arrive $0xFFFF  }
0x21: {  	[spmem:s1] =	stream.indirect.scatter.add.f32 [tilespmem:s10], [sflag:$0x1], $0x1, s31, s9, $0xb8;
	[tilespmem:$0x2B00] =	vst v63  }
0x22: {  	_ =	swait.ge [sflag:s7], $0x80  }
0x23: {  	s16 =	simm.s32 $0x200;
	[sflag:s7] =	ssyncset.done $0x0  }
.LBB2_2:
0x24: {  	s17 =	sshra.s32 s16, $0x2;
	[sflag:s7] =	ssyncadd.s32 $0xFFFFFF80;
	p1 =	sne.s32 s16, $0x9E00  }
0x25: {  	[spmem:s1] =	stream.indirect.scatter.add.f32 [tilespmem:s10], [sflag:$0x1], $0x1, s17, s9, $0xb8;
	[tilespmem:$0x2B00] =	vst v63  }
.Ltmp0:
0x26: {  	_ = 	snop;
	(pc) =	sbr.rel @p1 .LBB2_2-.Ltmp0, $4  }
0x27: {  	_ = 	snop  }
0x28: {  	s16 =	sadd.s32 $0x200, s16  }
0x29: {  	_ =	swait.ge [sflag:s7], $0x80  }
0x2a: {  	[sflag:s7] =	ssyncset.done $0x0  }
0x2b: {  	s15 =	sadd.s32 $0x1, s15  }
0x2c: {  	[sflag:s7] =	ssyncadd.s32 $0xFFFFFF80;
	p1 =	sne.s32 s15, s6  }
.Ltmp1:
0x2d: {  	[bflag:$0x0] =	sbarrier.arrive $0xFFFF;
	(pc) =	sbr.rel @p1 .LBB2_1-.Ltmp1, $4  }
0x2e: {  	[hbm:s5@s13], [sflag:s11] =	dma.strided [spmem:s12@s14], $0x50, s7, $0x10   }
0x2f: {  	_ =	swait.ge [sflag:s7], $0x50  }
0x30: {  	[sflag:s7] =	ssyncset.done $0x0  }
0x31: {  	[sflag:s7] =	ssyncadd.s32 $0xFFFFFFB0  }
0x32: {  	_ =	sfence.sel $0x180000  }
0x33: {  	[bflag:$0x0] =	sbarrier.arrive $0xFFFF  }
0x34: {  	_ =	strace $0x90000047  }
0x35: {  	s0 =	sadd.s32 @!p0 $0x100000, s0;
	[bflag:$0x2] =	sbarrier.arrive $0xFFFF  }
0x36: {  	[sflag:s0] =	ssyncadd.tile.s32 @!p0 $0x1;
	_ =	shalt  }
.Lfunc_end2:
_tile_overlayer_lowered:
.L_overlay_start_2:
0x37: {  	(tag) =	ssettag $0x2  }
0x38: {  	s0 =	rddreg [dreg:$0x0];
	s2 =	stileid.u32  }
0x39: {  	s1 =	rddreg [dreg:$0x1];
	p0 =	sne.s32 s2, $0x0  }
0x3a: {  	s3 =	rddreg [dreg:$0x2];
	[bflag:$0x3] =	sbarrier.arrive $0xFFFF;
	s2 =	simm.s32 @!p0 $0x1C01  }
0x3b: {  	[timem:s3], [sflag:s2] =	dma.local @!p0 [hbm:s0], s1  }
0x3c: {  	s0 =	simm.s32 @!p0 $0x1  }
0x3d: {  	_ =	swait.ge @!p0 [sflag:s0], s1  }
0x3e: {  	s1 =	ssub.s32 @!p0 $0x0, s1;
	[sflag:s0] =	ssyncset.done @!p0 $0x0  }
0x3f: {  	[sflag:s0] =	ssyncadd.s32 @!p0 s1  }
0x40: {  	[bflag:$0x3] =	sbarrier.arrive $0xFFFF  }
0x41: {  	_ =	shalt  }

</sc_bundles>
